<compile_context>
chip_gen: v7x
topology: tpu7x:2x2x1
jax: 0.10.2.dev20260603
libtpu: 0.0.44.dev20260713+nightly
codegen_flags: <defaults>
</compile_context>

<pallas_src>
import functools

import jax
import jax.numpy as jnp
from jax import lax
from jax.experimental import pallas as pl
from jax.experimental.pallas import tpu as pltpu
from jax.experimental.pallas import tpu_sc as plsc

E = 50000
N_LABELS = 16
OUT = 64

NC = 2
NS = 16
NW = NC * NS
L = 16

PER_W = ((E + NW - 1) // NW + L - 1) // L * L
E_PAD = NW * PER_W
GROUPS = PER_W // L


def _rowsum_body(w_ref, s_ref):
    s_ref[...] = jnp.sum(w_ref[...], axis=-1)


def _rowsum(W):
    return pl.pallas_call(
        _rowsum_body,
        out_shape=jax.ShapeDtypeStruct((N_LABELS, OUT), jnp.float32),
    )(W)


@functools.partial(
    pl.kernel,
    out_type=jax.ShapeDtypeStruct((E_PAD * OUT,), jnp.float32),
    mesh=plsc.VectorSubcoreMesh(core_axis_name="c", subcore_axis_name="s"),
    compiler_params=pltpu.CompilerParams(needs_layout_passes=False),
    scratch_types=[
        pltpu.VMEM((PER_W,), jnp.int32),
        pltpu.VMEM((PER_W,), jnp.float32),
        pltpu.VMEM((N_LABELS * OUT,), jnp.float32),
        pltpu.VMEM((PER_W * OUT,), jnp.float32),
    ],
)
def _sc_lookup(e_hbm, hw_hbm, s_hbm, out_hbm, e_v, hw_v, s_v, out_v):
    wid = lax.axis_index("s") * NC + lax.axis_index("c")
    base = wid * PER_W
    pltpu.sync_copy(e_hbm.at[pl.ds(base, PER_W)], e_v)
    pltpu.sync_copy(hw_hbm.at[pl.ds(base, PER_W)], hw_v)
    pltpu.sync_copy(s_hbm, s_v)

    lane = lax.iota(jnp.int32, L)

    @plsc.parallel_loop(0, GROUPS, unroll=2)
    def _group(g):
        e16 = e_v[pl.ds(g * L, L)]
        lblbase = jnp.maximum(e16 - 1, 0) * OUT
        hw16 = hw_v[pl.ds(g * L, L)]
        rowbase = (g * L + lane) * OUT
        for c in range(OUT):
            vals = plsc.load_gather(s_v, [lblbase + c])
            plsc.store_scatter(out_v, [rowbase + c], vals * hw16)
    pltpu.sync_copy(out_v, out_hbm.at[pl.ds(base * OUT, PER_W * OUT)])


def kernel(h_v, h_w, e_vw, W):
    del h_v
    S = _rowsum(W)
    e_flat = jnp.reshape(e_vw, (-1,)).astype(jnp.int32)
    hw_flat = jnp.reshape(h_w, (-1,)).astype(jnp.float32)
    pad = E_PAD - e_flat.shape[0]
    e_flat = jnp.pad(e_flat, (0, pad))
    hw_flat = jnp.pad(hw_flat, (0, pad))
    out = _sc_lookup(e_flat, hw_flat, jnp.reshape(S, (-1,)))
    return jnp.reshape(out, (E_PAD, OUT))[:E]

# --- scband reference (transcript-rebuilt; emitter-appended) ---
"""Pipeline reference for scband-ggnn-8289286881703 (READ-ONLY COPY).

The authoritative reference and input builder live on the scoring server;
editing this copy changes nothing except your own understanding.
"""

import jax, jax.numpy as jnp
import numpy as np

E_LABELS = 16
IN = 64
OUT = 64
E = 50000

def setup_inputs(seed: int = 0) -> dict:
    key = jax.random.key(seed)
    k1, k2, k3, k4 = jax.random.split(key, 4)
    h_v = jax.random.normal(k1, (E, IN), dtype=jnp.float32)
    h_w = jax.random.normal(k2, (E, 1), dtype=jnp.float32)
    e_vw = jax.random.randint(k3, (E, 1), 0, E_LABELS, dtype=jnp.int32)
    # learned parameter: per-edge-label weight matrices [n_labels, out, in]
    W = jax.random.normal(k4, (E_LABELS, OUT, IN), dtype=jnp.float32)
    return {"h_v": h_v, "h_w": h_w, "e_vw": e_vw, "W": W}

def reference(h_v, h_w, e_vw, W):
    # e_vw = e_vw - 1; e_vw[e_vw == -1] = 0; squeeze().long()
    e = e_vw - 1
    e = jnp.where(e == -1, 0, e)
    e = jnp.squeeze(e).astype(jnp.int32)
    # edge_output = torch.index_select(learn_args[0], 0, e_vw) -> [E, OUT, IN]
    edge_output = jnp.take(W, e, axis=0)
    # h_w_rows = h_w[..., None].expand(h_w.size(0), h_v.size(1), h_w.size(1)).contiguous().view(-1, in)
    h_w_rows = jnp.broadcast_to(h_w[..., None], (h_w.shape[0], h_v.shape[1], h_w.shape[1]))
    h_w_rows = jnp.reshape(h_w_rows, (-1, h_v.shape[1]))  # [E, IN]
    # h_multiply = torch.bmm(edge_output, h_w_rows.unsqueeze(2)); m_new = squeeze -> [E, OUT]
    m_new = jnp.einsum('eoi,ei->eo', edge_output, h_w_rows)
    return m_new

if __name__ == "__main__":
    import jax
    _d = setup_inputs()
    print(jax.jit(kernel)(*tuple(_d.values())))

</pallas_src>

<mosaic_0001>
#map = affine_map<(d0, d1) -> (0)>
module attributes {stable_mosaic.version = 14 : i64} {
  func.func @_sc_lookup(%arg0: i32, %arg1: i32, %arg2: memref<50176xi32, #tpu.memory_space<hbm>>, %arg3: memref<50176xf32, #tpu.memory_space<hbm>>, %arg4: memref<1024xf32, #tpu.memory_space<hbm>>, %arg5: memref<3211264xf32, #tpu.memory_space<hbm>>, %arg6: memref<1568xi32, #tpu.memory_space<vmem>>, %arg7: memref<1568xf32, #tpu.memory_space<vmem>>, %arg8: memref<1024xf32, #tpu.memory_space<vmem>>, %arg9: memref<100352xf32, #tpu.memory_space<vmem>>) attributes {dimension_semantics = [#tpu.dimension_semantics<core_parallel>, #tpu.dimension_semantics<subcore_parallel>], iteration_bounds = array<i64: 2, 16>, scalar_prefetch = 0 : i64, scratch_operands = 4 : i64, tpu.core_type = #tpu.core_type<sc_vector_subcore>, window_params = [{transform_indices = #map}, {transform_indices = #map}, {transform_indices = #map}, {transform_indices = #map}]} {
    %mul3A = arith.constant 2 : i32
    %mul3A_0 = arith.muli %arg1, %mul3A : i32
    %add3A = arith.addi %mul3A_0, %arg0 : i32
    %mul3A_1 = arith.constant 1568 : i32
    %mul3A_2 = arith.muli %add3A, %mul3A_1 : i32
    "tpu.region"() ({
      %run_scoped3A = tpu.sem_alloc : memref<!tpu.dma_semaphore, #tpu.memory_space<semaphore_mem>>
      %dma_start3A = tpu.memref_slice %arg2[%mul3A_2] : memref<50176xi32, #tpu.memory_space<hbm>> -> memref<1568xi32, #tpu.memory_space<hbm>>
      %dma_start3A_7 = tpu.memref_slice %arg2[%mul3A_2] : memref<50176xi32, #tpu.memory_space<hbm>> -> memref<1568xi32, #tpu.memory_space<hbm>>
      tpu.enqueue_dma source(%dma_start3A_7 : memref<1568xi32, #tpu.memory_space<hbm>>) target(%arg6 : memref<1568xi32, #tpu.memory_space<vmem>>) target_semaphore(%run_scoped3A : memref<!tpu.dma_semaphore, #tpu.memory_space<semaphore_mem>>)
      %dma_wait3A = tpu.memref_slice %arg2[%mul3A_2] : memref<50176xi32, #tpu.memory_space<hbm>> -> memref<1568xi32, #tpu.memory_space<hbm>>
      %dma_wait3A_8 = tpu.memref_slice %arg2[%mul3A_2] : memref<50176xi32, #tpu.memory_space<hbm>> -> memref<1568xi32, #tpu.memory_space<hbm>>
      tpu.wait_dma2 semaphore(%run_scoped3A : memref<!tpu.dma_semaphore, #tpu.memory_space<semaphore_mem>>) src(%dma_wait3A_8 : memref<1568xi32, #tpu.memory_space<hbm>>) dst(%arg6 : memref<1568xi32, #tpu.memory_space<vmem>>)
      tpu.yield
    }) : () -> ()
    "tpu.region"() ({
      %run_scoped3A = tpu.sem_alloc : memref<!tpu.dma_semaphore, #tpu.memory_space<semaphore_mem>>
      %dma_start3A = tpu.memref_slice %arg3[%mul3A_2] : memref<50176xf32, #tpu.memory_space<hbm>> -> memref<1568xf32, #tpu.memory_space<hbm>>
      %dma_start3A_7 = tpu.memref_slice %arg3[%mul3A_2] : memref<50176xf32, #tpu.memory_space<hbm>> -> memref<1568xf32, #tpu.memory_space<hbm>>
      tpu.enqueue_dma source(%dma_start3A_7 : memref<1568xf32, #tpu.memory_space<hbm>>) target(%arg7 : memref<1568xf32, #tpu.memory_space<vmem>>) target_semaphore(%run_scoped3A : memref<!tpu.dma_semaphore, #tpu.memory_space<semaphore_mem>>)
      %dma_wait3A = tpu.memref_slice %arg3[%mul3A_2] : memref<50176xf32, #tpu.memory_space<hbm>> -> memref<1568xf32, #tpu.memory_space<hbm>>
      %dma_wait3A_8 = tpu.memref_slice %arg3[%mul3A_2] : memref<50176xf32, #tpu.memory_space<hbm>> -> memref<1568xf32, #tpu.memory_space<hbm>>
      tpu.wait_dma2 semaphore(%run_scoped3A : memref<!tpu.dma_semaphore, #tpu.memory_space<semaphore_mem>>) src(%dma_wait3A_8 : memref<1568xf32, #tpu.memory_space<hbm>>) dst(%arg7 : memref<1568xf32, #tpu.memory_space<vmem>>)
      tpu.yield
    }) : () -> ()
    "tpu.region"() ({
      %run_scoped3A = tpu.sem_alloc : memref<!tpu.dma_semaphore, #tpu.memory_space<semaphore_mem>>
      tpu.enqueue_dma source(%arg4 : memref<1024xf32, #tpu.memory_space<hbm>>) target(%arg8 : memref<1024xf32, #tpu.memory_space<vmem>>) target_semaphore(%run_scoped3A : memref<!tpu.dma_semaphore, #tpu.memory_space<semaphore_mem>>)
      tpu.wait_dma2 semaphore(%run_scoped3A : memref<!tpu.dma_semaphore, #tpu.memory_space<semaphore_mem>>) src(%arg4 : memref<1024xf32, #tpu.memory_space<hbm>>) dst(%arg8 : memref<1024xf32, #tpu.memory_space<vmem>>)
      tpu.yield
    }) : () -> ()
    %iota3A = tpu.iota {dimensions = array<i32: 0>} : vector<16xi32>
    %parallel_loop3A = arith.constant 0 : i32
    %parallel_loop3A_3 = arith.constant 98 : i32
    %parallel_loop3A_4 = arith.constant 1 : i32
    scf.for %parallel_loop3A_7 = %parallel_loop3A to %parallel_loop3A_3 step %parallel_loop3A_4  : i32 {
      %parallel_loop3A_8 = arith.constant 16 : i32
      %parallel_loop3A_9 = arith.muli %parallel_loop3A_7, %parallel_loop3A_8 : i32
      %parallel_loop3A_10 = arith.index_cast %parallel_loop3A_9 : i32 to index
      %parallel_loop3A_11 = tpu.vector_load %arg6[%parallel_loop3A_10] {strides = array<i32>} : memref<1568xi32, #tpu.memory_space<vmem>>, vector<16xi32>,
      %parallel_loop3A_12 = arith.constant 1 : i32
      %parallel_loop3A_13 = vector.broadcast %parallel_loop3A_12 : i32 to vector<16xi32>
      %parallel_loop3A_14 = arith.subi %parallel_loop3A_11, %parallel_loop3A_13 : vector<16xi32>
      %parallel_loop3A_15 = arith.constant 0 : i32
      %parallel_loop3A_16 = vector.broadcast %parallel_loop3A_15 : i32 to vector<16xi32>
      %parallel_loop3A_17 = arith.maxsi %parallel_loop3A_14, %parallel_loop3A_16 : vector<16xi32>
      %parallel_loop3A_18 = arith.constant 64 : i32
      %parallel_loop3A_19 = vector.broadcast %parallel_loop3A_18 : i32 to vector<16xi32>
      %parallel_loop3A_20 = arith.muli %parallel_loop3A_17, %parallel_loop3A_19 : vector<16xi32>
      %parallel_loop3A_21 = arith.constant 16 : i32
      %parallel_loop3A_22 = arith.muli %parallel_loop3A_7, %parallel_loop3A_21 : i32
      %parallel_loop3A_23 = arith.index_cast %parallel_loop3A_22 : i32 to index
      %parallel_loop3A_24 = tpu.vector_load %arg7[%parallel_loop3A_23] {strides = array<i32>} : memref<1568xf32, #tpu.memory_space<vmem>>, vector<16xf32>,
      %parallel_loop3A_25 = arith.constant 16 : i32
      %parallel_loop3A_26 = arith.muli %parallel_loop3A_7, %parallel_loop3A_25 : i32
      %parallel_loop3A_27 = vector.broadcast %parallel_loop3A_26 : i32 to vector<16xi32>
      %parallel_loop3A_28 = arith.addi %parallel_loop3A_27, %iota3A : vector<16xi32>
      %parallel_loop3A_29 = arith.constant 64 : i32
      %parallel_loop3A_30 = vector.broadcast %parallel_loop3A_29 : i32 to vector<16xi32>
      %parallel_loop3A_31 = arith.muli %parallel_loop3A_28, %parallel_loop3A_30 : vector<16xi32>
      %parallel_loop3A_32 = arith.constant 0 : i32
      %parallel_loop3A_33 = vector.broadcast %parallel_loop3A_32 : i32 to vector<16xi32>
      %parallel_loop3A_34 = arith.addi %parallel_loop3A_20, %parallel_loop3A_33 : vector<16xi32>
      %parallel_loop3A_35 = tpu.vector_load_idx %arg8[%parallel_loop3A_34] : memref<1024xf32, #tpu.memory_space<vmem>>[vector<16xi32>], vector<16xf32>,
      %parallel_loop3A_36 = arith.constant 0 : i32
      %parallel_loop3A_37 = vector.broadcast %parallel_loop3A_36 : i32 to vector<16xi32>
      %parallel_loop3A_38 = arith.addi %parallel_loop3A_31, %parallel_loop3A_37 : vector<16xi32>
      %parallel_loop3A_39 = arith.mulf %parallel_loop3A_35, %parallel_loop3A_24 : vector<16xf32>
      tpu.vector_store_idx %arg9[%parallel_loop3A_38], %parallel_loop3A_39 : memref<100352xf32, #tpu.memory_space<vmem>>[vector<16xi32>], vector<16xf32>,
      %parallel_loop3A_40 = arith.constant 1 : i32
      %parallel_loop3A_41 = vector.broadcast %parallel_loop3A_40 : i32 to vector<16xi32>
      %parallel_loop3A_42 = arith.addi %parallel_loop3A_20, %parallel_loop3A_41 : vector<16xi32>
      %parallel_loop3A_43 = tpu.vector_load_idx %arg8[%parallel_loop3A_42] : memref<1024xf32, #tpu.memory_space<vmem>>[vector<16xi32>], vector<16xf32>,
      %parallel_loop3A_44 = arith.constant 1 : i32
      %parallel_loop3A_45 = vector.broadcast %parallel_loop3A_44 : i32 to vector<16xi32>
      %parallel_loop3A_46 = arith.addi %parallel_loop3A_31, %parallel_loop3A_45 : vector<16xi32>
      %parallel_loop3A_47 = arith.mulf %parallel_loop3A_43, %parallel_loop3A_24 : vector<16xf32>
      tpu.vector_store_idx %arg9[%parallel_loop3A_46], %parallel_loop3A_47 : memref<100352xf32, #tpu.memory_space<vmem>>[vector<16xi32>], vector<16xf32>,
      %parallel_loop3A_48 = arith.constant 2 : i32
      %parallel_loop3A_49 = vector.broadcast %parallel_loop3A_48 : i32 to vector<16xi32>
      %parallel_loop3A_50 = arith.addi %parallel_loop3A_20, %parallel_loop3A_49 : vector<16xi32>
      %parallel_loop3A_51 = tpu.vector_load_idx %arg8[%parallel_loop3A_50] : memref<1024xf32, #tpu.memory_space<vmem>>[vector<16xi32>], vector<16xf32>,
      %parallel_loop3A_52 = arith.constant 2 : i32
      %parallel_loop3A_53 = vector.broadcast %parallel_loop3A_52 : i32 to vector<16xi32>
      %parallel_loop3A_54 = arith.addi %parallel_loop3A_31, %parallel_loop3A_53 : vector<16xi32>
      %parallel_loop3A_55 = arith.mulf %parallel_loop3A_51, %parallel_loop3A_24 : vector<16xf32>
      tpu.vector_store_idx %arg9[%parallel_loop3A_54], %parallel_loop3A_55 : memref<100352xf32, #tpu.memory_space<vmem>>[vector<16xi32>], vector<16xf32>,
      %parallel_loop3A_56 = arith.constant 3 : i32
      %parallel_loop3A_57 = vector.broadcast %parallel_loop3A_56 : i32 to vector<16xi32>
      %parallel_loop3A_58 = arith.addi %parallel_loop3A_20, %parallel_loop3A_57 : vector<16xi32>
      %parallel_loop3A_59 = tpu.vector_load_idx %arg8[%parallel_loop3A_58] : memref<1024xf32, #tpu.memory_space<vmem>>[vector<16xi32>], vector<16xf32>,
      %parallel_loop3A_60 = arith.constant 3 : i32
      %parallel_loop3A_61 = vector.broadcast %parallel_loop3A_60 : i32 to vector<16xi32>
      %parallel_loop3A_62 = arith.addi %parallel_loop3A_31, %parallel_loop3A_61 : vector<16xi32>
      %parallel_loop3A_63 = arith.mulf %parallel_loop3A_59, %parallel_loop3A_24 : vector<16xf32>
      tpu.vector_store_idx %arg9[%parallel_loop3A_62], %parallel_loop3A_63 : memref<100352xf32, #tpu.memory_space<vmem>>[vector<16xi32>], vector<16xf32>,
      %parallel_loop3A_64 = arith.constant 4 : i32
      %parallel_loop3A_65 = vector.broadcast %parallel_loop3A_64 : i32 to vector<16xi32>
      %parallel_loop3A_66 = arith.addi %parallel_loop3A_20, %parallel_loop3A_65 : vector<16xi32>
      %parallel_loop3A_67 = tpu.vector_load_idx %arg8[%parallel_loop3A_66] : memref<1024xf32, #tpu.memory_space<vmem>>[vector<16xi32>], vector<16xf32>,
      %parallel_loop3A_68 = arith.constant 4 : i32
      %parallel_loop3A_69 = vector.broadcast %parallel_loop3A_68 : i32 to vector<16xi32>
      %parallel_loop3A_70 = arith.addi %parallel_loop3A_31, %parallel_loop3A_69 : vector<16xi32>
      %parallel_loop3A_71 = arith.mulf %parallel_loop3A_67, %parallel_loop3A_24 : vector<16xf32>
      tpu.vector_store_idx %arg9[%parallel_loop3A_70], %parallel_loop3A_71 : memref<100352xf32, #tpu.memory_space<vmem>>[vector<16xi32>], vector<16xf32>,
      %parallel_loop3A_72 = arith.constant 5 : i32
      %parallel_loop3A_73 = vector.broadcast %parallel_loop3A_72 : i32 to vector<16xi32>
      %parallel_loop3A_74 = arith.addi %parallel_loop3A_20, %parallel_loop3A_73 : vector<16xi32>
      %parallel_loop3A_75 = tpu.vector_load_idx %arg8[%parallel_loop3A_74] : memref<1024xf32, #tpu.memory_space<vmem>>[vector<16xi32>], vector<16xf32>,
      %parallel_loop3A_76 = arith.constant 5 : i32
      %parallel_loop3A_77 = vector.broadcast %parallel_loop3A_76 : i32 to vector<16xi32>
      %parallel_loop3A_78 = arith.addi %parallel_loop3A_31, %parallel_loop3A_77 : vector<16xi32>
      %parallel_loop3A_79 = arith.mulf %parallel_loop3A_75, %parallel_loop3A_24 : vector<16xf32>
      tpu.vector_store_idx %arg9[%parallel_loop3A_78], %parallel_loop3A_79 : memref<100352xf32, #tpu.memory_space<vmem>>[vector<16xi32>], vector<16xf32>,
      %parallel_loop3A_80 = arith.constant 6 : i32
      %parallel_loop3A_81 = vector.broadcast %parallel_loop3A_80 : i32 to vector<16xi32>
      %parallel_loop3A_82 = arith.addi %parallel_loop3A_20, %parallel_loop3A_81 : vector<16xi32>
      %parallel_loop3A_83 = tpu.vector_load_idx %arg8[%parallel_loop3A_82] : memref<1024xf32, #tpu.memory_space<vmem>>[vector<16xi32>], vector<16xf32>,
      %parallel_loop3A_84 = arith.constant 6 : i32
      %parallel_loop3A_85 = vector.broadcast %parallel_loop3A_84 : i32 to vector<16xi32>
      %parallel_loop3A_86 = arith.addi %parallel_loop3A_31, %parallel_loop3A_85 : vector<16xi32>
      %parallel_loop3A_87 = arith.mulf %parallel_loop3A_83, %parallel_loop3A_24 : vector<16xf32>
      tpu.vector_store_idx %arg9[%parallel_loop3A_86], %parallel_loop3A_87 : memref<100352xf32, #tpu.memory_space<vmem>>[vector<16xi32>], vector<16xf32>,
      %parallel_loop3A_88 = arith.constant 7 : i32
      %parallel_loop3A_89 = vector.broadcast %parallel_loop3A_88 : i32 to vector<16xi32>
      %parallel_loop3A_90 = arith.addi %parallel_loop3A_20, %parallel_loop3A_89 : vector<16xi32>
      %parallel_loop3A_91 = tpu.vector_load_idx %arg8[%parallel_loop3A_90] : memref<1024xf32, #tpu.memory_space<vmem>>[vector<16xi32>], vector<16xf32>,
      %parallel_loop3A_92 = arith.constant 7 : i32
      %parallel_loop3A_93 = vector.broadcast %parallel_loop3A_92 : i32 to vector<16xi32>
      %parallel_loop3A_94 = arith.addi %parallel_loop3A_31, %parallel_loop3A_93 : vector<16xi32>
      %parallel_loop3A_95 = arith.mulf %parallel_loop3A_91, %parallel_loop3A_24 : vector<16xf32>
      tpu.vector_store_idx %arg9[%parallel_loop3A_94], %parallel_loop3A_95 : memref<100352xf32, #tpu.memory_space<vmem>>[vector<16xi32>], vector<16xf32>,
      %parallel_loop3A_96 = arith.constant 8 : i32
      %parallel_loop3A_97 = vector.broadcast %parallel_loop3A_96 : i32 to vector<16xi32>
      %parallel_loop3A_98 = arith.addi %parallel_loop3A_20, %parallel_loop3A_97 : vector<16xi32>
      %parallel_loop3A_99 = tpu.vector_load_idx %arg8[%parallel_loop3A_98] : memref<1024xf32, #tpu.memory_space<vmem>>[vector<16xi32>], vector<16xf32>,
      %parallel_loop3A_100 = arith.constant 8 : i32
      %parallel_loop3A_101 = vector.broadcast %parallel_loop3A_100 : i32 to vector<16xi32>
      %parallel_loop3A_102 = arith.addi %parallel_loop3A_31, %parallel_loop3A_101 : vector<16xi32>
      %parallel_loop3A_103 = arith.mulf %parallel_loop3A_99, %parallel_loop3A_24 : vector<16xf32>
      tpu.vector_store_idx %arg9[%parallel_loop3A_102], %parallel_loop3A_103 : memref<100352xf32, #tpu.memory_space<vmem>>[vector<16xi32>], vector<16xf32>,
      %parallel_loop3A_104 = arith.constant 9 : i32
      %parallel_loop3A_105 = vector.broadcast %parallel_loop3A_104 : i32 to vector<16xi32>
      %parallel_loop3A_106 = arith.addi %parallel_loop3A_20, %parallel_loop3A_105 : vector<16xi32>
      %parallel_loop3A_107 = tpu.vector_load_idx %arg8[%parallel_loop3A_106] : memref<1024xf32, #tpu.memory_space<vmem>>[vector<16xi32>], vector<16xf32>,
      %parallel_loop3A_108 = arith.constant 9 : i32
      %parallel_loop3A_109 = vector.broadcast %parallel_loop3A_108 : i32 to vector<16xi32>
      %parallel_loop3A_110 = arith.addi %parallel_loop3A_31, %parallel_loop3A_109 : vector<16xi32>
      %parallel_loop3A_111 = arith.mulf %parallel_loop3A_107, %parallel_loop3A_24 : vector<16xf32>
      tpu.vector_store_idx %arg9[%parallel_loop3A_110], %parallel_loop3A_111 : memref<100352xf32, #tpu.memory_space<vmem>>[vector<16xi32>], vector<16xf32>,
      %parallel_loop3A_112 = arith.constant 10 : i32
      %parallel_loop3A_113 = vector.broadcast %parallel_loop3A_112 : i32 to vector<16xi32>
      %parallel_loop3A_114 = arith.addi %parallel_loop3A_20, %parallel_loop3A_113 : vector<16xi32>
      %parallel_loop3A_115 = tpu.vector_load_idx %arg8[%parallel_loop3A_114] : memref<1024xf32, #tpu.memory_space<vmem>>[vector<16xi32>], vector<16xf32>,
      %parallel_loop3A_116 = arith.constant 10 : i32
      %parallel_loop3A_117 = vector.broadcast %parallel_loop3A_116 : i32 to vector<16xi32>
      %parallel_loop3A_118 = arith.addi %parallel_loop3A_31, %parallel_loop3A_117 : vector<16xi32>
      %parallel_loop3A_119 = arith.mulf %parallel_loop3A_115, %parallel_loop3A_24 : vector<16xf32>
      tpu.vector_store_idx %arg9[%parallel_loop3A_118], %parallel_loop3A_119 : memref<100352xf32, #tpu.memory_space<vmem>>[vector<16xi32>], vector<16xf32>,
      %parallel_loop3A_120 = arith.constant 11 : i32
      %parallel_loop3A_121 = vector.broadcast %parallel_loop3A_120 : i32 to vector<16xi32>
      %parallel_loop3A_122 = arith.addi %parallel_loop3A_20, %parallel_loop3A_121 : vector<16xi32>
      %parallel_loop3A_123 = tpu.vector_load_idx %arg8[%parallel_loop3A_122] : memref<1024xf32, #tpu.memory_space<vmem>>[vector<16xi32>], vector<16xf32>,
      %parallel_loop3A_124 = arith.constant 11 : i32
      %parallel_loop3A_125 = vector.broadcast %parallel_loop3A_124 : i32 to vector<16xi32>
      %parallel_loop3A_126 = arith.addi %parallel_loop3A_31, %parallel_loop3A_125 : vector<16xi32>
      %parallel_loop3A_127 = arith.mulf %parallel_loop3A_123, %parallel_loop3A_24 : vector<16xf32>
      tpu.vector_store_idx %arg9[%parallel_loop3A_126], %parallel_loop3A_127 : memref<100352xf32, #tpu.memory_space<vmem>>[vector<16xi32>], vector<16xf32>,
      %parallel_loop3A_128 = arith.constant 12 : i32
      %parallel_loop3A_129 = vector.broadcast %parallel_loop3A_128 : i32 to vector<16xi32>
      %parallel_loop3A_130 = arith.addi %parallel_loop3A_20, %parallel_loop3A_129 : vector<16xi32>
      %parallel_loop3A_131 = tpu.vector_load_idx %arg8[%parallel_loop3A_130] : memref<1024xf32, #tpu.memory_space<vmem>>[vector<16xi32>], vector<16xf32>,
      %parallel_loop3A_132 = arith.constant 12 : i32
      %parallel_loop3A_133 = vector.broadcast %parallel_loop3A_132 : i32 to vector<16xi32>
      %parallel_loop3A_134 = arith.addi %parallel_loop3A_31, %parallel_loop3A_133 : vector<16xi32>
      %parallel_loop3A_135 = arith.mulf %parallel_loop3A_131, %parallel_loop3A_24 : vector<16xf32>
      tpu.vector_store_idx %arg9[%parallel_loop3A_134], %parallel_loop3A_135 : memref<100352xf32, #tpu.memory_space<vmem>>[vector<16xi32>], vector<16xf32>,
      %parallel_loop3A_136 = arith.constant 13 : i32
      %parallel_loop3A_137 = vector.broadcast %parallel_loop3A_136 : i32 to vector<16xi32>
      %parallel_loop3A_138 = arith.addi %parallel_loop3A_20, %parallel_loop3A_137 : vector<16xi32>
      %parallel_loop3A_139 = tpu.vector_load_idx %arg8[%parallel_loop3A_138] : memref<1024xf32, #tpu.memory_space<vmem>>[vector<16xi32>], vector<16xf32>,
      %parallel_loop3A_140 = arith.constant 13 : i32
      %parallel_loop3A_141 = vector.broadcast %parallel_loop3A_140 : i32 to vector<16xi32>
      %parallel_loop3A_142 = arith.addi %parallel_loop3A_31, %parallel_loop3A_141 : vector<16xi32>
      %parallel_loop3A_143 = arith.mulf %parallel_loop3A_139, %parallel_loop3A_24 : vector<16xf32>
      tpu.vector_store_idx %arg9[%parallel_loop3A_142], %parallel_loop3A_143 : memref<100352xf32, #tpu.memory_space<vmem>>[vector<16xi32>], vector<16xf32>,
      %parallel_loop3A_144 = arith.constant 14 : i32
      %parallel_loop3A_145 = vector.broadcast %parallel_loop3A_144 : i32 to vector<16xi32>
      %parallel_loop3A_146 = arith.addi %parallel_loop3A_20, %parallel_loop3A_145 : vector<16xi32>
      %parallel_loop3A_147 = tpu.vector_load_idx %arg8[%parallel_loop3A_146] : memref<1024xf32, #tpu.memory_space<vmem>>[vector<16xi32>], vector<16xf32>,
      %parallel_loop3A_148 = arith.constant 14 : i32
      %parallel_loop3A_149 = vector.broadcast %parallel_loop3A_148 : i32 to vector<16xi32>
      %parallel_loop3A_150 = arith.addi %parallel_loop3A_31, %parallel_loop3A_149 : vector<16xi32>
      %parallel_loop3A_151 = arith.mulf %parallel_loop3A_147, %parallel_loop3A_24 : vector<16xf32>
      tpu.vector_store_idx %arg9[%parallel_loop3A_150], %parallel_loop3A_151 : memref<100352xf32, #tpu.memory_space<vmem>>[vector<16xi32>], vector<16xf32>,
      %parallel_loop3A_152 = arith.constant 15 : i32
      %parallel_loop3A_153 = vector.broadcast %parallel_loop3A_152 : i32 to vector<16xi32>
      %parallel_loop3A_154 = arith.addi %parallel_loop3A_20, %parallel_loop3A_153 : vector<16xi32>
      %parallel_loop3A_155 = tpu.vector_load_idx %arg8[%parallel_loop3A_154] : memref<1024xf32, #tpu.memory_space<vmem>>[vector<16xi32>], vector<16xf32>,
      %parallel_loop3A_156 = arith.constant 15 : i32
      %parallel_loop3A_157 = vector.broadcast %parallel_loop3A_156 : i32 to vector<16xi32>
      %parallel_loop3A_158 = arith.addi %parallel_loop3A_31, %parallel_loop3A_157 : vector<16xi32>
      %parallel_loop3A_159 = arith.mulf %parallel_loop3A_155, %parallel_loop3A_24 : vector<16xf32>
      tpu.vector_store_idx %arg9[%parallel_loop3A_158], %parallel_loop3A_159 : memref<100352xf32, #tpu.memory_space<vmem>>[vector<16xi32>], vector<16xf32>,
      %parallel_loop3A_160 = arith.constant 16 : i32
      %parallel_loop3A_161 = vector.broadcast %parallel_loop3A_160 : i32 to vector<16xi32>
      %parallel_loop3A_162 = arith.addi %parallel_loop3A_20, %parallel_loop3A_161 : vector<16xi32>
      %parallel_loop3A_163 = tpu.vector_load_idx %arg8[%parallel_loop3A_162] : memref<1024xf32, #tpu.memory_space<vmem>>[vector<16xi32>], vector<16xf32>,
      %parallel_loop3A_164 = arith.constant 16 : i32
      %parallel_loop3A_165 = vector.broadcast %parallel_loop3A_164 : i32 to vector<16xi32>
      %parallel_loop3A_166 = arith.addi %parallel_loop3A_31, %parallel_loop3A_165 : vector<16xi32>
      %parallel_loop3A_167 = arith.mulf %parallel_loop3A_163, %parallel_loop3A_24 : vector<16xf32>
      tpu.vector_store_idx %arg9[%parallel_loop3A_166], %parallel_loop3A_167 : memref<100352xf32, #tpu.memory_space<vmem>>[vector<16xi32>], vector<16xf32>,
      %parallel_loop3A_168 = arith.constant 17 : i32
      %parallel_loop3A_169 = vector.broadcast %parallel_loop3A_168 : i32 to vector<16xi32>
      %parallel_loop3A_170 = arith.addi %parallel_loop3A_20, %parallel_loop3A_169 : vector<16xi32>
      %parallel_loop3A_171 = tpu.vector_load_idx %arg8[%parallel_loop3A_170] : memref<1024xf32, #tpu.memory_space<vmem>>[vector<16xi32>], vector<16xf32>,
      %parallel_loop3A_172 = arith.constant 17 : i32
      %parallel_loop3A_173 = vector.broadcast %parallel_loop3A_172 : i32 to vector<16xi32>
      %parallel_loop3A_174 = arith.addi %parallel_loop3A_31, %parallel_loop3A_173 : vector<16xi32>
      %parallel_loop3A_175 = arith.mulf %parallel_loop3A_171, %parallel_loop3A_24 : vector<16xf32>
      tpu.vector_store_idx %arg9[%parallel_loop3A_174], %parallel_loop3A_175 : memref<100352xf32, #tpu.memory_space<vmem>>[vector<16xi32>], vector<16xf32>,
      %parallel_loop3A_176 = arith.constant 18 : i32
      %parallel_loop3A_177 = vector.broadcast %parallel_loop3A_176 : i32 to vector<16xi32>
      %parallel_loop3A_178 = arith.addi %parallel_loop3A_20, %parallel_loop3A_177 : vector<16xi32>
      %parallel_loop3A_179 = tpu.vector_load_idx %arg8[%parallel_loop3A_178] : memref<1024xf32, #tpu.memory_space<vmem>>[vector<16xi32>], vector<16xf32>,
      %parallel_loop3A_180 = arith.constant 18 : i32
      %parallel_loop3A_181 = vector.broadcast %parallel_loop3A_180 : i32 to vector<16xi32>
      %parallel_loop3A_182 = arith.addi %parallel_loop3A_31, %parallel_loop3A_181 : vector<16xi32>
      %parallel_loop3A_183 = arith.mulf %parallel_loop3A_179, %parallel_loop3A_24 : vector<16xf32>
      tpu.vector_store_idx %arg9[%parallel_loop3A_182], %parallel_loop3A_183 : memref<100352xf32, #tpu.memory_space<vmem>>[vector<16xi32>], vector<16xf32>,
      %parallel_loop3A_184 = arith.constant 19 : i32
      %parallel_loop3A_185 = vector.broadcast %parallel_loop3A_184 : i32 to vector<16xi32>
      %parallel_loop3A_186 = arith.addi %parallel_loop3A_20, %parallel_loop3A_185 : vector<16xi32>
      %parallel_loop3A_187 = tpu.vector_load_idx %arg8[%parallel_loop3A_186] : memref<1024xf32, #tpu.memory_space<vmem>>[vector<16xi32>], vector<16xf32>,
      %parallel_loop3A_188 = arith.constant 19 : i32
      %parallel_loop3A_189 = vector.broadcast %parallel_loop3A_188 : i32 to vector<16xi32>
      %parallel_loop3A_190 = arith.addi %parallel_loop3A_31, %parallel_loop3A_189 : vector<16xi32>
      %parallel_loop3A_191 = arith.mulf %parallel_loop3A_187, %parallel_loop3A_24 : vector<16xf32>
      tpu.vector_store_idx %arg9[%parallel_loop3A_190], %parallel_loop3A_191 : memref<100352xf32, #tpu.memory_space<vmem>>[vector<16xi32>], vector<16xf32>,
      %parallel_loop3A_192 = arith.constant 20 : i32
      %parallel_loop3A_193 = vector.broadcast %parallel_loop3A_192 : i32 to vector<16xi32>
      %parallel_loop3A_194 = arith.addi %parallel_loop3A_20, %parallel_loop3A_193 : vector<16xi32>
      %parallel_loop3A_195 = tpu.vector_load_idx %arg8[%parallel_loop3A_194] : memref<1024xf32, #tpu.memory_space<vmem>>[vector<16xi32>], vector<16xf32>,
      %parallel_loop3A_196 = arith.constant 20 : i32
      %parallel_loop3A_197 = vector.broadcast %parallel_loop3A_196 : i32 to vector<16xi32>
      %parallel_loop3A_198 = arith.addi %parallel_loop3A_31, %parallel_loop3A_197 : vector<16xi32>
      %parallel_loop3A_199 = arith.mulf %parallel_loop3A_195, %parallel_loop3A_24 : vector<16xf32>
      tpu.vector_store_idx %arg9[%parallel_loop3A_198], %parallel_loop3A_199 : memref<100352xf32, #tpu.memory_space<vmem>>[vector<16xi32>], vector<16xf32>,
      %parallel_loop3A_200 = arith.constant 21 : i32
      %parallel_loop3A_201 = vector.broadcast %parallel_loop3A_200 : i32 to vector<16xi32>
      %parallel_loop3A_202 = arith.addi %parallel_loop3A_20, %parallel_loop3A_201 : vector<16xi32>
      %parallel_loop3A_203 = tpu.vector_load_idx %arg8[%parallel_loop3A_202] : memref<1024xf32, #tpu.memory_space<vmem>>[vector<16xi32>], vector<16xf32>,
      %parallel_loop3A_204 = arith.constant 21 : i32
      %parallel_loop3A_205 = vector.broadcast %parallel_loop3A_204 : i32 to vector<16xi32>
      %parallel_loop3A_206 = arith.addi %parallel_loop3A_31, %parallel_loop3A_205 : vector<16xi32>
      %parallel_loop3A_207 = arith.mulf %parallel_loop3A_203, %parallel_loop3A_24 : vector<16xf32>
      tpu.vector_store_idx %arg9[%parallel_loop3A_206], %parallel_loop3A_207 : memref<100352xf32, #tpu.memory_space<vmem>>[vector<16xi32>], vector<16xf32>,
      %parallel_loop3A_208 = arith.constant 22 : i32
      %parallel_loop3A_209 = vector.broadcast %parallel_loop3A_208 : i32 to vector<16xi32>
      %parallel_loop3A_210 = arith.addi %parallel_loop3A_20, %parallel_loop3A_209 : vector<16xi32>
      %parallel_loop3A_211 = tpu.vector_load_idx %arg8[%parallel_loop3A_210] : memref<1024xf32, #tpu.memory_space<vmem>>[vector<16xi32>], vector<16xf32>,
      %parallel_loop3A_212 = arith.constant 22 : i32
      %parallel_loop3A_213 = vector.broadcast %parallel_loop3A_212 : i32 to vector<16xi32>
      %parallel_loop3A_214 = arith.addi %parallel_loop3A_31, %parallel_loop3A_213 : vector<16xi32>
      %parallel_loop3A_215 = arith.mulf %parallel_loop3A_211, %parallel_loop3A_24 : vector<16xf32>
      tpu.vector_store_idx %arg9[%parallel_loop3A_214], %parallel_loop3A_215 : memref<100352xf32, #tpu.memory_space<vmem>>[vector<16xi32>], vector<16xf32>,
      %parallel_loop3A_216 = arith.constant 23 : i32
      %parallel_loop3A_217 = vector.broadcast %parallel_loop3A_216 : i32 to vector<16xi32>
      %parallel_loop3A_218 = arith.addi %parallel_loop3A_20, %parallel_loop3A_217 : vector<16xi32>
      %parallel_loop3A_219 = tpu.vector_load_idx %arg8[%parallel_loop3A_218] : memref<1024xf32, #tpu.memory_space<vmem>>[vector<16xi32>], vector<16xf32>,
      %parallel_loop3A_220 = arith.constant 23 : i32
      %parallel_loop3A_221 = vector.broadcast %parallel_loop3A_220 : i32 to vector<16xi32>
      %parallel_loop3A_222 = arith.addi %parallel_loop3A_31, %parallel_loop3A_221 : vector<16xi32>
      %parallel_loop3A_223 = arith.mulf %parallel_loop3A_219, %parallel_loop3A_24 : vector<16xf32>
      tpu.vector_store_idx %arg9[%parallel_loop3A_222], %parallel_loop3A_223 : memref<100352xf32, #tpu.memory_space<vmem>>[vector<16xi32>], vector<16xf32>,
      %parallel_loop3A_224 = arith.constant 24 : i32
      %parallel_loop3A_225 = vector.broadcast %parallel_loop3A_224 : i32 to vector<16xi32>
      %parallel_loop3A_226 = arith.addi %parallel_loop3A_20, %parallel_loop3A_225 : vector<16xi32>
      %parallel_loop3A_227 = tpu.vector_load_idx %arg8[%parallel_loop3A_226] : memref<1024xf32, #tpu.memory_space<vmem>>[vector<16xi32>], vector<16xf32>,
      %parallel_loop3A_228 = arith.constant 24 : i32
      %parallel_loop3A_229 = vector.broadcast %parallel_loop3A_228 : i32 to vector<16xi32>
      %parallel_loop3A_230 = arith.addi %parallel_loop3A_31, %parallel_loop3A_229 : vector<16xi32>
      %parallel_loop3A_231 = arith.mulf %parallel_loop3A_227, %parallel_loop3A_24 : vector<16xf32>
      tpu.vector_store_idx %arg9[%parallel_loop3A_230], %parallel_loop3A_231 : memref<100352xf32, #tpu.memory_space<vmem>>[vector<16xi32>], vector<16xf32>,
      %parallel_loop3A_232 = arith.constant 25 : i32
      %parallel_loop3A_233 = vector.broadcast %parallel_loop3A_232 : i32 to vector<16xi32>
      %parallel_loop3A_234 = arith.addi %parallel_loop3A_20, %parallel_loop3A_233 : vector<16xi32>
      %parallel_loop3A_235 = tpu.vector_load_idx %arg8[%parallel_loop3A_234] : memref<1024xf32, #tpu.memory_space<vmem>>[vector<16xi32>], vector<16xf32>,
      %parallel_loop3A_236 = arith.constant 25 : i32
      %parallel_loop3A_237 = vector.broadcast %parallel_loop3A_236 : i32 to vector<16xi32>
      %parallel_loop3A_238 = arith.addi %parallel_loop3A_31, %parallel_loop3A_237 : vector<16xi32>
      %parallel_loop3A_239 = arith.mulf %parallel_loop3A_235, %parallel_loop3A_24 : vector<16xf32>
      tpu.vector_store_idx %arg9[%parallel_loop3A_238], %parallel_loop3A_239 : memref<100352xf32, #tpu.memory_space<vmem>>[vector<16xi32>], vector<16xf32>,
      %parallel_loop3A_240 = arith.constant 26 : i32
      %parallel_loop3A_241 = vector.broadcast %parallel_loop3A_240 : i32 to vector<16xi32>
      %parallel_loop3A_242 = arith.addi %parallel_loop3A_20, %parallel_loop3A_241 : vector<16xi32>
      %parallel_loop3A_243 = tpu.vector_load_idx %arg8[%parallel_loop3A_242] : memref<1024xf32, #tpu.memory_space<vmem>>[vector<16xi32>], vector<16xf32>,
      %parallel_loop3A_244 = arith.constant 26 : i32
      %parallel_loop3A_245 = vector.broadcast %parallel_loop3A_244 : i32 to vector<16xi32>
      %parallel_loop3A_246 = arith.addi %parallel_loop3A_31, %parallel_loop3A_245 : vector<16xi32>
      %parallel_loop3A_247 = arith.mulf %parallel_loop3A_243, %parallel_loop3A_24 : vector<16xf32>
      tpu.vector_store_idx %arg9[%parallel_loop3A_246], %parallel_loop3A_247 : memref<100352xf32, #tpu.memory_space<vmem>>[vector<16xi32>], vector<16xf32>,
      %parallel_loop3A_248 = arith.constant 27 : i32
      %parallel_loop3A_249 = vector.broadcast %parallel_loop3A_248 : i32 to vector<16xi32>
      %parallel_loop3A_250 = arith.addi %parallel_loop3A_20, %parallel_loop3A_249 : vector<16xi32>
      %parallel_loop3A_251 = tpu.vector_load_idx %arg8[%parallel_loop3A_250] : memref<1024xf32, #tpu.memory_space<vmem>>[vector<16xi32>], vector<16xf32>,
      %parallel_loop3A_252 = arith.constant 27 : i32
      %parallel_loop3A_253 = vector.broadcast %parallel_loop3A_252 : i32 to vector<16xi32>
      %parallel_loop3A_254 = arith.addi %parallel_loop3A_31, %parallel_loop3A_253 : vector<16xi32>
      %parallel_loop3A_255 = arith.mulf %parallel_loop3A_251, %parallel_loop3A_24 : vector<16xf32>
      tpu.vector_store_idx %arg9[%parallel_loop3A_254], %parallel_loop3A_255 : memref<100352xf32, #tpu.memory_space<vmem>>[vector<16xi32>], vector<16xf32>,
      %parallel_loop3A_256 = arith.constant 28 : i32
      %parallel_loop3A_257 = vector.broadcast %parallel_loop3A_256 : i32 to vector<16xi32>
      %parallel_loop3A_258 = arith.addi %parallel_loop3A_20, %parallel_loop3A_257 : vector<16xi32>
      %parallel_loop3A_259 = tpu.vector_load_idx %arg8[%parallel_loop3A_258] : memref<1024xf32, #tpu.memory_space<vmem>>[vector<16xi32>], vector<16xf32>,
      %parallel_loop3A_260 = arith.constant 28 : i32
      %parallel_loop3A_261 = vector.broadcast %parallel_loop3A_260 : i32 to vector<16xi32>
      %parallel_loop3A_262 = arith.addi %parallel_loop3A_31, %parallel_loop3A_261 : vector<16xi32>
      %parallel_loop3A_263 = arith.mulf %parallel_loop3A_259, %parallel_loop3A_24 : vector<16xf32>
      tpu.vector_store_idx %arg9[%parallel_loop3A_262], %parallel_loop3A_263 : memref<100352xf32, #tpu.memory_space<vmem>>[vector<16xi32>], vector<16xf32>,
      %parallel_loop3A_264 = arith.constant 29 : i32
      %parallel_loop3A_265 = vector.broadcast %parallel_loop3A_264 : i32 to vector<16xi32>
      %parallel_loop3A_266 = arith.addi %parallel_loop3A_20, %parallel_loop3A_265 : vector<16xi32>
      %parallel_loop3A_267 = tpu.vector_load_idx %arg8[%parallel_loop3A_266] : memref<1024xf32, #tpu.memory_space<vmem>>[vector<16xi32>], vector<16xf32>,
      %parallel_loop3A_268 = arith.constant 29 : i32
      %parallel_loop3A_269 = vector.broadcast %parallel_loop3A_268 : i32 to vector<16xi32>
      %parallel_loop3A_270 = arith.addi %parallel_loop3A_31, %parallel_loop3A_269 : vector<16xi32>
      %parallel_loop3A_271 = arith.mulf %parallel_loop3A_267, %parallel_loop3A_24 : vector<16xf32>
      tpu.vector_store_idx %arg9[%parallel_loop3A_270], %parallel_loop3A_271 : memref<100352xf32, #tpu.memory_space<vmem>>[vector<16xi32>], vector<16xf32>,
      %parallel_loop3A_272 = arith.constant 30 : i32
      %parallel_loop3A_273 = vector.broadcast %parallel_loop3A_272 : i32 to vector<16xi32>
      %parallel_loop3A_274 = arith.addi %parallel_loop3A_20, %parallel_loop3A_273 : vector<16xi32>
      %parallel_loop3A_275 = tpu.vector_load_idx %arg8[%parallel_loop3A_274] : memref<1024xf32, #tpu.memory_space<vmem>>[vector<16xi32>], vector<16xf32>,
      %parallel_loop3A_276 = arith.constant 30 : i32
      %parallel_loop3A_277 = vector.broadcast %parallel_loop3A_276 : i32 to vector<16xi32>
      %parallel_loop3A_278 = arith.addi %parallel_loop3A_31, %parallel_loop3A_277 : vector<16xi32>
      %parallel_loop3A_279 = arith.mulf %parallel_loop3A_275, %parallel_loop3A_24 : vector<16xf32>
      tpu.vector_store_idx %arg9[%parallel_loop3A_278], %parallel_loop3A_279 : memref<100352xf32, #tpu.memory_space<vmem>>[vector<16xi32>], vector<16xf32>,
      %parallel_loop3A_280 = arith.constant 31 : i32
      %parallel_loop3A_281 = vector.broadcast %parallel_loop3A_280 : i32 to vector<16xi32>
      %parallel_loop3A_282 = arith.addi %parallel_loop3A_20, %parallel_loop3A_281 : vector<16xi32>
      %parallel_loop3A_283 = tpu.vector_load_idx %arg8[%parallel_loop3A_282] : memref<1024xf32, #tpu.memory_space<vmem>>[vector<16xi32>], vector<16xf32>,
      %parallel_loop3A_284 = arith.constant 31 : i32
      %parallel_loop3A_285 = vector.broadcast %parallel_loop3A_284 : i32 to vector<16xi32>
      %parallel_loop3A_286 = arith.addi %parallel_loop3A_31, %parallel_loop3A_285 : vector<16xi32>
      %parallel_loop3A_287 = arith.mulf %parallel_loop3A_283, %parallel_loop3A_24 : vector<16xf32>
      tpu.vector_store_idx %arg9[%parallel_loop3A_286], %parallel_loop3A_287 : memref<100352xf32, #tpu.memory_space<vmem>>[vector<16xi32>], vector<16xf32>,
      %parallel_loop3A_288 = arith.constant 32 : i32
      %parallel_loop3A_289 = vector.broadcast %parallel_loop3A_288 : i32 to vector<16xi32>
      %parallel_loop3A_290 = arith.addi %parallel_loop3A_20, %parallel_loop3A_289 : vector<16xi32>
      %parallel_loop3A_291 = tpu.vector_load_idx %arg8[%parallel_loop3A_290] : memref<1024xf32, #tpu.memory_space<vmem>>[vector<16xi32>], vector<16xf32>,
      %parallel_loop3A_292 = arith.constant 32 : i32
      %parallel_loop3A_293 = vector.broadcast %parallel_loop3A_292 : i32 to vector<16xi32>
      %parallel_loop3A_294 = arith.addi %parallel_loop3A_31, %parallel_loop3A_293 : vector<16xi32>
      %parallel_loop3A_295 = arith.mulf %parallel_loop3A_291, %parallel_loop3A_24 : vector<16xf32>
      tpu.vector_store_idx %arg9[%parallel_loop3A_294], %parallel_loop3A_295 : memref<100352xf32, #tpu.memory_space<vmem>>[vector<16xi32>], vector<16xf32>,
      %parallel_loop3A_296 = arith.constant 33 : i32
      %parallel_loop3A_297 = vector.broadcast %parallel_loop3A_296 : i32 to vector<16xi32>
      %parallel_loop3A_298 = arith.addi %parallel_loop3A_20, %parallel_loop3A_297 : vector<16xi32>
      %parallel_loop3A_299 = tpu.vector_load_idx %arg8[%parallel_loop3A_298] : memref<1024xf32, #tpu.memory_space<vmem>>[vector<16xi32>], vector<16xf32>,
      %parallel_loop3A_300 = arith.constant 33 : i32
      %parallel_loop3A_301 = vector.broadcast %parallel_loop3A_300 : i32 to vector<16xi32>
      %parallel_loop3A_302 = arith.addi %parallel_loop3A_31, %parallel_loop3A_301 : vector<16xi32>
      %parallel_loop3A_303 = arith.mulf %parallel_loop3A_299, %parallel_loop3A_24 : vector<16xf32>
      tpu.vector_store_idx %arg9[%parallel_loop3A_302], %parallel_loop3A_303 : memref<100352xf32, #tpu.memory_space<vmem>>[vector<16xi32>], vector<16xf32>,
      %parallel_loop3A_304 = arith.constant 34 : i32
      %parallel_loop3A_305 = vector.broadcast %parallel_loop3A_304 : i32 to vector<16xi32>
      %parallel_loop3A_306 = arith.addi %parallel_loop3A_20, %parallel_loop3A_305 : vector<16xi32>
      %parallel_loop3A_307 = tpu.vector_load_idx %arg8[%parallel_loop3A_306] : memref<1024xf32, #tpu.memory_space<vmem>>[vector<16xi32>], vector<16xf32>,
      %parallel_loop3A_308 = arith.constant 34 : i32
      %parallel_loop3A_309 = vector.broadcast %parallel_loop3A_308 : i32 to vector<16xi32>
      %parallel_loop3A_310 = arith.addi %parallel_loop3A_31, %parallel_loop3A_309 : vector<16xi32>
      %parallel_loop3A_311 = arith.mulf %parallel_loop3A_307, %parallel_loop3A_24 : vector<16xf32>
      tpu.vector_store_idx %arg9[%parallel_loop3A_310], %parallel_loop3A_311 : memref<100352xf32, #tpu.memory_space<vmem>>[vector<16xi32>], vector<16xf32>,
      %parallel_loop3A_312 = arith.constant 35 : i32
      %parallel_loop3A_313 = vector.broadcast %parallel_loop3A_312 : i32 to vector<16xi32>
      %parallel_loop3A_314 = arith.addi %parallel_loop3A_20, %parallel_loop3A_313 : vector<16xi32>
      %parallel_loop3A_315 = tpu.vector_load_idx %arg8[%parallel_loop3A_314] : memref<1024xf32, #tpu.memory_space<vmem>>[vector<16xi32>], vector<16xf32>,
      %parallel_loop3A_316 = arith.constant 35 : i32
      %parallel_loop3A_317 = vector.broadcast %parallel_loop3A_316 : i32 to vector<16xi32>
      %parallel_loop3A_318 = arith.addi %parallel_loop3A_31, %parallel_loop3A_317 : vector<16xi32>
      %parallel_loop3A_319 = arith.mulf %parallel_loop3A_315, %parallel_loop3A_24 : vector<16xf32>
      tpu.vector_store_idx %arg9[%parallel_loop3A_318], %parallel_loop3A_319 : memref<100352xf32, #tpu.memory_space<vmem>>[vector<16xi32>], vector<16xf32>,
      %parallel_loop3A_320 = arith.constant 36 : i32
      %parallel_loop3A_321 = vector.broadcast %parallel_loop3A_320 : i32 to vector<16xi32>
      %parallel_loop3A_322 = arith.addi %parallel_loop3A_20, %parallel_loop3A_321 : vector<16xi32>
      %parallel_loop3A_323 = tpu.vector_load_idx %arg8[%parallel_loop3A_322] : memref<1024xf32, #tpu.memory_space<vmem>>[vector<16xi32>], vector<16xf32>,
      %parallel_loop3A_324 = arith.constant 36 : i32
      %parallel_loop3A_325 = vector.broadcast %parallel_loop3A_324 : i32 to vector<16xi32>
      %parallel_loop3A_326 = arith.addi %parallel_loop3A_31, %parallel_loop3A_325 : vector<16xi32>
      %parallel_loop3A_327 = arith.mulf %parallel_loop3A_323, %parallel_loop3A_24 : vector<16xf32>
      tpu.vector_store_idx %arg9[%parallel_loop3A_326], %parallel_loop3A_327 : memref<100352xf32, #tpu.memory_space<vmem>>[vector<16xi32>], vector<16xf32>,
      %parallel_loop3A_328 = arith.constant 37 : i32
      %parallel_loop3A_329 = vector.broadcast %parallel_loop3A_328 : i32 to vector<16xi32>
      %parallel_loop3A_330 = arith.addi %parallel_loop3A_20, %parallel_loop3A_329 : vector<16xi32>
      %parallel_loop3A_331 = tpu.vector_load_idx %arg8[%parallel_loop3A_330] : memref<1024xf32, #tpu.memory_space<vmem>>[vector<16xi32>], vector<16xf32>,
      %parallel_loop3A_332 = arith.constant 37 : i32
      %parallel_loop3A_333 = vector.broadcast %parallel_loop3A_332 : i32 to vector<16xi32>
      %parallel_loop3A_334 = arith.addi %parallel_loop3A_31, %parallel_loop3A_333 : vector<16xi32>
      %parallel_loop3A_335 = arith.mulf %parallel_loop3A_331, %parallel_loop3A_24 : vector<16xf32>
      tpu.vector_store_idx %arg9[%parallel_loop3A_334], %parallel_loop3A_335 : memref<100352xf32, #tpu.memory_space<vmem>>[vector<16xi32>], vector<16xf32>,
      %parallel_loop3A_336 = arith.constant 38 : i32
      %parallel_loop3A_337 = vector.broadcast %parallel_loop3A_336 : i32 to vector<16xi32>
      %parallel_loop3A_338 = arith.addi %parallel_loop3A_20, %parallel_loop3A_337 : vector<16xi32>
      %parallel_loop3A_339 = tpu.vector_load_idx %arg8[%parallel_loop3A_338] : memref<1024xf32, #tpu.memory_space<vmem>>[vector<16xi32>], vector<16xf32>,
      %parallel_loop3A_340 = arith.constant 38 : i32
      %parallel_loop3A_341 = vector.broadcast %parallel_loop3A_340 : i32 to vector<16xi32>
      %parallel_loop3A_342 = arith.addi %parallel_loop3A_31, %parallel_loop3A_341 : vector<16xi32>
      %parallel_loop3A_343 = arith.mulf %parallel_loop3A_339, %parallel_loop3A_24 : vector<16xf32>
      tpu.vector_store_idx %arg9[%parallel_loop3A_342], %parallel_loop3A_343 : memref<100352xf32, #tpu.memory_space<vmem>>[vector<16xi32>], vector<16xf32>,
      %parallel_loop3A_344 = arith.constant 39 : i32
      %parallel_loop3A_345 = vector.broadcast %parallel_loop3A_344 : i32 to vector<16xi32>
      %parallel_loop3A_346 = arith.addi %parallel_loop3A_20, %parallel_loop3A_345 : vector<16xi32>
      %parallel_loop3A_347 = tpu.vector_load_idx %arg8[%parallel_loop3A_346] : memref<1024xf32, #tpu.memory_space<vmem>>[vector<16xi32>], vector<16xf32>,
      %parallel_loop3A_348 = arith.constant 39 : i32
      %parallel_loop3A_349 = vector.broadcast %parallel_loop3A_348 : i32 to vector<16xi32>
      %parallel_loop3A_350 = arith.addi %parallel_loop3A_31, %parallel_loop3A_349 : vector<16xi32>
      %parallel_loop3A_351 = arith.mulf %parallel_loop3A_347, %parallel_loop3A_24 : vector<16xf32>
      tpu.vector_store_idx %arg9[%parallel_loop3A_350], %parallel_loop3A_351 : memref<100352xf32, #tpu.memory_space<vmem>>[vector<16xi32>], vector<16xf32>,
      %parallel_loop3A_352 = arith.constant 40 : i32
      %parallel_loop3A_353 = vector.broadcast %parallel_loop3A_352 : i32 to vector<16xi32>
      %parallel_loop3A_354 = arith.addi %parallel_loop3A_20, %parallel_loop3A_353 : vector<16xi32>
      %parallel_loop3A_355 = tpu.vector_load_idx %arg8[%parallel_loop3A_354] : memref<1024xf32, #tpu.memory_space<vmem>>[vector<16xi32>], vector<16xf32>,
      %parallel_loop3A_356 = arith.constant 40 : i32
      %parallel_loop3A_357 = vector.broadcast %parallel_loop3A_356 : i32 to vector<16xi32>
      %parallel_loop3A_358 = arith.addi %parallel_loop3A_31, %parallel_loop3A_357 : vector<16xi32>
      %parallel_loop3A_359 = arith.mulf %parallel_loop3A_355, %parallel_loop3A_24 : vector<16xf32>
      tpu.vector_store_idx %arg9[%parallel_loop3A_358], %parallel_loop3A_359 : memref<100352xf32, #tpu.memory_space<vmem>>[vector<16xi32>], vector<16xf32>,
      %parallel_loop3A_360 = arith.constant 41 : i32
      %parallel_loop3A_361 = vector.broadcast %parallel_loop3A_360 : i32 to vector<16xi32>
      %parallel_loop3A_362 = arith.addi %parallel_loop3A_20, %parallel_loop3A_361 : vector<16xi32>
      %parallel_loop3A_363 = tpu.vector_load_idx %arg8[%parallel_loop3A_362] : memref<1024xf32, #tpu.memory_space<vmem>>[vector<16xi32>], vector<16xf32>,
      %parallel_loop3A_364 = arith.constant 41 : i32
      %parallel_loop3A_365 = vector.broadcast %parallel_loop3A_364 : i32 to vector<16xi32>
      %parallel_loop3A_366 = arith.addi %parallel_loop3A_31, %parallel_loop3A_365 : vector<16xi32>
      %parallel_loop3A_367 = arith.mulf %parallel_loop3A_363, %parallel_loop3A_24 : vector<16xf32>
      tpu.vector_store_idx %arg9[%parallel_loop3A_366], %parallel_loop3A_367 : memref<100352xf32, #tpu.memory_space<vmem>>[vector<16xi32>], vector<16xf32>,
      %parallel_loop3A_368 = arith.constant 42 : i32
      %parallel_loop3A_369 = vector.broadcast %parallel_loop3A_368 : i32 to vector<16xi32>
      %parallel_loop3A_370 = arith.addi %parallel_loop3A_20, %parallel_loop3A_369 : vector<16xi32>
      %parallel_loop3A_371 = tpu.vector_load_idx %arg8[%parallel_loop3A_370] : memref<1024xf32, #tpu.memory_space<vmem>>[vector<16xi32>], vector<16xf32>,
      %parallel_loop3A_372 = arith.constant 42 : i32
      %parallel_loop3A_373 = vector.broadcast %parallel_loop3A_372 : i32 to vector<16xi32>
      %parallel_loop3A_374 = arith.addi %parallel_loop3A_31, %parallel_loop3A_373 : vector<16xi32>
      %parallel_loop3A_375 = arith.mulf %parallel_loop3A_371, %parallel_loop3A_24 : vector<16xf32>
      tpu.vector_store_idx %arg9[%parallel_loop3A_374], %parallel_loop3A_375 : memref<100352xf32, #tpu.memory_space<vmem>>[vector<16xi32>], vector<16xf32>,
      %parallel_loop3A_376 = arith.constant 43 : i32
      %parallel_loop3A_377 = vector.broadcast %parallel_loop3A_376 : i32 to vector<16xi32>
      %parallel_loop3A_378 = arith.addi %parallel_loop3A_20, %parallel_loop3A_377 : vector<16xi32>
      %parallel_loop3A_379 = tpu.vector_load_idx %arg8[%parallel_loop3A_378] : memref<1024xf32, #tpu.memory_space<vmem>>[vector<16xi32>], vector<16xf32>,
      %parallel_loop3A_380 = arith.constant 43 : i32
      %parallel_loop3A_381 = vector.broadcast %parallel_loop3A_380 : i32 to vector<16xi32>
      %parallel_loop3A_382 = arith.addi %parallel_loop3A_31, %parallel_loop3A_381 : vector<16xi32>
      %parallel_loop3A_383 = arith.mulf %parallel_loop3A_379, %parallel_loop3A_24 : vector<16xf32>
      tpu.vector_store_idx %arg9[%parallel_loop3A_382], %parallel_loop3A_383 : memref<100352xf32, #tpu.memory_space<vmem>>[vector<16xi32>], vector<16xf32>,
      %parallel_loop3A_384 = arith.constant 44 : i32
      %parallel_loop3A_385 = vector.broadcast %parallel_loop3A_384 : i32 to vector<16xi32>
      %parallel_loop3A_386 = arith.addi %parallel_loop3A_20, %parallel_loop3A_385 : vector<16xi32>
      %parallel_loop3A_387 = tpu.vector_load_idx %arg8[%parallel_loop3A_386] : memref<1024xf32, #tpu.memory_space<vmem>>[vector<16xi32>], vector<16xf32>,
      %parallel_loop3A_388 = arith.constant 44 : i32
      %parallel_loop3A_389 = vector.broadcast %parallel_loop3A_388 : i32 to vector<16xi32>
      %parallel_loop3A_390 = arith.addi %parallel_loop3A_31, %parallel_loop3A_389 : vector<16xi32>
      %parallel_loop3A_391 = arith.mulf %parallel_loop3A_387, %parallel_loop3A_24 : vector<16xf32>
      tpu.vector_store_idx %arg9[%parallel_loop3A_390], %parallel_loop3A_391 : memref<100352xf32, #tpu.memory_space<vmem>>[vector<16xi32>], vector<16xf32>,
      %parallel_loop3A_392 = arith.constant 45 : i32
      %parallel_loop3A_393 = vector.broadcast %parallel_loop3A_392 : i32 to vector<16xi32>
      %parallel_loop3A_394 = arith.addi %parallel_loop3A_20, %parallel_loop3A_393 : vector<16xi32>
      %parallel_loop3A_395 = tpu.vector_load_idx %arg8[%parallel_loop3A_394] : memref<1024xf32, #tpu.memory_space<vmem>>[vector<16xi32>], vector<16xf32>,
      %parallel_loop3A_396 = arith.constant 45 : i32
      %parallel_loop3A_397 = vector.broadcast %parallel_loop3A_396 : i32 to vector<16xi32>
      %parallel_loop3A_398 = arith.addi %parallel_loop3A_31, %parallel_loop3A_397 : vector<16xi32>
      %parallel_loop3A_399 = arith.mulf %parallel_loop3A_395, %parallel_loop3A_24 : vector<16xf32>
      tpu.vector_store_idx %arg9[%parallel_loop3A_398], %parallel_loop3A_399 : memref<100352xf32, #tpu.memory_space<vmem>>[vector<16xi32>], vector<16xf32>,
      %parallel_loop3A_400 = arith.constant 46 : i32
      %parallel_loop3A_401 = vector.broadcast %parallel_loop3A_400 : i32 to vector<16xi32>
      %parallel_loop3A_402 = arith.addi %parallel_loop3A_20, %parallel_loop3A_401 : vector<16xi32>
      %parallel_loop3A_403 = tpu.vector_load_idx %arg8[%parallel_loop3A_402] : memref<1024xf32, #tpu.memory_space<vmem>>[vector<16xi32>], vector<16xf32>,
      %parallel_loop3A_404 = arith.constant 46 : i32
      %parallel_loop3A_405 = vector.broadcast %parallel_loop3A_404 : i32 to vector<16xi32>
      %parallel_loop3A_406 = arith.addi %parallel_loop3A_31, %parallel_loop3A_405 : vector<16xi32>
      %parallel_loop3A_407 = arith.mulf %parallel_loop3A_403, %parallel_loop3A_24 : vector<16xf32>
      tpu.vector_store_idx %arg9[%parallel_loop3A_406], %parallel_loop3A_407 : memref<100352xf32, #tpu.memory_space<vmem>>[vector<16xi32>], vector<16xf32>,
      %parallel_loop3A_408 = arith.constant 47 : i32
      %parallel_loop3A_409 = vector.broadcast %parallel_loop3A_408 : i32 to vector<16xi32>
      %parallel_loop3A_410 = arith.addi %parallel_loop3A_20, %parallel_loop3A_409 : vector<16xi32>
      %parallel_loop3A_411 = tpu.vector_load_idx %arg8[%parallel_loop3A_410] : memref<1024xf32, #tpu.memory_space<vmem>>[vector<16xi32>], vector<16xf32>,
      %parallel_loop3A_412 = arith.constant 47 : i32
      %parallel_loop3A_413 = vector.broadcast %parallel_loop3A_412 : i32 to vector<16xi32>
      %parallel_loop3A_414 = arith.addi %parallel_loop3A_31, %parallel_loop3A_413 : vector<16xi32>
      %parallel_loop3A_415 = arith.mulf %parallel_loop3A_411, %parallel_loop3A_24 : vector<16xf32>
      tpu.vector_store_idx %arg9[%parallel_loop3A_414], %parallel_loop3A_415 : memref<100352xf32, #tpu.memory_space<vmem>>[vector<16xi32>], vector<16xf32>,
      %parallel_loop3A_416 = arith.constant 48 : i32
      %parallel_loop3A_417 = vector.broadcast %parallel_loop3A_416 : i32 to vector<16xi32>
      %parallel_loop3A_418 = arith.addi %parallel_loop3A_20, %parallel_loop3A_417 : vector<16xi32>
      %parallel_loop3A_419 = tpu.vector_load_idx %arg8[%parallel_loop3A_418] : memref<1024xf32, #tpu.memory_space<vmem>>[vector<16xi32>], vector<16xf32>,
      %parallel_loop3A_420 = arith.constant 48 : i32
      %parallel_loop3A_421 = vector.broadcast %parallel_loop3A_420 : i32 to vector<16xi32>
      %parallel_loop3A_422 = arith.addi %parallel_loop3A_31, %parallel_loop3A_421 : vector<16xi32>
      %parallel_loop3A_423 = arith.mulf %parallel_loop3A_419, %parallel_loop3A_24 : vector<16xf32>
      tpu.vector_store_idx %arg9[%parallel_loop3A_422], %parallel_loop3A_423 : memref<100352xf32, #tpu.memory_space<vmem>>[vector<16xi32>], vector<16xf32>,
      %parallel_loop3A_424 = arith.constant 49 : i32
      %parallel_loop3A_425 = vector.broadcast %parallel_loop3A_424 : i32 to vector<16xi32>
      %parallel_loop3A_426 = arith.addi %parallel_loop3A_20, %parallel_loop3A_425 : vector<16xi32>
      %parallel_loop3A_427 = tpu.vector_load_idx %arg8[%parallel_loop3A_426] : memref<1024xf32, #tpu.memory_space<vmem>>[vector<16xi32>], vector<16xf32>,
      %parallel_loop3A_428 = arith.constant 49 : i32
      %parallel_loop3A_429 = vector.broadcast %parallel_loop3A_428 : i32 to vector<16xi32>
      %parallel_loop3A_430 = arith.addi %parallel_loop3A_31, %parallel_loop3A_429 : vector<16xi32>
      %parallel_loop3A_431 = arith.mulf %parallel_loop3A_427, %parallel_loop3A_24 : vector<16xf32>
      tpu.vector_store_idx %arg9[%parallel_loop3A_430], %parallel_loop3A_431 : memref<100352xf32, #tpu.memory_space<vmem>>[vector<16xi32>], vector<16xf32>,
      %parallel_loop3A_432 = arith.constant 50 : i32
      %parallel_loop3A_433 = vector.broadcast %parallel_loop3A_432 : i32 to vector<16xi32>
      %parallel_loop3A_434 = arith.addi %parallel_loop3A_20, %parallel_loop3A_433 : vector<16xi32>
      %parallel_loop3A_435 = tpu.vector_load_idx %arg8[%parallel_loop3A_434] : memref<1024xf32, #tpu.memory_space<vmem>>[vector<16xi32>], vector<16xf32>,
      %parallel_loop3A_436 = arith.constant 50 : i32
      %parallel_loop3A_437 = vector.broadcast %parallel_loop3A_436 : i32 to vector<16xi32>
      %parallel_loop3A_438 = arith.addi %parallel_loop3A_31, %parallel_loop3A_437 : vector<16xi32>
      %parallel_loop3A_439 = arith.mulf %parallel_loop3A_435, %parallel_loop3A_24 : vector<16xf32>
      tpu.vector_store_idx %arg9[%parallel_loop3A_438], %parallel_loop3A_439 : memref<100352xf32, #tpu.memory_space<vmem>>[vector<16xi32>], vector<16xf32>,
      %parallel_loop3A_440 = arith.constant 51 : i32
      %parallel_loop3A_441 = vector.broadcast %parallel_loop3A_440 : i32 to vector<16xi32>
      %parallel_loop3A_442 = arith.addi %parallel_loop3A_20, %parallel_loop3A_441 : vector<16xi32>
      %parallel_loop3A_443 = tpu.vector_load_idx %arg8[%parallel_loop3A_442] : memref<1024xf32, #tpu.memory_space<vmem>>[vector<16xi32>], vector<16xf32>,
      %parallel_loop3A_444 = arith.constant 51 : i32
      %parallel_loop3A_445 = vector.broadcast %parallel_loop3A_444 : i32 to vector<16xi32>
      %parallel_loop3A_446 = arith.addi %parallel_loop3A_31, %parallel_loop3A_445 : vector<16xi32>
      %parallel_loop3A_447 = arith.mulf %parallel_loop3A_443, %parallel_loop3A_24 : vector<16xf32>
      tpu.vector_store_idx %arg9[%parallel_loop3A_446], %parallel_loop3A_447 : memref<100352xf32, #tpu.memory_space<vmem>>[vector<16xi32>], vector<16xf32>,
      %parallel_loop3A_448 = arith.constant 52 : i32
      %parallel_loop3A_449 = vector.broadcast %parallel_loop3A_448 : i32 to vector<16xi32>
      %parallel_loop3A_450 = arith.addi %parallel_loop3A_20, %parallel_loop3A_449 : vector<16xi32>
      %parallel_loop3A_451 = tpu.vector_load_idx %arg8[%parallel_loop3A_450] : memref<1024xf32, #tpu.memory_space<vmem>>[vector<16xi32>], vector<16xf32>,
      %parallel_loop3A_452 = arith.constant 52 : i32
      %parallel_loop3A_453 = vector.broadcast %parallel_loop3A_452 : i32 to vector<16xi32>
      %parallel_loop3A_454 = arith.addi %parallel_loop3A_31, %parallel_loop3A_453 : vector<16xi32>
      %parallel_loop3A_455 = arith.mulf %parallel_loop3A_451, %parallel_loop3A_24 : vector<16xf32>
      tpu.vector_store_idx %arg9[%parallel_loop3A_454], %parallel_loop3A_455 : memref<100352xf32, #tpu.memory_space<vmem>>[vector<16xi32>], vector<16xf32>,
      %parallel_loop3A_456 = arith.constant 53 : i32
      %parallel_loop3A_457 = vector.broadcast %parallel_loop3A_456 : i32 to vector<16xi32>
      %parallel_loop3A_458 = arith.addi %parallel_loop3A_20, %parallel_loop3A_457 : vector<16xi32>
      %parallel_loop3A_459 = tpu.vector_load_idx %arg8[%parallel_loop3A_458] : memref<1024xf32, #tpu.memory_space<vmem>>[vector<16xi32>], vector<16xf32>,
      %parallel_loop3A_460 = arith.constant 53 : i32
      %parallel_loop3A_461 = vector.broadcast %parallel_loop3A_460 : i32 to vector<16xi32>
      %parallel_loop3A_462 = arith.addi %parallel_loop3A_31, %parallel_loop3A_461 : vector<16xi32>
      %parallel_loop3A_463 = arith.mulf %parallel_loop3A_459, %parallel_loop3A_24 : vector<16xf32>
      tpu.vector_store_idx %arg9[%parallel_loop3A_462], %parallel_loop3A_463 : memref<100352xf32, #tpu.memory_space<vmem>>[vector<16xi32>], vector<16xf32>,
      %parallel_loop3A_464 = arith.constant 54 : i32
      %parallel_loop3A_465 = vector.broadcast %parallel_loop3A_464 : i32 to vector<16xi32>
      %parallel_loop3A_466 = arith.addi %parallel_loop3A_20, %parallel_loop3A_465 : vector<16xi32>
      %parallel_loop3A_467 = tpu.vector_load_idx %arg8[%parallel_loop3A_466] : memref<1024xf32, #tpu.memory_space<vmem>>[vector<16xi32>], vector<16xf32>,
      %parallel_loop3A_468 = arith.constant 54 : i32
      %parallel_loop3A_469 = vector.broadcast %parallel_loop3A_468 : i32 to vector<16xi32>
      %parallel_loop3A_470 = arith.addi %parallel_loop3A_31, %parallel_loop3A_469 : vector<16xi32>
      %parallel_loop3A_471 = arith.mulf %parallel_loop3A_467, %parallel_loop3A_24 : vector<16xf32>
      tpu.vector_store_idx %arg9[%parallel_loop3A_470], %parallel_loop3A_471 : memref<100352xf32, #tpu.memory_space<vmem>>[vector<16xi32>], vector<16xf32>,
      %parallel_loop3A_472 = arith.constant 55 : i32
      %parallel_loop3A_473 = vector.broadcast %parallel_loop3A_472 : i32 to vector<16xi32>
      %parallel_loop3A_474 = arith.addi %parallel_loop3A_20, %parallel_loop3A_473 : vector<16xi32>
      %parallel_loop3A_475 = tpu.vector_load_idx %arg8[%parallel_loop3A_474] : memref<1024xf32, #tpu.memory_space<vmem>>[vector<16xi32>], vector<16xf32>,
      %parallel_loop3A_476 = arith.constant 55 : i32
      %parallel_loop3A_477 = vector.broadcast %parallel_loop3A_476 : i32 to vector<16xi32>
      %parallel_loop3A_478 = arith.addi %parallel_loop3A_31, %parallel_loop3A_477 : vector<16xi32>
      %parallel_loop3A_479 = arith.mulf %parallel_loop3A_475, %parallel_loop3A_24 : vector<16xf32>
      tpu.vector_store_idx %arg9[%parallel_loop3A_478], %parallel_loop3A_479 : memref<100352xf32, #tpu.memory_space<vmem>>[vector<16xi32>], vector<16xf32>,
      %parallel_loop3A_480 = arith.constant 56 : i32
      %parallel_loop3A_481 = vector.broadcast %parallel_loop3A_480 : i32 to vector<16xi32>
      %parallel_loop3A_482 = arith.addi %parallel_loop3A_20, %parallel_loop3A_481 : vector<16xi32>
      %parallel_loop3A_483 = tpu.vector_load_idx %arg8[%parallel_loop3A_482] : memref<1024xf32, #tpu.memory_space<vmem>>[vector<16xi32>], vector<16xf32>,
      %parallel_loop3A_484 = arith.constant 56 : i32
      %parallel_loop3A_485 = vector.broadcast %parallel_loop3A_484 : i32 to vector<16xi32>
      %parallel_loop3A_486 = arith.addi %parallel_loop3A_31, %parallel_loop3A_485 : vector<16xi32>
      %parallel_loop3A_487 = arith.mulf %parallel_loop3A_483, %parallel_loop3A_24 : vector<16xf32>
      tpu.vector_store_idx %arg9[%parallel_loop3A_486], %parallel_loop3A_487 : memref<100352xf32, #tpu.memory_space<vmem>>[vector<16xi32>], vector<16xf32>,
      %parallel_loop3A_488 = arith.constant 57 : i32
      %parallel_loop3A_489 = vector.broadcast %parallel_loop3A_488 : i32 to vector<16xi32>
      %parallel_loop3A_490 = arith.addi %parallel_loop3A_20, %parallel_loop3A_489 : vector<16xi32>
      %parallel_loop3A_491 = tpu.vector_load_idx %arg8[%parallel_loop3A_490] : memref<1024xf32, #tpu.memory_space<vmem>>[vector<16xi32>], vector<16xf32>,
      %parallel_loop3A_492 = arith.constant 57 : i32
      %parallel_loop3A_493 = vector.broadcast %parallel_loop3A_492 : i32 to vector<16xi32>
      %parallel_loop3A_494 = arith.addi %parallel_loop3A_31, %parallel_loop3A_493 : vector<16xi32>
      %parallel_loop3A_495 = arith.mulf %parallel_loop3A_491, %parallel_loop3A_24 : vector<16xf32>
      tpu.vector_store_idx %arg9[%parallel_loop3A_494], %parallel_loop3A_495 : memref<100352xf32, #tpu.memory_space<vmem>>[vector<16xi32>], vector<16xf32>,
      %parallel_loop3A_496 = arith.constant 58 : i32
      %parallel_loop3A_497 = vector.broadcast %parallel_loop3A_496 : i32 to vector<16xi32>
      %parallel_loop3A_498 = arith.addi %parallel_loop3A_20, %parallel_loop3A_497 : vector<16xi32>
      %parallel_loop3A_499 = tpu.vector_load_idx %arg8[%parallel_loop3A_498] : memref<1024xf32, #tpu.memory_space<vmem>>[vector<16xi32>], vector<16xf32>,
      %parallel_loop3A_500 = arith.constant 58 : i32
      %parallel_loop3A_501 = vector.broadcast %parallel_loop3A_500 : i32 to vector<16xi32>
      %parallel_loop3A_502 = arith.addi %parallel_loop3A_31, %parallel_loop3A_501 : vector<16xi32>
      %parallel_loop3A_503 = arith.mulf %parallel_loop3A_499, %parallel_loop3A_24 : vector<16xf32>
      tpu.vector_store_idx %arg9[%parallel_loop3A_502], %parallel_loop3A_503 : memref<100352xf32, #tpu.memory_space<vmem>>[vector<16xi32>], vector<16xf32>,
      %parallel_loop3A_504 = arith.constant 59 : i32
      %parallel_loop3A_505 = vector.broadcast %parallel_loop3A_504 : i32 to vector<16xi32>
      %parallel_loop3A_506 = arith.addi %parallel_loop3A_20, %parallel_loop3A_505 : vector<16xi32>
      %parallel_loop3A_507 = tpu.vector_load_idx %arg8[%parallel_loop3A_506] : memref<1024xf32, #tpu.memory_space<vmem>>[vector<16xi32>], vector<16xf32>,
      %parallel_loop3A_508 = arith.constant 59 : i32
      %parallel_loop3A_509 = vector.broadcast %parallel_loop3A_508 : i32 to vector<16xi32>
      %parallel_loop3A_510 = arith.addi %parallel_loop3A_31, %parallel_loop3A_509 : vector<16xi32>
      %parallel_loop3A_511 = arith.mulf %parallel_loop3A_507, %parallel_loop3A_24 : vector<16xf32>
      tpu.vector_store_idx %arg9[%parallel_loop3A_510], %parallel_loop3A_511 : memref<100352xf32, #tpu.memory_space<vmem>>[vector<16xi32>], vector<16xf32>,
      %parallel_loop3A_512 = arith.constant 60 : i32
      %parallel_loop3A_513 = vector.broadcast %parallel_loop3A_512 : i32 to vector<16xi32>
      %parallel_loop3A_514 = arith.addi %parallel_loop3A_20, %parallel_loop3A_513 : vector<16xi32>
      %parallel_loop3A_515 = tpu.vector_load_idx %arg8[%parallel_loop3A_514] : memref<1024xf32, #tpu.memory_space<vmem>>[vector<16xi32>], vector<16xf32>,
      %parallel_loop3A_516 = arith.constant 60 : i32
      %parallel_loop3A_517 = vector.broadcast %parallel_loop3A_516 : i32 to vector<16xi32>
      %parallel_loop3A_518 = arith.addi %parallel_loop3A_31, %parallel_loop3A_517 : vector<16xi32>
      %parallel_loop3A_519 = arith.mulf %parallel_loop3A_515, %parallel_loop3A_24 : vector<16xf32>
      tpu.vector_store_idx %arg9[%parallel_loop3A_518], %parallel_loop3A_519 : memref<100352xf32, #tpu.memory_space<vmem>>[vector<16xi32>], vector<16xf32>,
      %parallel_loop3A_520 = arith.constant 61 : i32
      %parallel_loop3A_521 = vector.broadcast %parallel_loop3A_520 : i32 to vector<16xi32>
      %parallel_loop3A_522 = arith.addi %parallel_loop3A_20, %parallel_loop3A_521 : vector<16xi32>
      %parallel_loop3A_523 = tpu.vector_load_idx %arg8[%parallel_loop3A_522] : memref<1024xf32, #tpu.memory_space<vmem>>[vector<16xi32>], vector<16xf32>,
      %parallel_loop3A_524 = arith.constant 61 : i32
      %parallel_loop3A_525 = vector.broadcast %parallel_loop3A_524 : i32 to vector<16xi32>
      %parallel_loop3A_526 = arith.addi %parallel_loop3A_31, %parallel_loop3A_525 : vector<16xi32>
      %parallel_loop3A_527 = arith.mulf %parallel_loop3A_523, %parallel_loop3A_24 : vector<16xf32>
      tpu.vector_store_idx %arg9[%parallel_loop3A_526], %parallel_loop3A_527 : memref<100352xf32, #tpu.memory_space<vmem>>[vector<16xi32>], vector<16xf32>,
      %parallel_loop3A_528 = arith.constant 62 : i32
      %parallel_loop3A_529 = vector.broadcast %parallel_loop3A_528 : i32 to vector<16xi32>
      %parallel_loop3A_530 = arith.addi %parallel_loop3A_20, %parallel_loop3A_529 : vector<16xi32>
      %parallel_loop3A_531 = tpu.vector_load_idx %arg8[%parallel_loop3A_530] : memref<1024xf32, #tpu.memory_space<vmem>>[vector<16xi32>], vector<16xf32>,
      %parallel_loop3A_532 = arith.constant 62 : i32
      %parallel_loop3A_533 = vector.broadcast %parallel_loop3A_532 : i32 to vector<16xi32>
      %parallel_loop3A_534 = arith.addi %parallel_loop3A_31, %parallel_loop3A_533 : vector<16xi32>
      %parallel_loop3A_535 = arith.mulf %parallel_loop3A_531, %parallel_loop3A_24 : vector<16xf32>
      tpu.vector_store_idx %arg9[%parallel_loop3A_534], %parallel_loop3A_535 : memref<100352xf32, #tpu.memory_space<vmem>>[vector<16xi32>], vector<16xf32>,
      %parallel_loop3A_536 = arith.constant 63 : i32
      %parallel_loop3A_537 = vector.broadcast %parallel_loop3A_536 : i32 to vector<16xi32>
      %parallel_loop3A_538 = arith.addi %parallel_loop3A_20, %parallel_loop3A_537 : vector<16xi32>
      %parallel_loop3A_539 = tpu.vector_load_idx %arg8[%parallel_loop3A_538] : memref<1024xf32, #tpu.memory_space<vmem>>[vector<16xi32>], vector<16xf32>,
      %parallel_loop3A_540 = arith.constant 63 : i32
      %parallel_loop3A_541 = vector.broadcast %parallel_loop3A_540 : i32 to vector<16xi32>
      %parallel_loop3A_542 = arith.addi %parallel_loop3A_31, %parallel_loop3A_541 : vector<16xi32>
      %parallel_loop3A_543 = arith.mulf %parallel_loop3A_539, %parallel_loop3A_24 : vector<16xf32>
      tpu.vector_store_idx %arg9[%parallel_loop3A_542], %parallel_loop3A_543 : memref<100352xf32, #tpu.memory_space<vmem>>[vector<16xi32>], vector<16xf32>,
    } {sc.loop_unroll_factor = 2 : i64, sc.parallel_access}
    %mul3A_5 = arith.constant 64 : i32
    %mul3A_6 = arith.muli %mul3A_2, %mul3A_5 : i32
    "tpu.region"() ({
      %run_scoped3A = tpu.sem_alloc : memref<!tpu.dma_semaphore, #tpu.memory_space<semaphore_mem>>
      %dma_start3A = tpu.memref_slice %arg5[%mul3A_6] : memref<3211264xf32, #tpu.memory_space<hbm>> -> memref<100352xf32, #tpu.memory_space<hbm>>
      %dma_start3A_7 = tpu.memref_slice %arg5[%mul3A_6] : memref<3211264xf32, #tpu.memory_space<hbm>> -> memref<100352xf32, #tpu.memory_space<hbm>>
      tpu.enqueue_dma source(%arg9 : memref<100352xf32, #tpu.memory_space<vmem>>) target(%dma_start3A_7 : memref<100352xf32, #tpu.memory_space<hbm>>) target_semaphore(%run_scoped3A : memref<!tpu.dma_semaphore, #tpu.memory_space<semaphore_mem>>)
      %dma_wait3A = tpu.memref_slice %arg5[%mul3A_6] : memref<3211264xf32, #tpu.memory_space<hbm>> -> memref<100352xf32, #tpu.memory_space<hbm>>
      %dma_wait3A_8 = tpu.memref_slice %arg5[%mul3A_6] : memref<3211264xf32, #tpu.memory_space<hbm>> -> memref<100352xf32, #tpu.memory_space<hbm>>
      tpu.wait_dma2 semaphore(%run_scoped3A : memref<!tpu.dma_semaphore, #tpu.memory_space<semaphore_mem>>) src(%arg9 : memref<100352xf32, #tpu.memory_space<vmem>>) dst(%dma_wait3A_8 : memref<100352xf32, #tpu.memory_space<hbm>>)
      tpu.yield
    }) : () -> ()
    return
  }
}

module attributes {stable_mosaic.version = 14 : i64} {
  func.func @_rowsum_body(%arg0: memref<16x64x64xf32, #tpu.memory_space<vmem>>, %arg1: memref<16x64xf32, #tpu.memory_space<vmem>>) attributes {dimension_semantics = [], scalar_prefetch = 0 : i64, scratch_operands = 0 : i64, tpu.core_type = #tpu.core_type<tc>} {
    %get3A = arith.constant 0 : index
    %get3A_0 = arith.constant 0 : index
    %get3A_1 = arith.constant 0 : index
    %get3A_2 = vector.load %arg0[%get3A, %get3A_0, %get3A_1] : memref<16x64x64xf32, #tpu.memory_space<vmem>>, vector<16x64x64xf32>
    %reduce_sum3A = arith.constant dense<0.000000e+00> : vector<16x64xf32>
    %reduce_sum3A_3 = vector.multi_reduction <add>, %get3A_2, %reduce_sum3A [2] : vector<16x64x64xf32> to vector<16x64xf32>
    %swap3A = arith.constant 0 : index
    %swap3A_4 = arith.constant 0 : index
    %swap3A_5 = vector.load %arg1[%swap3A, %swap3A_4] : memref<16x64xf32, #tpu.memory_space<vmem>>, vector<16x64xf32>
    tpu.vector_store %arg1[%swap3A, %swap3A_4], %reduce_sum3A_3 {strides = array<i32>} : memref<16x64xf32, #tpu.memory_space<vmem>>, vector<16x64xf32>,
    return
  }
}

</mosaic_0001>

<sc_bundles>
// kernel: kernel.4.cloned.1.call-start
scs
__scs_entry_jumppad:
0x0: {  	(pc) =	sbr.rel $0x88, $3  }
0x1: {  	(tag) =	ssettag $0x0;
	lr =	simm.s32 $0x1  }
0x2: {  	[smem:$0x3F9E] =	sst lr;
	_ =	strace $0xD0000000  }
0x3: {  	_ = 	snop  }
0x4: {  	_ = 	snop  }
0x5: {  	_ = 	snop  }
0x6: {  	_ = 	snop  }
0x7: {  	_ = 	snop  }
__scs_overlays_trampoline_lowered:
0x8: {  	[smem:$0x3FAD] =	sst s0  }
0x9: {  	[smem:$0x3FAE] =	sst s1  }
0xa: {  	[smem:$0x3FAF] =	sst s2  }
0xb: {  	[smem:$0x3FB0] =	sst s3  }
0xc: {  	[smem:$0x3FB1] =	sst s4  }
0xd: {  	[smem:$0x3FB2] =	sst s5  }
0xe: {  	[smem:$0x3FB3] =	sst s6  }
0xf: {  	[smem:$0x3FB4] =	sst s7  }
0x10: {  	[smem:$0x3FB5] =	sst s8  }
0x11: {  	[smem:$0x3FB6] =	sst s9;
	s0 =	simm.s32 @!p0 $0x0  }
0x12: {  	s1 =	sld [smem:$0x3F9C];
	s0 =	simm.s32 @p0 $0x1  }
0x13: {  	[smem:$0x3FB7] =	sst s0;
	s0 =	simm.s32 @!p1 $0x0  }
0x14: {  	s2 =	sld [smem:$0x3F9B];
	s0 =	simm.s32 @p1 $0x1  }
0x15: {  	[smem:$0x3FB8] =	sst s0;
	s0 =	simm.s32 @!p2 $0x0  }
0x16: {  	s3 =	sld [smem:$0x3FDB];
	s0 =	simm.s32 @p2 $0x1  }
0x17: {  	s4 =	simm.s32 $0x1BF5;
	[smem:$0x3FBA] =	sst s0  }
0x18: {  	s0 =	sld [smem:$0x3F9D];
	_ =	swait.ge [sflag:s4], $0x0  }
0x19: {  	s7 =	sld [smem:$0x3F9E]  }
0x1a: {  	s8 =	sadd.s32 $0xFFFFE003, lr  }
0x1b: {  	s9 =	sadd.s32 $0xFFFFFEF7, lr;
	s5 =	simm.s32 $0xFFFFFFFF;
	p2 =	slt.u32 s8, $0xFFFFF086  }
0x1c: {  	p1 =	slt.u32 s9, $0xF7A;
	s5 =	simm.s32 @!p2 $0x0  }
0x1d: {  	s5 =	simm.s32 @p1 $0x1;
	p0 =	seq.s32 s7, s2  }
0x1e: {  	s7 =	smul.u32 @!p0 $0xF7A, s2;
	p2 =	seq.s32 @!p0 s5, $0x0  }
0x1f: {  	s9 =	smul.u32 $0xF7A, s1;
	s8 =	simm.s32 @!p0 $0x1BF5;
	p2 =	por !p2, p0  }
0x20: {  	[sflag:s8] =	ssyncset.s32 @!p0 $0xFFFFF086;
	s6 =	sadd.s32 @!p0 s3, s7;
	s7 =	simm.s32 @!p0 $0x108  }
0x21: {  	s3 =	sadd.s32 s3, s9;
	s6 =	sadd.s32 @!p0 $0x88, s6;
	s7 =	simm.s32 @p2 $0x1082  }
0x22: {  	[simem:s7], [sflag:s8] =	dma.local @!p0 [hbm:s6], $0xF7A  }
0x23: {  	s9 =	sor.u32 $0xD0000000, s2;
	s6 =	simm.s32 $0x108;
	_ =	swait.ge @!p0 [sflag:s8], $0x0  }
0x24: {  	s3 =	sadd.s32 $0x88, s3;
	s6 =	simm.s32 @!p1 $0x1082;
	[sflag:s4] =	ssyncset.s32 $0xFFFFF086  }
0x25: {  	[simem:s6], [sflag:s4] =	dma.local [hbm:s3], $0xF7A  }
0x26: {  	[smem:$0x3F9E] =	sst s1;
	(tag) =	ssettag s2;
	_ =	strace s9  }
0x27: {  	s1 =	sld [smem:$0x3FAE]  }
0x28: {  	s2 =	sld [smem:$0x3FAF]  }
0x29: {  	s4 =	sld [smem:$0x3FB1]  }
0x2a: {  	p0 =	seq.s32 s5, $0x0;
	s5 =	sld [smem:$0x3FB2]  }
0x2b: {  	s6 =	sld [smem:$0x3FB3]  }
0x2c: {  	s7 =	sld [smem:$0x3FB4]  }
0x2d: {  	s3 =	simm.s32 $0x108;
	s8 =	sld [smem:$0x3FB5]  }
0x2e: {  	s3 =	simm.s32 @!p0 $0x1082;
	s9 =	sld [smem:$0x3FB6]  }
0x2f: {  	lr =	sadd.s32 s0, s3;
	s0 =	sld [smem:$0x3FAD]  }
0x30: {  	s3 =	sld [smem:$0x3FB0]  }
0x31: {  	[smem:$0x3FB9] =	sst s10  }
0x32: {  	s10 =	sld [smem:$0x3FB7];
	_ =	sdelay $0x3  }
0x33: {  	p0 =	seq.s32 s10, $0x1;
	s10 =	sld [smem:$0x3FB9];
	_ =	sdelay $0x3  }
0x34: {  	[smem:$0x3FB9] =	sst s10  }
0x35: {  	s10 =	sld [smem:$0x3FB8];
	_ =	sdelay $0x3  }
0x36: {  	p1 =	seq.s32 s10, $0x1;
	s10 =	sld [smem:$0x3FB9];
	_ =	sdelay $0x3  }
0x37: {  	[smem:$0x3FB9] =	sst s10  }
0x38: {  	s10 =	sld [smem:$0x3FBA]  }
0x39: {  	_ = 	snop;
	(pc) =	sbr.ind lr, $3  }
0x3a: {  	_ = 	snop  }
0x3b: {  	_ = 	snop  }
0x3c: {  	p2 =	seq.s32 s10, $0x1;
	s10 =	sld [smem:$0x3FB9]  }
0x3d: {  	_ =	shalt  }
0x3e: {  	_ =	shalt  }
0x3f: {  	_ =	shalt  }
0x40: {  	_ =	shalt  }
0x41: {  	_ =	shalt  }
0x42: {  	_ =	shalt  }
0x43: {  	_ =	shalt  }
0x44: {  	_ =	shalt  }
0x45: {  	_ =	shalt  }
0x46: {  	_ =	shalt  }
0x47: {  	_ =	shalt  }
0x48: {  	_ =	shalt  }
0x49: {  	_ =	shalt  }
0x4a: {  	_ =	shalt  }
0x4b: {  	_ =	shalt  }
0x4c: {  	_ =	shalt  }
0x4d: {  	_ =	shalt  }
0x4e: {  	_ =	shalt  }
0x4f: {  	_ =	shalt  }
0x50: {  	_ =	shalt  }
0x51: {  	_ =	shalt  }
0x52: {  	_ =	shalt  }
0x53: {  	_ =	shalt  }
0x54: {  	_ =	shalt  }
0x55: {  	_ =	shalt  }
0x56: {  	_ =	shalt  }
0x57: {  	_ =	shalt  }
0x58: {  	_ =	shalt  }
0x59: {  	_ =	shalt  }
0x5a: {  	_ =	shalt  }
0x5b: {  	_ =	shalt  }
0x5c: {  	_ =	shalt  }
0x5d: {  	_ =	shalt  }
0x5e: {  	_ =	shalt  }
0x5f: {  	_ =	shalt  }
0x60: {  	_ =	shalt  }
0x61: {  	_ =	shalt  }
0x62: {  	_ =	shalt  }
0x63: {  	_ =	shalt  }
0x64: {  	_ =	shalt  }
0x65: {  	_ =	shalt  }
0x66: {  	_ =	shalt  }
0x67: {  	_ =	shalt  }
0x68: {  	_ =	shalt  }
0x69: {  	_ =	shalt  }
0x6a: {  	_ =	shalt  }
0x6b: {  	_ =	shalt  }
0x6c: {  	_ =	shalt  }
0x6d: {  	_ =	shalt  }
0x6e: {  	_ =	shalt  }
0x6f: {  	_ =	shalt  }
0x70: {  	_ =	shalt  }
0x71: {  	_ =	shalt  }
0x72: {  	_ =	shalt  }
0x73: {  	_ =	shalt  }
0x74: {  	_ =	shalt  }
0x75: {  	_ =	shalt  }
0x76: {  	_ =	shalt  }
0x77: {  	_ =	shalt  }
0x78: {  	_ =	shalt  }
0x79: {  	_ =	shalt  }
0x7a: {  	_ =	shalt  }
0x7b: {  	_ =	shalt  }
0x7c: {  	_ =	shalt  }
0x7d: {  	_ =	shalt  }
0x7e: {  	_ =	shalt  }
0x7f: {  	_ =	shalt  }
0x80: {  	_ =	shalt  }
0x81: {  	_ =	shalt  }
0x82: {  	_ =	shalt  }
0x83: {  	_ =	shalt  }
0x84: {  	_ =	shalt  }
0x85: {  	_ =	shalt  }
0x86: {  	_ =	shalt  }
0x87: {  	_ =	shalt  }
.Lfunc_end0:
.L_simem_size_0:
called_computation_lowered:
.L_overlay_start_0:
0x88: {  	s2 =	sld [smem:$0x3FD9]  }
0x89: {  	s3 =	sld [smem:$0x3FFE];
	_ =	sdelay $0x1  }
0x8a: {  	s1 =	srdreg.scid  }
0x8b: {  	s0 =	sand.u32 $0x1, s1  }
0x8c: {  	s17 =	sshll.u32 s0, $0xA;
	s2 =	sadd.s32 s3, s2  }
0x8d: {  	s2 =	sadd.s32 s2, s17  }
0x8e: {  	[smem:$0x3FC5] =	sst s2  }
0x8f: {  	_ = 	snop  }
0x90: {  	s2 =	sld [smem:$0x3FD0];
	(tm) =	ssettm $0x1  }
0x91: {  	s18 =	sld [smem:$0x3FFB];
	_ =	sdelay $0x3  }
0x92: {  	_ =	strace s18  }
0x93: {  	s3 =	sld [smem:$0x3FFC];
	_ =	sdelay $0x3  }
0x94: {  	_ =	strace s3  }
0x95: {  	s3 =	sld [smem:$0x3FFD];
	_ =	sdelay $0x3  }
0x96: {  	_ =	strace s3  }
0x97: {  	_ =	strace $0x8FFFFFFF  }
0x98: {  	s19 =	sld [smem:$0x3FDB];
	_ =	sdelay $0x1  }
0x99: {  	s4 =	simm.s32 $_scs_section_size  }
0x9a: {  	s5 =	simm.s32 $_size__tile_overlayer_lowered;
	s6 =	simm.s32 $_tile_overlayer_lowered  }
0x9b: {  	s22 =	simm.s32 $0x1BFF;
	s21 =	sshll.u32 s6, $0x1;
	s3 =	sadd.s32 s4, s19  }
0x9c: {  	s7 =	simm.s32 $0x0;
	s20 =	sshll.u32 s5, $0x1;
	s5 =	sadd.s32 s21, s3  }
0x9d: {  	[timem:s7], [sflag:s22] =	dma.local [hbm:s5], s20  }
0x9e: {  	_ =	swait.ge [sflag:s22], s20  }
0x9f: {  	s4 =	ssub.s32 $0x0, s20;
	[sflag:s22] =	ssyncset.done $0x0  }
0xa0: {  	[sflag:s22] =	ssyncadd.s32 s4;
	_ =	sdelay $0x1  }
0xa1: {  	s23 =	simm.s32 $0x1B8B  }
0xa2: {  	_ =	swait.ge [sflag:s23], $0x1  }
0xa3: {  	[sflag:s23] =	ssyncset.done $0x0  }
0xa4: {  	s25 =	simm.s32 $0x1B8E;
	s24 =	sld [smem:$0x3FFE];
	[sflag:s23] =	ssyncadd.s32 $0xFFFFFFFF  }
0xa5: {  	s26 =	simm.s32 $execute0_lowered;
	[smem:$0x3FD2] =	sst s25  }
0xa6: {  	s5 =	sshll.u32 s26, $0x1;
	_ =	strace $0x80000046;
	[dreg:$0x1] =	wrdreg $0xFFFFFFFF  }
0xa7: {  	s28 =	simm.s32 $_size_execute0_lowered;
	s3 =	sadd.s32 s3, s5;
	[dreg:$0x0] =	wrdreg $0x0  }
0xa8: {  	s5 =	sshll.u32 s28, $0x1;
	[dreg:$0x2] =	wrdreg s3  }
0xa9: {  	[dreg:$0x3] =	wrdreg s5  }
0xaa: {  	[dreg:$0x4] =	wrdreg $0xC0  }
0xab: {  	_ =	task [dreg:s7], $0x5FFFF  }
0xac: {  	[dreg:$0x1] =	wrdreg $0xFFFFFFFF  }
0xad: {  	[dreg:$0x0] =	wrdreg $0x60  }
0xae: {  	[dreg:$0x2] =	wrdreg s2  }
0xaf: {  	[dreg:$0x3] =	wrdreg s24  }
0xb0: {  	[dreg:$0x4] =	wrdreg $0x9  }
0xb1: {  	_ =	task.clear_ibuf [dreg:s7], $0x5FFFF;
	_ =	strace $0x90000046  }
0xb2: {  	s29 =	simm.s32 $0x9;
	_ =	strace $0x80000048  }
0xb3: {  	_ =	swait.ge [sflag:s29], $0x1  }
0xb4: {  	[sflag:s29] =	ssyncadd.s32 $0xFFFFFFFF  }
0xb5: {  	_ =	strace $0x90000048  }
0xb6: {  	_ =	sfence  }
0xb7: {  	s30 =	sld [smem:$0x0];
	_ =	sdelay $0x2  }
0xb8: {  	s31 =	sshll.u32 s1, $0xD;
	s1 =	sshrl.u32 s1, $0x2  }
0xb9: {  	s3 =	sand.u32 $0x4000, s31;
	s1 =	sadd.s32 s1, s30  }
0xba: {  	s0 =	sor.u32 s3, s0;
	s1 =	sshll.u32 s1, $0x11  }
0xbb: {  	s0 =	sor.u32 s1, s0  }
0xbc: {  	s0 =	sadd.s32 $0x8F2B, s0  }
0xbd: {  	[sflag:s0] =	ssyncadd.remote.s32 $0x1  }
0xbe: {  	_ =	sfence.sel $0xFFFF  }
0xbf: {  	[dreg:$0x0] =	wrdreg $0xFFFFFFFF;
	(pc) =	sbr.abs _section_cstart, $3  }
0xc0: {  	[dreg:$0x1] =	wrdreg $0xFFFFFFFF  }
0xc1: {  	_ =	task.clear_ibuf [dreg:s7], $0x2FFFF;
	_ =	strace $0x9FFFFFFF  }
0xc2: {  	(tm) =	ssettm $0x7FFFFFFF  }
0xc3: {  	_ =	shalt  }
tec
execute0_lowered:
.L_overlay_start_1:
0x0: {  	(tag) =	ssettag $0x1  }
0x1: {  	s1 =	srdreg.scid  }
0x2: {  	s0 =	stileid.u32;
	s4 =	rddreg [dreg:$0x0]  }
0x3: {  	s2 =	rddreg [dreg:$0x1];
	s5 =	sand.u32 $0x1, s1;
	s31 =	sshll.u32 s0, $0x1  }
0x4: {  	s3 =	simm.s32 $0x0;
	s10 =	simm.s32 $0xD00;
	s6 =	sor.u32 s5, s31  }
0x5: {  	s11 =	simm.s32 $0x1100;
	s12 =	simm.s32 $0x0;
	s7 =	smul.u32 $0xC4, s6  }
0x6: {  	[smem:$0x7FF] =	sst s3;
	s5 =	ssub.s32 $0x2, s5;
	s6 =	smul.u32 $0x3100, s6  }
0x7: {  	s1 =	rddreg [dreg:$0x2];
	_ =	strace $0x80000047;
	s8 =	sshrl.u32 s5, $0x1  }
0x8: {  	s8 =	ssub.s32 s5, s8;
	s9 =	sadd.s32 s7, s2;
	s6 =	sadd.s32 s6, s2  }
0x9: {  	v0 =	vlaneseq.u32;
	s4 =	sadd.s32 s4, s7;
	s7 =	smax.u32 s8, $0x1;
	s8 =	simm.s32 $0x1  }
0xa: {  	v0 =	vmul.u32 $0x40, v0;
	s5 =	sadd.s32 $0x200, s9;
	s6 =	sadd.s32 $0x1C00, s6;
	s9 =	simm.s32 $0x680  }
.LBB2_1:
0xb: {  	[tilespmem:s3], [sflag:$0x1] =	stream.linear.gather [hbm4b:s4+s3], $0x620, $0x38;
	[tilespmem:$0x19900] =	vst v63  }
0xc: {  	_ =	swait.ge [sflag:s8], $0x620  }
0xd: {  	[sflag:s8] =	ssyncset.done $0x0  }
0xe: {  	[sflag:s8] =	ssyncadd.s32 $0xFFFFF9E0  }
0xf: {  	[tilespmem:s9], [sflag:$0x1] =	stream.linear.gather [hbm4b:s5+s3], $0x620, $0x38;
	[tilespmem:$0x19900] =	vst v63  }
0x10: {  	_ =	swait.ge [sflag:s8], $0x620  }
0x11: {  	[sflag:s8] =	ssyncset.done $0x0  }
0x12: {  	[sflag:s8] =	ssyncadd.s32 $0xFFFFF9E0  }
0x13: {  	[tilespmem:s10], [sflag:$0x1] =	stream.linear.gather [hbm4b:s2+s3], $0x400, $0x38;
	[tilespmem:$0x19900] =	vst v63  }
0x14: {  	_ =	swait.ge [sflag:s8], $0x400  }
0x15: {  	[sflag:s8] =	ssyncset.done $0x0  }
0x16: {  	s13 =	simm.s32 $0x10;
	[sflag:s8] =	ssyncadd.s32 $0xFFFFFC00  }
0x17: {  	v1 =	vld [tilespmem:s13+$0xFFFFFFF0];
	_ =	sdelay $0x3  }
0x18: {  	v2 =	vld [tilespmem:s13+$0x0]  }
0x19: {  	v1 =	vadd.s32 $0xFFFFFFFF, v1  }
0x1a: {  	vm0 =	vgt.s32 v1, $0x0  }
0x1b: {  	v1 =	vnsel vm0, $0x0, v1  }
0x1c: {  	v25 =	vshll.u32 v1, $0x6  }
0x1d: {  	v1 =	vadd.s32 $0xFFFFFFFF, v2  }
0x1e: {  	vm10 =	vgt.s32 v1, $0x0  }
0x1f: {  	s14 =	simm.s32 $0x690;
	v1 =	vnsel vm10, $0x0, v1  }
0x20: {  	s15 =	simm.s32 $0x0;
	v20 =	vld [tilespmem:s14+$0xFFFFFFF0];
	v24 =	vshll.u32 v1, $0x6  }
0x21: {  	v1 =	vmov s15;
	v2 =	vld.idx.msk [tilespmem:v25+s10+$0x0], $0xffff  }
0x22: {  	v1 =	vshll.u32 v1, $0x6  }
0x23: {  	v21 =	vor.u32 v0, v1  }
0x24: {  	v19 =	vld [tilespmem:s14+$0x0];
	v1 =	vor.u32 $0x1, v25  }
0x25: {  	v3 =	vmov s13;
	v4 =	vld.idx.msk [tilespmem:v24+s10+$0x0], $0xffff  }
0x26: {  	v3 =	vshll.u32 v3, $0x6;
	v2 =	vmul.f32 v2, v20  }
0x27: {  	v22 =	vor.u32 v0, v3  }
0x28: {  	v3 =	vor.u32 $0x1, v24;
	[tilespmem:v21+s11+$0x0] =	vst.idx.msk $0xffff, v2  }
0x29: {  	v1 =	vld.idx.msk [tilespmem:v1+s10+$0x0], $0xffff  }
0x2a: {  	v2 =	vmul.f32 v4, v19  }
0x2b: {  	v4 =	vor.u32 $0x1, v21  }
0x2c: {  	[tilespmem:v22+s11+$0x0] =	vst.idx.msk $0xffff, v2;
	v2 =	vor.u32 $0x2, v25  }
0x2d: {  	v3 =	vld.idx.msk [tilespmem:v3+s10+$0x0], $0xffff  }
0x2e: {  	v1 =	vmul.f32 v1, v20  }
0x2f: {  	v5 =	vor.u32 $0x1, v22  }
0x30: {  	v6 =	vor.u32 $0x2, v24;
	[tilespmem:v4+s11+$0x0] =	vst.idx.msk $0xffff, v1  }
0x31: {  	v1 =	vld.idx.msk [tilespmem:v2+s10+$0x0], $0xffff  }
0x32: {  	v2 =	vmul.f32 v3, v19  }
0x33: {  	v3 =	vor.u32 $0x2, v21  }
0x34: {  	[tilespmem:v5+s11+$0x0] =	vst.idx.msk $0xffff, v2;
	v2 =	vor.u32 $0x3, v25  }
0x35: {  	v4 =	vld.idx.msk [tilespmem:v6+s10+$0x0], $0xffff  }
0x36: {  	v1 =	vmul.f32 v1, v20  }
0x37: {  	v5 =	vor.u32 $0x2, v22  }
0x38: {  	v6 =	vor.u32 $0x3, v24;
	[tilespmem:v3+s11+$0x0] =	vst.idx.msk $0xffff, v1  }
0x39: {  	v1 =	vld.idx.msk [tilespmem:v2+s10+$0x0], $0xffff  }
0x3a: {  	v2 =	vmul.f32 v4, v19  }
0x3b: {  	v3 =	vor.u32 $0x3, v21  }
0x3c: {  	[tilespmem:v5+s11+$0x0] =	vst.idx.msk $0xffff, v2;
	v2 =	vor.u32 $0x4, v25  }
0x3d: {  	v4 =	vld.idx.msk [tilespmem:v6+s10+$0x0], $0xffff  }
0x3e: {  	v1 =	vmul.f32 v1, v20  }
0x3f: {  	v5 =	vor.u32 $0x3, v22  }
0x40: {  	v6 =	vor.u32 $0x4, v24;
	[tilespmem:v3+s11+$0x0] =	vst.idx.msk $0xffff, v1  }
0x41: {  	v1 =	vld.idx.msk [tilespmem:v2+s10+$0x0], $0xffff  }
0x42: {  	v2 =	vmul.f32 v4, v19  }
0x43: {  	v3 =	vor.u32 $0x4, v21  }
0x44: {  	[tilespmem:v5+s11+$0x0] =	vst.idx.msk $0xffff, v2;
	v2 =	vor.u32 $0x5, v25  }
0x45: {  	v4 =	vld.idx.msk [tilespmem:v6+s10+$0x0], $0xffff  }
0x46: {  	v1 =	vmul.f32 v1, v20  }
0x47: {  	v5 =	vor.u32 $0x4, v22  }
0x48: {  	v6 =	vor.u32 $0x5, v24;
	[tilespmem:v3+s11+$0x0] =	vst.idx.msk $0xffff, v1  }
0x49: {  	v1 =	vld.idx.msk [tilespmem:v2+s10+$0x0], $0xffff  }
0x4a: {  	v2 =	vmul.f32 v4, v19  }
0x4b: {  	v3 =	vor.u32 $0x5, v21  }
0x4c: {  	[tilespmem:v5+s11+$0x0] =	vst.idx.msk $0xffff, v2;
	v2 =	vor.u32 $0x6, v25  }
0x4d: {  	v4 =	vld.idx.msk [tilespmem:v6+s10+$0x0], $0xffff  }
0x4e: {  	v1 =	vmul.f32 v1, v20  }
0x4f: {  	v5 =	vor.u32 $0x5, v22  }
0x50: {  	v6 =	vor.u32 $0x6, v24;
	[tilespmem:v3+s11+$0x0] =	vst.idx.msk $0xffff, v1  }
0x51: {  	v1 =	vld.idx.msk [tilespmem:v2+s10+$0x0], $0xffff  }
0x52: {  	v2 =	vmul.f32 v4, v19  }
0x53: {  	v3 =	vor.u32 $0x6, v21  }
0x54: {  	[tilespmem:v5+s11+$0x0] =	vst.idx.msk $0xffff, v2;
	v2 =	vor.u32 $0x7, v25  }
0x55: {  	v4 =	vld.idx.msk [tilespmem:v6+s10+$0x0], $0xffff  }
0x56: {  	v1 =	vmul.f32 v1, v20  }
0x57: {  	v5 =	vor.u32 $0x6, v22  }
0x58: {  	v6 =	vor.u32 $0x7, v24;
	[tilespmem:v3+s11+$0x0] =	vst.idx.msk $0xffff, v1  }
0x59: {  	v1 =	vld.idx.msk [tilespmem:v2+s10+$0x0], $0xffff  }
0x5a: {  	v2 =	vmul.f32 v4, v19  }
0x5b: {  	v3 =	vor.u32 $0x7, v21  }
0x5c: {  	[tilespmem:v5+s11+$0x0] =	vst.idx.msk $0xffff, v2;
	v2 =	vor.u32 $0x8, v25  }
0x5d: {  	v4 =	vld.idx.msk [tilespmem:v6+s10+$0x0], $0xffff  }
0x5e: {  	v1 =	vmul.f32 v1, v20  }
0x5f: {  	v5 =	vor.u32 $0x7, v22  }
0x60: {  	v6 =	vor.u32 $0x8, v24;
	[tilespmem:v3+s11+$0x0] =	vst.idx.msk $0xffff, v1  }
0x61: {  	v1 =	vld.idx.msk [tilespmem:v2+s10+$0x0], $0xffff  }
0x62: {  	v2 =	vmul.f32 v4, v19  }
0x63: {  	v3 =	vor.u32 $0x8, v21  }
0x64: {  	[tilespmem:v5+s11+$0x0] =	vst.idx.msk $0xffff, v2;
	v2 =	vor.u32 $0x9, v25  }
0x65: {  	v4 =	vld.idx.msk [tilespmem:v6+s10+$0x0], $0xffff  }
0x66: {  	v1 =	vmul.f32 v1, v20  }
0x67: {  	v5 =	vor.u32 $0x8, v22  }
0x68: {  	v6 =	vor.u32 $0x9, v24;
	[tilespmem:v3+s11+$0x0] =	vst.idx.msk $0xffff, v1  }
0x69: {  	v1 =	vld.idx.msk [tilespmem:v2+s10+$0x0], $0xffff  }
0x6a: {  	v2 =	vmul.f32 v4, v19  }
0x6b: {  	v3 =	vor.u32 $0x9, v21  }
0x6c: {  	[tilespmem:v5+s11+$0x0] =	vst.idx.msk $0xffff, v2;
	v2 =	vor.u32 $0xA, v25  }
0x6d: {  	v4 =	vld.idx.msk [tilespmem:v6+s10+$0x0], $0xffff  }
0x6e: {  	v1 =	vmul.f32 v1, v20  }
0x6f: {  	v5 =	vor.u32 $0x9, v22  }
0x70: {  	v6 =	vor.u32 $0xA, v24;
	[tilespmem:v3+s11+$0x0] =	vst.idx.msk $0xffff, v1  }
0x71: {  	v1 =	vld.idx.msk [tilespmem:v2+s10+$0x0], $0xffff  }
0x72: {  	v2 =	vmul.f32 v4, v19  }
0x73: {  	v3 =	vor.u32 $0xA, v21  }
0x74: {  	[tilespmem:v5+s11+$0x0] =	vst.idx.msk $0xffff, v2;
	v2 =	vor.u32 $0xB, v25  }
0x75: {  	v4 =	vld.idx.msk [tilespmem:v6+s10+$0x0], $0xffff  }
0x76: {  	v1 =	vmul.f32 v1, v20  }
0x77: {  	v5 =	vor.u32 $0xA, v22  }
0x78: {  	v6 =	vor.u32 $0xB, v24;
	[tilespmem:v3+s11+$0x0] =	vst.idx.msk $0xffff, v1  }
0x79: {  	v1 =	vld.idx.msk [tilespmem:v2+s10+$0x0], $0xffff  }
0x7a: {  	v2 =	vmul.f32 v4, v19  }
0x7b: {  	v3 =	vor.u32 $0xB, v21  }
0x7c: {  	[tilespmem:v5+s11+$0x0] =	vst.idx.msk $0xffff, v2;
	v2 =	vor.u32 $0xC, v25  }
0x7d: {  	v4 =	vld.idx.msk [tilespmem:v6+s10+$0x0], $0xffff  }
0x7e: {  	v1 =	vmul.f32 v1, v20  }
0x7f: {  	v5 =	vor.u32 $0xB, v22  }
0x80: {  	v6 =	vor.u32 $0xC, v24;
	[tilespmem:v3+s11+$0x0] =	vst.idx.msk $0xffff, v1  }
0x81: {  	v1 =	vld.idx.msk [tilespmem:v2+s10+$0x0], $0xffff  }
0x82: {  	v2 =	vmul.f32 v4, v19  }
0x83: {  	v3 =	vor.u32 $0xC, v21  }
0x84: {  	[tilespmem:v5+s11+$0x0] =	vst.idx.msk $0xffff, v2;
	v2 =	vor.u32 $0xD, v25  }
0x85: {  	v4 =	vld.idx.msk [tilespmem:v6+s10+$0x0], $0xffff  }
0x86: {  	v1 =	vmul.f32 v1, v20  }
0x87: {  	v5 =	vor.u32 $0xC, v22  }
0x88: {  	v6 =	vor.u32 $0xD, v24;
	[tilespmem:v3+s11+$0x0] =	vst.idx.msk $0xffff, v1  }
0x89: {  	v1 =	vld.idx.msk [tilespmem:v2+s10+$0x0], $0xffff  }
0x8a: {  	v2 =	vmul.f32 v4, v19  }
0x8b: {  	v3 =	vor.u32 $0xD, v21  }
0x8c: {  	[tilespmem:v5+s11+$0x0] =	vst.idx.msk $0xffff, v2;
	v2 =	vor.u32 $0xE, v25  }
0x8d: {  	v4 =	vld.idx.msk [tilespmem:v6+s10+$0x0], $0xffff  }
0x8e: {  	v1 =	vmul.f32 v1, v20  }
0x8f: {  	v5 =	vor.u32 $0xD, v22  }
0x90: {  	v6 =	vor.u32 $0xE, v24;
	[tilespmem:v3+s11+$0x0] =	vst.idx.msk $0xffff, v1  }
0x91: {  	v1 =	vld.idx.msk [tilespmem:v2+s10+$0x0], $0xffff  }
0x92: {  	v2 =	vmul.f32 v4, v19  }
0x93: {  	s22 =	simm.s32 $0x30;
	v3 =	vor.u32 $0xE, v21  }
0x94: {  	[tilespmem:v5+s11+$0x0] =	vst.idx.msk $0xffff, v2;
	v2 =	vor.u32 $0xF, v25;
	v5 =	vld [tilespmem:s22+$0xFFFFFFF0]  }
0x95: {  	v4 =	vld.idx.msk [tilespmem:v6+s10+$0x0], $0xffff  }
0x96: {  	v6 =	vld [tilespmem:s22+$0x0];
	v1 =	vmul.f32 v1, v20;
	_ =	sdelay $0x1  }
0x97: {  	[tilespmem:v3+s11+$0x0] =	vst.idx.msk $0xffff, v1;
	v1 =	vor.u32 $0xE, v22  }
0x98: {  	v3 =	vor.u32 $0xF, v24;
	v2 =	vld.idx.msk [tilespmem:v2+s10+$0x0], $0xffff  }
0x99: {  	v7 =	vor.u32 $0xF, v21;
	v5 =	vadd.s32 $0xFFFFFFFF, v5  }
0x9a: {  	v4 =	vmul.f32 v4, v19;
	v6 =	vadd.s32 $0xFFFFFFFF, v6;
	vm11 =	vgt.s32 v5, $0x0  }
0x9b: {  	v8 =	vor.u32 $0x10, v25;
	vm1 =	vgt.s32 v6, $0x0;
	v5 =	vnsel vm11, $0x0, v5  }
0x9c: {  	[tilespmem:v1+s11+$0x0] =	vst.idx.msk $0xffff, v4;
	v1 =	vnsel vm1, $0x0, v6;
	v4 =	vshll.u32 v5, $0x6  }
0x9d: {  	s23 =	simm.s32 $0x6B0;
	v2 =	vmul.f32 v2, v20;
	v3 =	vld.idx.msk [tilespmem:v3+s10+$0x0], $0xffff;
	v5 =	vshll.u32 v1, $0x6  }
0x9e: {  	v1 =	vld [tilespmem:s23+$0x0]  }
0x9f: {  	[tilespmem:v7+s11+$0x0] =	vst.idx.msk $0xffff, v2;
	v7 =	vor.u32 $0xF, v22;
	v2 =	vld [tilespmem:s23+$0xFFFFFFF0]  }
0xa0: {  	s24 =	simm.s32 $0x20;
	v9 =	vor.u32 $0x10, v24;
	v8 =	vld.idx.msk [tilespmem:v8+s10+$0x0], $0xffff  }
0xa1: {  	v12 =	vmov s22;
	v6 =	vmov s24;
	v10 =	vld.idx.msk [tilespmem:v4+s10+$0x0], $0xffff  }
0xa2: {  	v11 =	vor.u32 $0x10, v21;
	v6 =	vshll.u32 v6, $0x6;
	v3 =	vmul.f32 v3, v19;
	v13 =	vld.idx.msk [tilespmem:v5+s10+$0x0], $0xffff  }
0xa3: {  	v12 =	vshll.u32 v12, $0x6;
	v14 =	vor.u32 $0x11, v25;
	v6 =	vor.u32 v0, v6  }
0xa4: {  	[tilespmem:v7+s11+$0x0] =	vst.idx.msk $0xffff, v3;
	v3 =	vor.u32 v0, v12;
	v7 =	vor.u32 $0x1, v4  }
0xa5: {  	v12 =	vor.u32 $0x1, v5;
	v8 =	vmul.f32 v8, v20;
	v9 =	vld.idx.msk [tilespmem:v9+s10+$0x0], $0xffff  }
0xa6: {  	v10 =	vmul.f32 v10, v2  }
0xa7: {  	[tilespmem:v11+s11+$0x0] =	vst.idx.msk $0xffff, v8;
	v8 =	vor.u32 $0x10, v22;
	v11 =	vmul.f32 v13, v1  }
0xa8: {  	v13 =	vld.idx.msk [tilespmem:v14+s10+$0x0], $0xffff;
	v14 =	vor.u32 $0x11, v24;
	[tilespmem:v6+s11+$0x0] =	vst.idx.msk $0xffff, v10  }
0xa9: {  	v7 =	vld.idx.msk [tilespmem:v7+s10+$0x0], $0xffff;
	[tilespmem:v3+s11+$0x0] =	vst.idx.msk $0xffff, v11  }
0xaa: {  	v10 =	vor.u32 $0x11, v21;
	v9 =	vmul.f32 v9, v19;
	v11 =	vld.idx.msk [tilespmem:v12+s10+$0x0], $0xffff  }
0xab: {  	v15 =	vor.u32 $0x1, v6;
	v12 =	vor.u32 $0x12, v25  }
0xac: {  	[tilespmem:v8+s11+$0x0] =	vst.idx.msk $0xffff, v9;
	v8 =	vor.u32 $0x1, v3;
	v9 =	vor.u32 $0x2, v4  }
0xad: {  	v16 =	vor.u32 $0x2, v5;
	v13 =	vmul.f32 v13, v20;
	v14 =	vld.idx.msk [tilespmem:v14+s10+$0x0], $0xffff  }
0xae: {  	v7 =	vmul.f32 v7, v2  }
0xaf: {  	[tilespmem:v10+s11+$0x0] =	vst.idx.msk $0xffff, v13;
	v10 =	vor.u32 $0x11, v22;
	v11 =	vmul.f32 v11, v1  }
0xb0: {  	v13 =	vor.u32 $0x12, v24;
	v12 =	vld.idx.msk [tilespmem:v12+s10+$0x0], $0xffff;
	[tilespmem:v15+s11+$0x0] =	vst.idx.msk $0xffff, v7  }
0xb1: {  	v7 =	vld.idx.msk [tilespmem:v9+s10+$0x0], $0xffff;
	[tilespmem:v8+s11+$0x0] =	vst.idx.msk $0xffff, v11  }
0xb2: {  	v8 =	vor.u32 $0x12, v21;
	v9 =	vmul.f32 v14, v19;
	v11 =	vld.idx.msk [tilespmem:v16+s10+$0x0], $0xffff  }
0xb3: {  	v15 =	vor.u32 $0x2, v6;
	v14 =	vor.u32 $0x13, v25  }
0xb4: {  	[tilespmem:v10+s11+$0x0] =	vst.idx.msk $0xffff, v9;
	v9 =	vor.u32 $0x2, v3;
	v10 =	vor.u32 $0x3, v4  }
0xb5: {  	v16 =	vor.u32 $0x3, v5;
	v12 =	vmul.f32 v12, v20;
	v13 =	vld.idx.msk [tilespmem:v13+s10+$0x0], $0xffff  }
0xb6: {  	v7 =	vmul.f32 v7, v2  }
0xb7: {  	[tilespmem:v8+s11+$0x0] =	vst.idx.msk $0xffff, v12;
	v8 =	vor.u32 $0x12, v22;
	v11 =	vmul.f32 v11, v1  }
0xb8: {  	v12 =	vld.idx.msk [tilespmem:v14+s10+$0x0], $0xffff;
	v14 =	vor.u32 $0x13, v24;
	[tilespmem:v15+s11+$0x0] =	vst.idx.msk $0xffff, v7  }
0xb9: {  	v7 =	vld.idx.msk [tilespmem:v10+s10+$0x0], $0xffff;
	[tilespmem:v9+s11+$0x0] =	vst.idx.msk $0xffff, v11  }
0xba: {  	v9 =	vor.u32 $0x13, v21;
	v10 =	vmul.f32 v13, v19;
	v11 =	vld.idx.msk [tilespmem:v16+s10+$0x0], $0xffff  }
0xbb: {  	v15 =	vor.u32 $0x3, v6;
	v13 =	vor.u32 $0x14, v25  }
0xbc: {  	[tilespmem:v8+s11+$0x0] =	vst.idx.msk $0xffff, v10;
	v8 =	vor.u32 $0x3, v3;
	v10 =	vor.u32 $0x4, v4  }
0xbd: {  	v16 =	vor.u32 $0x4, v5;
	v12 =	vmul.f32 v12, v20;
	v14 =	vld.idx.msk [tilespmem:v14+s10+$0x0], $0xffff  }
0xbe: {  	v7 =	vmul.f32 v7, v2  }
0xbf: {  	[tilespmem:v9+s11+$0x0] =	vst.idx.msk $0xffff, v12;
	v9 =	vor.u32 $0x13, v22;
	v11 =	vmul.f32 v11, v1  }
0xc0: {  	v12 =	vld.idx.msk [tilespmem:v13+s10+$0x0], $0xffff;
	v13 =	vor.u32 $0x14, v24;
	[tilespmem:v15+s11+$0x0] =	vst.idx.msk $0xffff, v7  }
0xc1: {  	v7 =	vld.idx.msk [tilespmem:v10+s10+$0x0], $0xffff;
	[tilespmem:v8+s11+$0x0] =	vst.idx.msk $0xffff, v11  }
0xc2: {  	v8 =	vor.u32 $0x14, v21;
	v10 =	vmul.f32 v14, v19;
	v11 =	vld.idx.msk [tilespmem:v16+s10+$0x0], $0xffff  }
0xc3: {  	v15 =	vor.u32 $0x4, v6;
	v14 =	vor.u32 $0x15, v25  }
0xc4: {  	[tilespmem:v9+s11+$0x0] =	vst.idx.msk $0xffff, v10;
	v9 =	vor.u32 $0x4, v3;
	v10 =	vor.u32 $0x5, v4  }
0xc5: {  	v16 =	vor.u32 $0x5, v5;
	v12 =	vmul.f32 v12, v20;
	v13 =	vld.idx.msk [tilespmem:v13+s10+$0x0], $0xffff  }
0xc6: {  	v7 =	vmul.f32 v7, v2  }
0xc7: {  	[tilespmem:v8+s11+$0x0] =	vst.idx.msk $0xffff, v12;
	v8 =	vor.u32 $0x14, v22;
	v11 =	vmul.f32 v11, v1  }
0xc8: {  	v12 =	vld.idx.msk [tilespmem:v14+s10+$0x0], $0xffff;
	v14 =	vor.u32 $0x15, v24;
	[tilespmem:v15+s11+$0x0] =	vst.idx.msk $0xffff, v7  }
0xc9: {  	v7 =	vld.idx.msk [tilespmem:v10+s10+$0x0], $0xffff;
	[tilespmem:v9+s11+$0x0] =	vst.idx.msk $0xffff, v11  }
0xca: {  	v9 =	vor.u32 $0x15, v21;
	v10 =	vmul.f32 v13, v19;
	v11 =	vld.idx.msk [tilespmem:v16+s10+$0x0], $0xffff  }
0xcb: {  	v15 =	vor.u32 $0x5, v6;
	v13 =	vor.u32 $0x16, v25  }
0xcc: {  	[tilespmem:v8+s11+$0x0] =	vst.idx.msk $0xffff, v10;
	v8 =	vor.u32 $0x5, v3;
	v10 =	vor.u32 $0x6, v4  }
0xcd: {  	v16 =	vor.u32 $0x6, v5;
	v12 =	vmul.f32 v12, v20;
	v14 =	vld.idx.msk [tilespmem:v14+s10+$0x0], $0xffff  }
0xce: {  	v7 =	vmul.f32 v7, v2  }
0xcf: {  	[tilespmem:v9+s11+$0x0] =	vst.idx.msk $0xffff, v12;
	v9 =	vor.u32 $0x15, v22;
	v11 =	vmul.f32 v11, v1  }
0xd0: {  	v12 =	vld.idx.msk [tilespmem:v13+s10+$0x0], $0xffff;
	v13 =	vor.u32 $0x16, v24;
	[tilespmem:v15+s11+$0x0] =	vst.idx.msk $0xffff, v7  }
0xd1: {  	v7 =	vld.idx.msk [tilespmem:v10+s10+$0x0], $0xffff;
	[tilespmem:v8+s11+$0x0] =	vst.idx.msk $0xffff, v11  }
0xd2: {  	v8 =	vor.u32 $0x16, v21;
	v10 =	vmul.f32 v14, v19;
	v11 =	vld.idx.msk [tilespmem:v16+s10+$0x0], $0xffff  }
0xd3: {  	v15 =	vor.u32 $0x6, v6;
	v14 =	vor.u32 $0x17, v25  }
0xd4: {  	[tilespmem:v9+s11+$0x0] =	vst.idx.msk $0xffff, v10;
	v9 =	vor.u32 $0x6, v3;
	v10 =	vor.u32 $0x7, v4  }
0xd5: {  	v16 =	vor.u32 $0x7, v5;
	v12 =	vmul.f32 v12, v20;
	v13 =	vld.idx.msk [tilespmem:v13+s10+$0x0], $0xffff  }
0xd6: {  	v7 =	vmul.f32 v7, v2  }
0xd7: {  	[tilespmem:v8+s11+$0x0] =	vst.idx.msk $0xffff, v12;
	v8 =	vor.u32 $0x16, v22;
	v11 =	vmul.f32 v11, v1  }
0xd8: {  	v12 =	vld.idx.msk [tilespmem:v14+s10+$0x0], $0xffff;
	v14 =	vor.u32 $0x17, v24;
	[tilespmem:v15+s11+$0x0] =	vst.idx.msk $0xffff, v7  }
0xd9: {  	v7 =	vld.idx.msk [tilespmem:v10+s10+$0x0], $0xffff;
	[tilespmem:v9+s11+$0x0] =	vst.idx.msk $0xffff, v11  }
0xda: {  	v9 =	vor.u32 $0x17, v21;
	v10 =	vmul.f32 v13, v19;
	v11 =	vld.idx.msk [tilespmem:v16+s10+$0x0], $0xffff  }
0xdb: {  	v15 =	vor.u32 $0x7, v6;
	v13 =	vor.u32 $0x18, v25  }
0xdc: {  	[tilespmem:v8+s11+$0x0] =	vst.idx.msk $0xffff, v10;
	v8 =	vor.u32 $0x7, v3;
	v10 =	vor.u32 $0x8, v4  }
0xdd: {  	v16 =	vor.u32 $0x8, v5;
	v12 =	vmul.f32 v12, v20;
	v14 =	vld.idx.msk [tilespmem:v14+s10+$0x0], $0xffff  }
0xde: {  	v7 =	vmul.f32 v7, v2  }
0xdf: {  	[tilespmem:v9+s11+$0x0] =	vst.idx.msk $0xffff, v12;
	v9 =	vor.u32 $0x17, v22;
	v11 =	vmul.f32 v11, v1  }
0xe0: {  	v12 =	vld.idx.msk [tilespmem:v13+s10+$0x0], $0xffff;
	v13 =	vor.u32 $0x18, v24;
	[tilespmem:v15+s11+$0x0] =	vst.idx.msk $0xffff, v7  }
0xe1: {  	v7 =	vld.idx.msk [tilespmem:v10+s10+$0x0], $0xffff;
	[tilespmem:v8+s11+$0x0] =	vst.idx.msk $0xffff, v11  }
0xe2: {  	v8 =	vor.u32 $0x18, v21;
	v10 =	vmul.f32 v14, v19;
	v11 =	vld.idx.msk [tilespmem:v16+s10+$0x0], $0xffff  }
0xe3: {  	v15 =	vor.u32 $0x8, v6;
	v14 =	vor.u32 $0x19, v25  }
0xe4: {  	[tilespmem:v9+s11+$0x0] =	vst.idx.msk $0xffff, v10;
	v9 =	vor.u32 $0x8, v3;
	v10 =	vor.u32 $0x9, v4  }
0xe5: {  	v16 =	vor.u32 $0x9, v5;
	v12 =	vmul.f32 v12, v20;
	v13 =	vld.idx.msk [tilespmem:v13+s10+$0x0], $0xffff  }
0xe6: {  	v7 =	vmul.f32 v7, v2  }
0xe7: {  	[tilespmem:v8+s11+$0x0] =	vst.idx.msk $0xffff, v12;
	v8 =	vor.u32 $0x18, v22;
	v11 =	vmul.f32 v11, v1  }
0xe8: {  	v12 =	vld.idx.msk [tilespmem:v14+s10+$0x0], $0xffff;
	v14 =	vor.u32 $0x19, v24;
	[tilespmem:v15+s11+$0x0] =	vst.idx.msk $0xffff, v7  }
0xe9: {  	v7 =	vld.idx.msk [tilespmem:v10+s10+$0x0], $0xffff;
	[tilespmem:v9+s11+$0x0] =	vst.idx.msk $0xffff, v11  }
0xea: {  	v9 =	vor.u32 $0x19, v21;
	v10 =	vmul.f32 v13, v19;
	v11 =	vld.idx.msk [tilespmem:v16+s10+$0x0], $0xffff  }
0xeb: {  	v15 =	vor.u32 $0x9, v6;
	v13 =	vor.u32 $0x1A, v25  }
0xec: {  	[tilespmem:v8+s11+$0x0] =	vst.idx.msk $0xffff, v10;
	v8 =	vor.u32 $0x9, v3;
	v10 =	vor.u32 $0xA, v4  }
0xed: {  	v16 =	vor.u32 $0xA, v5;
	v12 =	vmul.f32 v12, v20;
	v14 =	vld.idx.msk [tilespmem:v14+s10+$0x0], $0xffff  }
0xee: {  	v7 =	vmul.f32 v7, v2  }
0xef: {  	[tilespmem:v9+s11+$0x0] =	vst.idx.msk $0xffff, v12;
	v9 =	vor.u32 $0x19, v22;
	v11 =	vmul.f32 v11, v1  }
0xf0: {  	v12 =	vld.idx.msk [tilespmem:v13+s10+$0x0], $0xffff;
	v13 =	vor.u32 $0x1A, v24;
	[tilespmem:v15+s11+$0x0] =	vst.idx.msk $0xffff, v7  }
0xf1: {  	v7 =	vld.idx.msk [tilespmem:v10+s10+$0x0], $0xffff;
	[tilespmem:v8+s11+$0x0] =	vst.idx.msk $0xffff, v11  }
0xf2: {  	v8 =	vor.u32 $0x1A, v21;
	v10 =	vmul.f32 v14, v19;
	v11 =	vld.idx.msk [tilespmem:v16+s10+$0x0], $0xffff  }
0xf3: {  	v15 =	vor.u32 $0xA, v6;
	v14 =	vor.u32 $0x1B, v25  }
0xf4: {  	[tilespmem:v9+s11+$0x0] =	vst.idx.msk $0xffff, v10;
	v9 =	vor.u32 $0xA, v3;
	v10 =	vor.u32 $0xB, v4  }
0xf5: {  	v16 =	vor.u32 $0xB, v5;
	v12 =	vmul.f32 v12, v20;
	v13 =	vld.idx.msk [tilespmem:v13+s10+$0x0], $0xffff  }
0xf6: {  	v7 =	vmul.f32 v7, v2  }
0xf7: {  	[tilespmem:v8+s11+$0x0] =	vst.idx.msk $0xffff, v12;
	v8 =	vor.u32 $0x1A, v22;
	v11 =	vmul.f32 v11, v1  }
0xf8: {  	v12 =	vld.idx.msk [tilespmem:v14+s10+$0x0], $0xffff;
	v14 =	vor.u32 $0x1B, v24;
	[tilespmem:v15+s11+$0x0] =	vst.idx.msk $0xffff, v7  }
0xf9: {  	v7 =	vld.idx.msk [tilespmem:v10+s10+$0x0], $0xffff;
	[tilespmem:v9+s11+$0x0] =	vst.idx.msk $0xffff, v11  }
0xfa: {  	v9 =	vor.u32 $0x1B, v21;
	v10 =	vmul.f32 v13, v19;
	v11 =	vld.idx.msk [tilespmem:v16+s10+$0x0], $0xffff  }
0xfb: {  	v15 =	vor.u32 $0xB, v6;
	v13 =	vor.u32 $0x1C, v25  }
0xfc: {  	[tilespmem:v8+s11+$0x0] =	vst.idx.msk $0xffff, v10;
	v8 =	vor.u32 $0xB, v3;
	v10 =	vor.u32 $0xC, v4  }
0xfd: {  	v16 =	vor.u32 $0xC, v5;
	v12 =	vmul.f32 v12, v20;
	v14 =	vld.idx.msk [tilespmem:v14+s10+$0x0], $0xffff  }
0xfe: {  	v7 =	vmul.f32 v7, v2  }
0xff: {  	[tilespmem:v9+s11+$0x0] =	vst.idx.msk $0xffff, v12;
	v9 =	vor.u32 $0x1B, v22;
	v11 =	vmul.f32 v11, v1  }
0x100: {  	v12 =	vld.idx.msk [tilespmem:v13+s10+$0x0], $0xffff;
	v13 =	vor.u32 $0x1C, v24;
	[tilespmem:v15+s11+$0x0] =	vst.idx.msk $0xffff, v7  }
0x101: {  	v7 =	vld.idx.msk [tilespmem:v10+s10+$0x0], $0xffff;
	[tilespmem:v8+s11+$0x0] =	vst.idx.msk $0xffff, v11  }
0x102: {  	v8 =	vor.u32 $0x1C, v21;
	v10 =	vmul.f32 v14, v19;
	v11 =	vld.idx.msk [tilespmem:v16+s10+$0x0], $0xffff  }
0x103: {  	v15 =	vor.u32 $0xC, v6;
	v14 =	vor.u32 $0x1D, v25  }
0x104: {  	[tilespmem:v9+s11+$0x0] =	vst.idx.msk $0xffff, v10;
	v9 =	vor.u32 $0xC, v3;
	v10 =	vor.u32 $0xD, v4  }
0x105: {  	v16 =	vor.u32 $0xD, v5;
	v12 =	vmul.f32 v12, v20;
	v13 =	vld.idx.msk [tilespmem:v13+s10+$0x0], $0xffff  }
0x106: {  	v7 =	vmul.f32 v7, v2  }
0x107: {  	[tilespmem:v8+s11+$0x0] =	vst.idx.msk $0xffff, v12;
	v8 =	vor.u32 $0x1C, v22;
	v11 =	vmul.f32 v11, v1  }
0x108: {  	v12 =	vld.idx.msk [tilespmem:v14+s10+$0x0], $0xffff;
	v14 =	vor.u32 $0x1D, v24;
	[tilespmem:v15+s11+$0x0] =	vst.idx.msk $0xffff, v7  }
0x109: {  	v7 =	vld.idx.msk [tilespmem:v10+s10+$0x0], $0xffff;
	[tilespmem:v9+s11+$0x0] =	vst.idx.msk $0xffff, v11  }
0x10a: {  	v9 =	vor.u32 $0x1D, v21;
	v10 =	vmul.f32 v13, v19;
	v11 =	vld.idx.msk [tilespmem:v16+s10+$0x0], $0xffff  }
0x10b: {  	v15 =	vor.u32 $0xD, v6;
	v13 =	vor.u32 $0x1E, v25  }
0x10c: {  	[tilespmem:v8+s11+$0x0] =	vst.idx.msk $0xffff, v10;
	v8 =	vor.u32 $0xD, v3;
	v10 =	vor.u32 $0xE, v4  }
0x10d: {  	v16 =	vor.u32 $0xE, v5;
	v12 =	vmul.f32 v12, v20;
	v14 =	vld.idx.msk [tilespmem:v14+s10+$0x0], $0xffff  }
0x10e: {  	v7 =	vmul.f32 v7, v2  }
0x10f: {  	[tilespmem:v9+s11+$0x0] =	vst.idx.msk $0xffff, v12;
	v9 =	vor.u32 $0x1D, v22;
	v11 =	vmul.f32 v11, v1  }
0x110: {  	v12 =	vld.idx.msk [tilespmem:v13+s10+$0x0], $0xffff;
	v13 =	vor.u32 $0x1E, v24;
	[tilespmem:v15+s11+$0x0] =	vst.idx.msk $0xffff, v7  }
0x111: {  	v7 =	vld.idx.msk [tilespmem:v10+s10+$0x0], $0xffff;
	[tilespmem:v8+s11+$0x0] =	vst.idx.msk $0xffff, v11  }
0x112: {  	v8 =	vor.u32 $0x1E, v21;
	v10 =	vmul.f32 v14, v19;
	v11 =	vld.idx.msk [tilespmem:v16+s10+$0x0], $0xffff  }
0x113: {  	s25 =	simm.s32 $0x50;
	v15 =	vor.u32 $0xE, v6;
	v14 =	vor.u32 $0x1F, v25  }
0x114: {  	v18 =	vld [tilespmem:s25+$0xFFFFFFF0];
	[tilespmem:v9+s11+$0x0] =	vst.idx.msk $0xffff, v10;
	v9 =	vor.u32 $0xE, v3;
	v10 =	vor.u32 $0xF, v4  }
0x115: {  	v17 =	vor.u32 $0xF, v5;
	v12 =	vmul.f32 v12, v20;
	v13 =	vld.idx.msk [tilespmem:v13+s10+$0x0], $0xffff  }
0x116: {  	v7 =	vmul.f32 v7, v2  }
0x117: {  	v16 =	vld [tilespmem:s25+$0x0];
	[tilespmem:v8+s11+$0x0] =	vst.idx.msk $0xffff, v12;
	v8 =	vor.u32 $0x1E, v22;
	v11 =	vmul.f32 v11, v1  }
0x118: {  	v12 =	vld.idx.msk [tilespmem:v14+s10+$0x0], $0xffff;
	v14 =	vor.u32 $0x1F, v24;
	[tilespmem:v15+s11+$0x0] =	vst.idx.msk $0xffff, v7  }
0x119: {  	v26 =	vor.u32 $0x10, v4;
	v10 =	vld.idx.msk [tilespmem:v10+s10+$0x0], $0xffff;
	[tilespmem:v9+s11+$0x0] =	vst.idx.msk $0xffff, v11  }
0x11a: {  	v9 =	vor.u32 $0x1F, v21;
	v11 =	vadd.s32 $0xFFFFFFFF, v18;
	v7 =	vmul.f32 v13, v19;
	v17 =	vld.idx.msk [tilespmem:v17+s10+$0x0], $0xffff  }
0x11b: {  	v15 =	vor.u32 $0x20, v25;
	v13 =	vor.u32 $0xF, v6;
	vm12 =	vgt.s32 v11, $0x0  }
0x11c: {  	v23 =	vor.u32 $0xF, v3;
	v11 =	vnsel vm12, $0x0, v11;
	[tilespmem:v8+s11+$0x0] =	vst.idx.msk $0xffff, v7;
	v8 =	vadd.s32 $0xFFFFFFFF, v16  }
0x11d: {  	s26 =	simm.s32 $0x6D0;
	v16 =	vor.u32 $0x10, v5;
	v12 =	vmul.f32 v12, v20;
	v14 =	vld.idx.msk [tilespmem:v14+s10+$0x0], $0xffff;
	vm13 =	vgt.s32 v8, $0x0  }
0x11e: {  	v7 =	vld [tilespmem:s26+$0x0];
	v11 =	vshll.u32 v11, $0x6;
	v8 =	vnsel vm13, $0x0, v8;
	v10 =	vmul.f32 v10, v2  }
0x11f: {  	[tilespmem:v9+s11+$0x0] =	vst.idx.msk $0xffff, v12;
	v12 =	vor.u32 $0x1F, v22;
	v9 =	vshll.u32 v8, $0x6;
	v17 =	vmul.f32 v17, v1;
	v8 =	vld [tilespmem:s26+$0xFFFFFFF0]  }
0x120: {  	v18 =	vor.u32 $0x20, v24;
	v15 =	vld.idx.msk [tilespmem:v15+s10+$0x0], $0xffff;
	[tilespmem:v13+s11+$0x0] =	vst.idx.msk $0xffff, v10  }
0x121: {  	v29 =	vor.u32 $0x11, v4;
	v13 =	vld.idx.msk [tilespmem:v26+s10+$0x0], $0xffff;
	[tilespmem:v23+s11+$0x0] =	vst.idx.msk $0xffff, v17  }
0x122: {  	s28 =	simm.s32 $0x40;
	v30 =	vor.u32 $0x11, v5;
	v17 =	vor.u32 $0x20, v21;
	v14 =	vmul.f32 v14, v19;
	v16 =	vld.idx.msk [tilespmem:v16+s10+$0x0], $0xffff  }
0x123: {  	v28 =	vor.u32 $0x10, v6;
	v10 =	vmov s28;
	v23 =	vor.u32 $0x21, v25;
	v26 =	vld.idx.msk [tilespmem:v11+s10+$0x0], $0xffff  }
0x124: {  	v27 =	vor.u32 $0x10, v3;
	v10 =	vshll.u32 v10, $0x6;
	[tilespmem:v12+s11+$0x0] =	vst.idx.msk $0xffff, v14;
	v12 =	vmov s25;
	v14 =	vld.idx.msk [tilespmem:v9+s10+$0x0], $0xffff  }
0x125: {  	v15 =	vmul.f32 v15, v20;
	v18 =	vld.idx.msk [tilespmem:v18+s10+$0x0], $0xffff;
	v31 =	vshll.u32 v12, $0x6;
	v12 =	vor.u32 v0, v10  }
0x126: {  	v10 =	vor.u32 v0, v31;
	v31 =	vor.u32 $0x1, v11;
	v13 =	vmul.f32 v13, v2  }
0x127: {  	[tilespmem:v17+s11+$0x0] =	vst.idx.msk $0xffff, v15;
	v15 =	vor.u32 $0x20, v22;
	v17 =	vor.u32 $0x1, v9;
	v16 =	vmul.f32 v16, v1  }
0x128: {  	v32 =	vor.u32 $0x21, v24;
	v26 =	vmul.f32 v26, v8;
	v23 =	vld.idx.msk [tilespmem:v23+s10+$0x0], $0xffff;
	[tilespmem:v28+s11+$0x0] =	vst.idx.msk $0xffff, v13  }
0x129: {  	v13 =	vmul.f32 v14, v7;
	v14 =	vld.idx.msk [tilespmem:v29+s10+$0x0], $0xffff;
	[tilespmem:v27+s11+$0x0] =	vst.idx.msk $0xffff, v16  }
0x12a: {  	v16 =	vor.u32 $0x21, v21;
	v18 =	vmul.f32 v18, v19;
	[tilespmem:v12+s11+$0x0] =	vst.idx.msk $0xffff, v26;
	v26 =	vld.idx.msk [tilespmem:v30+s10+$0x0], $0xffff  }
0x12b: {  	v27 =	vor.u32 $0x22, v25;
	v28 =	vld.idx.msk [tilespmem:v31+s10+$0x0], $0xffff;
	[tilespmem:v10+s11+$0x0] =	vst.idx.msk $0xffff, v13;
	v13 =	vor.u32 $0x11, v6  }
0x12c: {  	[tilespmem:v15+s11+$0x0] =	vst.idx.msk $0xffff, v18;
	v15 =	vld.idx.msk [tilespmem:v17+s10+$0x0], $0xffff;
	v17 =	vor.u32 $0x11, v3;
	v18 =	vor.u32 $0x12, v4  }
0x12d: {  	v30 =	vor.u32 $0x12, v5;
	v31 =	vor.u32 $0x1, v12;
	v23 =	vmul.f32 v23, v20;
	v29 =	vld.idx.msk [tilespmem:v32+s10+$0x0], $0xffff  }
0x12e: {  	v33 =	vor.u32 $0x2, v11;
	v51 =	vor.u32 $0x1, v10;
	v14 =	vmul.f32 v14, v2  }
0x12f: {  	[tilespmem:v16+s11+$0x0] =	vst.idx.msk $0xffff, v23;
	v16 =	vor.u32 $0x21, v22;
	v23 =	vor.u32 $0x2, v9;
	v26 =	vmul.f32 v26, v1  }
0x130: {  	v34 =	vor.u32 $0x22, v24;
	v27 =	vld.idx.msk [tilespmem:v27+s10+$0x0], $0xffff;
	v28 =	vmul.f32 v28, v8;
	[tilespmem:v13+s11+$0x0] =	vst.idx.msk $0xffff, v14  }
0x131: {  	v13 =	vmul.f32 v15, v7;
	v14 =	vld.idx.msk [tilespmem:v18+s10+$0x0], $0xffff;
	[tilespmem:v17+s11+$0x0] =	vst.idx.msk $0xffff, v26  }
0x132: {  	v15 =	vor.u32 $0x22, v21;
	v17 =	vmul.f32 v29, v19;
	[tilespmem:v31+s11+$0x0] =	vst.idx.msk $0xffff, v28;
	v18 =	vld.idx.msk [tilespmem:v30+s10+$0x0], $0xffff  }
0x133: {  	v26 =	vor.u32 $0x23, v25;
	v28 =	vld.idx.msk [tilespmem:v33+s10+$0x0], $0xffff;
	[tilespmem:v51+s11+$0x0] =	vst.idx.msk $0xffff, v13;
	v13 =	vor.u32 $0x12, v6  }
0x134: {  	[tilespmem:v16+s11+$0x0] =	vst.idx.msk $0xffff, v17;
	v16 =	vld.idx.msk [tilespmem:v23+s10+$0x0], $0xffff;
	v17 =	vor.u32 $0x12, v3;
	v23 =	vor.u32 $0x13, v4  }
0x135: {  	v30 =	vor.u32 $0x13, v5;
	v31 =	vor.u32 $0x2, v12;
	v27 =	vmul.f32 v27, v20;
	v29 =	vld.idx.msk [tilespmem:v34+s10+$0x0], $0xffff  }
0x136: {  	v53 =	vor.u32 $0x3, v11;
	v52 =	vor.u32 $0x2, v10;
	v14 =	vmul.f32 v14, v2  }
0x137: {  	[tilespmem:v15+s11+$0x0] =	vst.idx.msk $0xffff, v27;
	v15 =	vor.u32 $0x22, v22;
	v27 =	vor.u32 $0x3, v9;
	v18 =	vmul.f32 v18, v1  }
0x138: {  	v54 =	vor.u32 $0x23, v24;
	v26 =	vld.idx.msk [tilespmem:v26+s10+$0x0], $0xffff;
	v28 =	vmul.f32 v28, v8;
	[tilespmem:v13+s11+$0x0] =	vst.idx.msk $0xffff, v14  }
0x139: {  	v13 =	vmul.f32 v16, v7;
	v14 =	vld.idx.msk [tilespmem:v23+s10+$0x0], $0xffff;
	[tilespmem:v17+s11+$0x0] =	vst.idx.msk $0xffff, v18  }
0x13a: {  	v16 =	vor.u32 $0x23, v21;
	v17 =	vmul.f32 v29, v19;
	[tilespmem:v31+s11+$0x0] =	vst.idx.msk $0xffff, v28;
	v18 =	vld.idx.msk [tilespmem:v30+s10+$0x0], $0xffff  }
0x13b: {  	v23 =	vor.u32 $0x24, v25;
	v28 =	vld.idx.msk [tilespmem:v53+s10+$0x0], $0xffff;
	[tilespmem:v52+s11+$0x0] =	vst.idx.msk $0xffff, v13;
	v13 =	vor.u32 $0x13, v6  }
0x13c: {  	[tilespmem:v15+s11+$0x0] =	vst.idx.msk $0xffff, v17;
	v15 =	vld.idx.msk [tilespmem:v27+s10+$0x0], $0xffff;
	v17 =	vor.u32 $0x13, v3;
	v27 =	vor.u32 $0x14, v4  }
0x13d: {  	v30 =	vor.u32 $0x14, v5;
	v31 =	vor.u32 $0x3, v12;
	v26 =	vmul.f32 v26, v20;
	v29 =	vld.idx.msk [tilespmem:v54+s10+$0x0], $0xffff  }
0x13e: {  	v56 =	vor.u32 $0x4, v11;
	v55 =	vor.u32 $0x3, v10;
	v14 =	vmul.f32 v14, v2  }
0x13f: {  	[tilespmem:v16+s11+$0x0] =	vst.idx.msk $0xffff, v26;
	v16 =	vor.u32 $0x23, v22;
	v26 =	vor.u32 $0x4, v9;
	v18 =	vmul.f32 v18, v1  }
0x140: {  	v57 =	vor.u32 $0x24, v24;
	v23 =	vld.idx.msk [tilespmem:v23+s10+$0x0], $0xffff;
	v28 =	vmul.f32 v28, v8;
	[tilespmem:v13+s11+$0x0] =	vst.idx.msk $0xffff, v14  }
0x141: {  	v13 =	vmul.f32 v15, v7;
	v14 =	vld.idx.msk [tilespmem:v27+s10+$0x0], $0xffff;
	[tilespmem:v17+s11+$0x0] =	vst.idx.msk $0xffff, v18  }
0x142: {  	v15 =	vor.u32 $0x24, v21;
	v17 =	vmul.f32 v29, v19;
	[tilespmem:v31+s11+$0x0] =	vst.idx.msk $0xffff, v28;
	v18 =	vld.idx.msk [tilespmem:v30+s10+$0x0], $0xffff  }
0x143: {  	v27 =	vor.u32 $0x25, v25;
	v28 =	vld.idx.msk [tilespmem:v56+s10+$0x0], $0xffff;
	[tilespmem:v55+s11+$0x0] =	vst.idx.msk $0xffff, v13;
	v13 =	vor.u32 $0x14, v6  }
0x144: {  	[tilespmem:v16+s11+$0x0] =	vst.idx.msk $0xffff, v17;
	v16 =	vld.idx.msk [tilespmem:v26+s10+$0x0], $0xffff;
	v17 =	vor.u32 $0x14, v3;
	v26 =	vor.u32 $0x15, v4  }
0x145: {  	v30 =	vor.u32 $0x15, v5;
	v31 =	vor.u32 $0x4, v12;
	v23 =	vmul.f32 v23, v20;
	v29 =	vld.idx.msk [tilespmem:v57+s10+$0x0], $0xffff  }
0x146: {  	v59 =	vor.u32 $0x5, v11;
	v58 =	vor.u32 $0x4, v10;
	v14 =	vmul.f32 v14, v2  }
0x147: {  	[tilespmem:v15+s11+$0x0] =	vst.idx.msk $0xffff, v23;
	v15 =	vor.u32 $0x24, v22;
	v23 =	vor.u32 $0x5, v9;
	v18 =	vmul.f32 v18, v1  }
0x148: {  	v60 =	vor.u32 $0x25, v24;
	v27 =	vld.idx.msk [tilespmem:v27+s10+$0x0], $0xffff;
	v28 =	vmul.f32 v28, v8;
	[tilespmem:v13+s11+$0x0] =	vst.idx.msk $0xffff, v14  }
0x149: {  	v13 =	vmul.f32 v16, v7;
	v14 =	vld.idx.msk [tilespmem:v26+s10+$0x0], $0xffff;
	[tilespmem:v17+s11+$0x0] =	vst.idx.msk $0xffff, v18  }
0x14a: {  	v16 =	vor.u32 $0x25, v21;
	v17 =	vmul.f32 v29, v19;
	[tilespmem:v31+s11+$0x0] =	vst.idx.msk $0xffff, v28;
	v18 =	vld.idx.msk [tilespmem:v30+s10+$0x0], $0xffff  }
0x14b: {  	v26 =	vor.u32 $0x26, v25;
	v28 =	vld.idx.msk [tilespmem:v59+s10+$0x0], $0xffff;
	[tilespmem:v58+s11+$0x0] =	vst.idx.msk $0xffff, v13;
	v13 =	vor.u32 $0x15, v6  }
0x14c: {  	[tilespmem:v15+s11+$0x0] =	vst.idx.msk $0xffff, v17;
	v15 =	vld.idx.msk [tilespmem:v23+s10+$0x0], $0xffff;
	v17 =	vor.u32 $0x15, v3;
	v23 =	vor.u32 $0x16, v4  }
0x14d: {  	v30 =	vor.u32 $0x16, v5;
	v31 =	vor.u32 $0x5, v12;
	v27 =	vmul.f32 v27, v20;
	v29 =	vld.idx.msk [tilespmem:v60+s10+$0x0], $0xffff  }
0x14e: {  	v62 =	vor.u32 $0x6, v11;
	v61 =	vor.u32 $0x5, v10;
	v14 =	vmul.f32 v14, v2  }
0x14f: {  	[tilespmem:v16+s11+$0x0] =	vst.idx.msk $0xffff, v27;
	v16 =	vor.u32 $0x25, v22;
	v27 =	vor.u32 $0x6, v9;
	v18 =	vmul.f32 v18, v1  }
0x150: {  	v63 =	vor.u32 $0x26, v24;
	v26 =	vld.idx.msk [tilespmem:v26+s10+$0x0], $0xffff;
	v28 =	vmul.f32 v28, v8;
	[tilespmem:v13+s11+$0x0] =	vst.idx.msk $0xffff, v14  }
0x151: {  	v13 =	vmul.f32 v15, v7;
	v14 =	vld.idx.msk [tilespmem:v23+s10+$0x0], $0xffff;
	[tilespmem:v17+s11+$0x0] =	vst.idx.msk $0xffff, v18  }
0x152: {  	v15 =	vor.u32 $0x26, v21;
	v17 =	vmul.f32 v29, v19;
	[tilespmem:v31+s11+$0x0] =	vst.idx.msk $0xffff, v28;
	v18 =	vld.idx.msk [tilespmem:v30+s10+$0x0], $0xffff  }
0x153: {  	v23 =	vor.u32 $0x27, v25;
	v28 =	vld.idx.msk [tilespmem:v62+s10+$0x0], $0xffff;
	[tilespmem:v61+s11+$0x0] =	vst.idx.msk $0xffff, v13;
	v13 =	vor.u32 $0x16, v6  }
0x154: {  	[tilespmem:v16+s11+$0x0] =	vst.idx.msk $0xffff, v17;
	v16 =	vld.idx.msk [tilespmem:v27+s10+$0x0], $0xffff;
	v17 =	vor.u32 $0x16, v3;
	v27 =	vor.u32 $0x17, v4  }
0x155: {  	v30 =	vor.u32 $0x17, v5;
	v31 =	vor.u32 $0x6, v12;
	v26 =	vmul.f32 v26, v20;
	v29 =	vld.idx.msk [tilespmem:v63+s10+$0x0], $0xffff  }
0x156: {  	v37 =	vor.u32 $0x7, v11;
	v36 =	vor.u32 $0x6, v10;
	v14 =	vmul.f32 v14, v2  }
0x157: {  	[tilespmem:v15+s11+$0x0] =	vst.idx.msk $0xffff, v26;
	v15 =	vor.u32 $0x26, v22;
	v26 =	vor.u32 $0x7, v9;
	v18 =	vmul.f32 v18, v1  }
0x158: {  	v38 =	vor.u32 $0x27, v24;
	v23 =	vld.idx.msk [tilespmem:v23+s10+$0x0], $0xffff;
	v28 =	vmul.f32 v28, v8;
	[tilespmem:v13+s11+$0x0] =	vst.idx.msk $0xffff, v14  }
0x159: {  	v13 =	vmul.f32 v16, v7;
	v14 =	vld.idx.msk [tilespmem:v27+s10+$0x0], $0xffff;
	[tilespmem:v17+s11+$0x0] =	vst.idx.msk $0xffff, v18  }
0x15a: {  	v16 =	vor.u32 $0x27, v21;
	v17 =	vmul.f32 v29, v19;
	[tilespmem:v31+s11+$0x0] =	vst.idx.msk $0xffff, v28;
	v18 =	vld.idx.msk [tilespmem:v30+s10+$0x0], $0xffff  }
0x15b: {  	v27 =	vor.u32 $0x28, v25;
	v28 =	vld.idx.msk [tilespmem:v37+s10+$0x0], $0xffff;
	[tilespmem:v36+s11+$0x0] =	vst.idx.msk $0xffff, v13;
	v13 =	vor.u32 $0x17, v6  }
0x15c: {  	[tilespmem:v15+s11+$0x0] =	vst.idx.msk $0xffff, v17;
	v15 =	vld.idx.msk [tilespmem:v26+s10+$0x0], $0xffff;
	v17 =	vor.u32 $0x17, v3;
	v26 =	vor.u32 $0x18, v4  }
0x15d: {  	v30 =	vor.u32 $0x18, v5;
	v31 =	vor.u32 $0x7, v12;
	v23 =	vmul.f32 v23, v20;
	v29 =	vld.idx.msk [tilespmem:v38+s10+$0x0], $0xffff  }
0x15e: {  	v40 =	vor.u32 $0x8, v11;
	v39 =	vor.u32 $0x7, v10;
	v14 =	vmul.f32 v14, v2  }
0x15f: {  	[tilespmem:v16+s11+$0x0] =	vst.idx.msk $0xffff, v23;
	v16 =	vor.u32 $0x27, v22;
	v23 =	vor.u32 $0x8, v9;
	v18 =	vmul.f32 v18, v1  }
0x160: {  	v41 =	vor.u32 $0x28, v24;
	v27 =	vld.idx.msk [tilespmem:v27+s10+$0x0], $0xffff;
	v28 =	vmul.f32 v28, v8;
	[tilespmem:v13+s11+$0x0] =	vst.idx.msk $0xffff, v14  }
0x161: {  	v13 =	vmul.f32 v15, v7;
	v14 =	vld.idx.msk [tilespmem:v26+s10+$0x0], $0xffff;
	[tilespmem:v17+s11+$0x0] =	vst.idx.msk $0xffff, v18  }
0x162: {  	v15 =	vor.u32 $0x28, v21;
	v17 =	vmul.f32 v29, v19;
	[tilespmem:v31+s11+$0x0] =	vst.idx.msk $0xffff, v28;
	v18 =	vld.idx.msk [tilespmem:v30+s10+$0x0], $0xffff  }
0x163: {  	v26 =	vor.u32 $0x29, v25;
	v28 =	vld.idx.msk [tilespmem:v40+s10+$0x0], $0xffff;
	[tilespmem:v39+s11+$0x0] =	vst.idx.msk $0xffff, v13;
	v13 =	vor.u32 $0x18, v6  }
0x164: {  	[tilespmem:v16+s11+$0x0] =	vst.idx.msk $0xffff, v17;
	v16 =	vld.idx.msk [tilespmem:v23+s10+$0x0], $0xffff;
	v17 =	vor.u32 $0x18, v3;
	v23 =	vor.u32 $0x19, v4  }
0x165: {  	v30 =	vor.u32 $0x19, v5;
	v31 =	vor.u32 $0x8, v12;
	v27 =	vmul.f32 v27, v20;
	v29 =	vld.idx.msk [tilespmem:v41+s10+$0x0], $0xffff  }
0x166: {  	v43 =	vor.u32 $0x9, v11;
	v42 =	vor.u32 $0x8, v10;
	v14 =	vmul.f32 v14, v2  }
0x167: {  	[tilespmem:v15+s11+$0x0] =	vst.idx.msk $0xffff, v27;
	v15 =	vor.u32 $0x28, v22;
	v27 =	vor.u32 $0x9, v9;
	v18 =	vmul.f32 v18, v1  }
0x168: {  	v44 =	vor.u32 $0x29, v24;
	v26 =	vld.idx.msk [tilespmem:v26+s10+$0x0], $0xffff;
	v28 =	vmul.f32 v28, v8;
	[tilespmem:v13+s11+$0x0] =	vst.idx.msk $0xffff, v14  }
0x169: {  	v13 =	vmul.f32 v16, v7;
	v14 =	vld.idx.msk [tilespmem:v23+s10+$0x0], $0xffff;
	[tilespmem:v17+s11+$0x0] =	vst.idx.msk $0xffff, v18  }
0x16a: {  	v16 =	vor.u32 $0x29, v21;
	v17 =	vmul.f32 v29, v19;
	[tilespmem:v31+s11+$0x0] =	vst.idx.msk $0xffff, v28;
	v18 =	vld.idx.msk [tilespmem:v30+s10+$0x0], $0xffff  }
0x16b: {  	v23 =	vor.u32 $0x2A, v25;
	v28 =	vld.idx.msk [tilespmem:v43+s10+$0x0], $0xffff;
	[tilespmem:v42+s11+$0x0] =	vst.idx.msk $0xffff, v13;
	v13 =	vor.u32 $0x19, v6  }
0x16c: {  	[tilespmem:v15+s11+$0x0] =	vst.idx.msk $0xffff, v17;
	v15 =	vld.idx.msk [tilespmem:v27+s10+$0x0], $0xffff;
	v17 =	vor.u32 $0x19, v3;
	v27 =	vor.u32 $0x1A, v4  }
0x16d: {  	v30 =	vor.u32 $0x1A, v5;
	v31 =	vor.u32 $0x9, v12;
	v26 =	vmul.f32 v26, v20;
	v29 =	vld.idx.msk [tilespmem:v44+s10+$0x0], $0xffff  }
0x16e: {  	v46 =	vor.u32 $0xA, v11;
	v45 =	vor.u32 $0x9, v10;
	v14 =	vmul.f32 v14, v2  }
0x16f: {  	[tilespmem:v16+s11+$0x0] =	vst.idx.msk $0xffff, v26;
	v16 =	vor.u32 $0x29, v22;
	v26 =	vor.u32 $0xA, v9;
	v18 =	vmul.f32 v18, v1  }
0x170: {  	v47 =	vor.u32 $0x2A, v24;
	v23 =	vld.idx.msk [tilespmem:v23+s10+$0x0], $0xffff;
	v28 =	vmul.f32 v28, v8;
	[tilespmem:v13+s11+$0x0] =	vst.idx.msk $0xffff, v14  }
0x171: {  	v13 =	vmul.f32 v15, v7;
	v14 =	vld.idx.msk [tilespmem:v27+s10+$0x0], $0xffff;
	[tilespmem:v17+s11+$0x0] =	vst.idx.msk $0xffff, v18  }
0x172: {  	v15 =	vor.u32 $0x2A, v21;
	v17 =	vmul.f32 v29, v19;
	[tilespmem:v31+s11+$0x0] =	vst.idx.msk $0xffff, v28;
	v18 =	vld.idx.msk [tilespmem:v30+s10+$0x0], $0xffff  }
0x173: {  	v27 =	vor.u32 $0x2B, v25;
	v28 =	vld.idx.msk [tilespmem:v46+s10+$0x0], $0xffff;
	[tilespmem:v45+s11+$0x0] =	vst.idx.msk $0xffff, v13;
	v13 =	vor.u32 $0x1A, v6  }
0x174: {  	[tilespmem:v16+s11+$0x0] =	vst.idx.msk $0xffff, v17;
	v16 =	vld.idx.msk [tilespmem:v26+s10+$0x0], $0xffff;
	v17 =	vor.u32 $0x1A, v3;
	v26 =	vor.u32 $0x1B, v4  }
0x175: {  	v30 =	vor.u32 $0x1B, v5;
	v31 =	vor.u32 $0xA, v12;
	v23 =	vmul.f32 v23, v20;
	v29 =	vld.idx.msk [tilespmem:v47+s10+$0x0], $0xffff  }
0x176: {  	v49 =	vor.u32 $0xB, v11;
	v48 =	vor.u32 $0xA, v10;
	v14 =	vmul.f32 v14, v2  }
0x177: {  	[tilespmem:v15+s11+$0x0] =	vst.idx.msk $0xffff, v23;
	v15 =	vor.u32 $0x2A, v22;
	v23 =	vor.u32 $0xB, v9;
	v18 =	vmul.f32 v18, v1  }
0x178: {  	v50 =	vor.u32 $0x2B, v24;
	v27 =	vld.idx.msk [tilespmem:v27+s10+$0x0], $0xffff;
	v28 =	vmul.f32 v28, v8;
	[tilespmem:v13+s11+$0x0] =	vst.idx.msk $0xffff, v14  }
0x179: {  	v13 =	vmul.f32 v16, v7;
	v14 =	vld.idx.msk [tilespmem:v26+s10+$0x0], $0xffff;
	[tilespmem:v17+s11+$0x0] =	vst.idx.msk $0xffff, v18  }
0x17a: {  	v16 =	vor.u32 $0x2B, v21;
	v17 =	vmul.f32 v29, v19;
	[tilespmem:v31+s11+$0x0] =	vst.idx.msk $0xffff, v28;
	v18 =	vld.idx.msk [tilespmem:v30+s10+$0x0], $0xffff  }
0x17b: {  	v26 =	vor.u32 $0x2C, v25;
	v28 =	vld.idx.msk [tilespmem:v49+s10+$0x0], $0xffff;
	[tilespmem:v48+s11+$0x0] =	vst.idx.msk $0xffff, v13;
	v13 =	vor.u32 $0x1B, v6  }
0x17c: {  	[tilespmem:v15+s11+$0x0] =	vst.idx.msk $0xffff, v17;
	v15 =	vld.idx.msk [tilespmem:v23+s10+$0x0], $0xffff;
	v17 =	vor.u32 $0x1B, v3;
	v23 =	vor.u32 $0x1C, v4  }
0x17d: {  	v30 =	vor.u32 $0x1C, v5;
	v31 =	vor.u32 $0xB, v12;
	v27 =	vmul.f32 v27, v20;
	v29 =	vld.idx.msk [tilespmem:v50+s10+$0x0], $0xffff  }
0x17e: {  	v51 =	vor.u32 $0xB, v10;
	v52 =	vor.u32 $0xC, v11;
	v14 =	vmul.f32 v14, v2  }
0x17f: {  	[tilespmem:v16+s11+$0x0] =	vst.idx.msk $0xffff, v27;
	v16 =	vor.u32 $0x2B, v22;
	v27 =	vor.u32 $0xC, v9;
	v18 =	vmul.f32 v18, v1  }
0x180: {  	v53 =	vor.u32 $0x2C, v24;
	v26 =	vld.idx.msk [tilespmem:v26+s10+$0x0], $0xffff;
	v28 =	vmul.f32 v28, v8;
	[tilespmem:v13+s11+$0x0] =	vst.idx.msk $0xffff, v14  }
0x181: {  	v13 =	vmul.f32 v15, v7;
	v14 =	vld.idx.msk [tilespmem:v23+s10+$0x0], $0xffff;
	[tilespmem:v17+s11+$0x0] =	vst.idx.msk $0xffff, v18  }
0x182: {  	v15 =	vor.u32 $0x2C, v21;
	v17 =	vmul.f32 v29, v19;
	[tilespmem:v31+s11+$0x0] =	vst.idx.msk $0xffff, v28;
	v18 =	vld.idx.msk [tilespmem:v30+s10+$0x0], $0xffff  }
0x183: {  	v23 =	vor.u32 $0x2D, v25;
	v28 =	vld.idx.msk [tilespmem:v52+s10+$0x0], $0xffff;
	[tilespmem:v51+s11+$0x0] =	vst.idx.msk $0xffff, v13;
	v13 =	vor.u32 $0x1C, v6  }
0x184: {  	[tilespmem:v16+s11+$0x0] =	vst.idx.msk $0xffff, v17;
	v16 =	vld.idx.msk [tilespmem:v27+s10+$0x0], $0xffff;
	v17 =	vor.u32 $0x1C, v3;
	v27 =	vor.u32 $0x1D, v4  }
0x185: {  	v30 =	vor.u32 $0x1D, v5;
	v31 =	vor.u32 $0xC, v12;
	v26 =	vmul.f32 v26, v20;
	v29 =	vld.idx.msk [tilespmem:v53+s10+$0x0], $0xffff  }
0x186: {  	v54 =	vor.u32 $0xC, v10;
	v55 =	vor.u32 $0xD, v11;
	v14 =	vmul.f32 v14, v2  }
0x187: {  	[tilespmem:v15+s11+$0x0] =	vst.idx.msk $0xffff, v26;
	v15 =	vor.u32 $0x2C, v22;
	v26 =	vor.u32 $0xD, v9;
	v18 =	vmul.f32 v18, v1  }
0x188: {  	v56 =	vor.u32 $0x2D, v24;
	v23 =	vld.idx.msk [tilespmem:v23+s10+$0x0], $0xffff;
	v28 =	vmul.f32 v28, v8;
	[tilespmem:v13+s11+$0x0] =	vst.idx.msk $0xffff, v14  }
0x189: {  	v13 =	vmul.f32 v16, v7;
	v14 =	vld.idx.msk [tilespmem:v27+s10+$0x0], $0xffff;
	[tilespmem:v17+s11+$0x0] =	vst.idx.msk $0xffff, v18  }
0x18a: {  	v16 =	vor.u32 $0x2D, v21;
	v17 =	vmul.f32 v29, v19;
	[tilespmem:v31+s11+$0x0] =	vst.idx.msk $0xffff, v28;
	v18 =	vld.idx.msk [tilespmem:v30+s10+$0x0], $0xffff  }
0x18b: {  	v27 =	vor.u32 $0x2E, v25;
	v28 =	vld.idx.msk [tilespmem:v55+s10+$0x0], $0xffff;
	[tilespmem:v54+s11+$0x0] =	vst.idx.msk $0xffff, v13;
	v13 =	vor.u32 $0x1D, v6  }
0x18c: {  	[tilespmem:v15+s11+$0x0] =	vst.idx.msk $0xffff, v17;
	v15 =	vld.idx.msk [tilespmem:v26+s10+$0x0], $0xffff;
	v17 =	vor.u32 $0x1D, v3;
	v26 =	vor.u32 $0x1E, v4  }
0x18d: {  	v30 =	vor.u32 $0x1E, v5;
	v31 =	vor.u32 $0xD, v12;
	v23 =	vmul.f32 v23, v20;
	v29 =	vld.idx.msk [tilespmem:v56+s10+$0x0], $0xffff  }
0x18e: {  	s29 =	simm.s32 $0x70;
	v57 =	vor.u32 $0xD, v10;
	v58 =	vor.u32 $0xE, v11;
	v14 =	vmul.f32 v14, v2  }
0x18f: {  	v61 =	vld [tilespmem:s29+$0x0];
	[tilespmem:v16+s11+$0x0] =	vst.idx.msk $0xffff, v23;
	v16 =	vor.u32 $0x2D, v22;
	v23 =	vor.u32 $0xE, v9;
	v18 =	vmul.f32 v18, v1  }
0x190: {  	v27 =	vld.idx.msk [tilespmem:v27+s10+$0x0], $0xffff;
	v28 =	vmul.f32 v28, v8;
	[tilespmem:v13+s11+$0x0] =	vst.idx.msk $0xffff, v14  }
0x191: {  	v59 =	vor.u32 $0x2E, v24;
	v13 =	vmul.f32 v15, v7;
	v14 =	vld.idx.msk [tilespmem:v26+s10+$0x0], $0xffff;
	[tilespmem:v17+s11+$0x0] =	vst.idx.msk $0xffff, v18  }
0x192: {  	v35 =	vor.u32 $0xF, v11;
	v15 =	vor.u32 $0x2E, v21;
	v17 =	vmul.f32 v29, v19;
	[tilespmem:v31+s11+$0x0] =	vst.idx.msk $0xffff, v28;
	v18 =	vld.idx.msk [tilespmem:v30+s10+$0x0], $0xffff  }
0x193: {  	v60 =	vor.u32 $0xE, v12;
	v26 =	vor.u32 $0x2F, v25;
	v28 =	vld.idx.msk [tilespmem:v58+s10+$0x0], $0xffff;
	[tilespmem:v57+s11+$0x0] =	vst.idx.msk $0xffff, v13;
	v13 =	vor.u32 $0x1E, v6  }
0x194: {  	v62 =	vor.u32 $0xE, v10;
	[tilespmem:v16+s11+$0x0] =	vst.idx.msk $0xffff, v17;
	v16 =	vld.idx.msk [tilespmem:v23+s10+$0x0], $0xffff;
	v17 =	vor.u32 $0x1E, v3;
	v23 =	vor.u32 $0x1F, v4  }
0x195: {  	v63 =	vor.u32 $0x1F, v3;
	v31 =	vor.u32 $0x1F, v5;
	v27 =	vmul.f32 v27, v20  }
0x196: {  	v33 =	vadd.s32 $0xFFFFFFFF, v61;
	v61 =	vor.u32 $0x32, v25;
	v30 =	vld.idx.msk [tilespmem:v59+s10+$0x0], $0xffff;
	v14 =	vmul.f32 v14, v2  }
0x197: {  	vm15 =	vgt.s32 v33, $0x0;
	v38 =	vld [tilespmem:s29+$0xFFFFFFF0];
	[tilespmem:v15+s11+$0x0] =	vst.idx.msk $0xffff, v27;
	v27 =	vor.u32 $0xF, v9;
	v18 =	vmul.f32 v18, v1  }
0x198: {  	v36 =	vor.u32 $0x20, v5;
	v15 =	vor.u32 $0x2E, v22;
	v26 =	vld.idx.msk [tilespmem:v26+s10+$0x0], $0xffff;
	v28 =	vmul.f32 v28, v8;
	[tilespmem:v13+s11+$0x0] =	vst.idx.msk $0xffff, v14  }
0x199: {  	s30 =	simm.s32 $0x60;
	v37 =	vor.u32 $0x2F, v24;
	v39 =	vor.u32 $0xF, v10;
	v14 =	vmul.f32 v16, v7;
	v16 =	vld.idx.msk [tilespmem:v23+s10+$0x0], $0xffff;
	[tilespmem:v17+s11+$0x0] =	vst.idx.msk $0xffff, v18  }
0x19a: {  	v44 =	vor.u32 $0x1F, v6;
	v13 =	vmov s30;
	v17 =	vor.u32 $0x2F, v21;
	[tilespmem:v60+s11+$0x0] =	vst.idx.msk $0xffff, v28;
	v23 =	vld.idx.msk [tilespmem:v31+s10+$0x0], $0xffff  }
0x19b: {  	v18 =	vshll.u32 v13, $0x6;
	v13 =	vmul.f32 v30, v19;
	v28 =	vor.u32 $0x30, v25;
	v31 =	vld.idx.msk [tilespmem:v35+s10+$0x0], $0xffff;
	[tilespmem:v62+s11+$0x0] =	vst.idx.msk $0xffff, v14  }
0x19c: {  	s13 =	simm.s32 $0x6F0;
	v40 =	vor.u32 $0x10, v9;
	v42 =	vor.u32 $0x11, v11;
	v29 =	vor.u32 $0x20, v4;
	v27 =	vld.idx.msk [tilespmem:v27+s10+$0x0], $0xffff  }
0x19d: {  	v45 =	vor.u32 $0xF, v12;
	[tilespmem:v15+s11+$0x0] =	vst.idx.msk $0xffff, v13;
	v15 =	vadd.s32 $0xFFFFFFFF, v38;
	v13 =	vld [tilespmem:s13+$0x0];
	v14 =	vmul.f32 v26, v20  }
0x19e: {  	v46 =	vor.u32 $0x10, v11;
	v26 =	vld.idx.msk [tilespmem:v37+s10+$0x0], $0xffff;
	vm14 =	vgt.s32 v15, $0x0;
	v47 =	vmul.f32 v16, v2  }
0x19f: {  	v30 =	vor.u32 $0x2F, v22;
	v15 =	vnsel vm14, $0x0, v15;
	[tilespmem:v17+s11+$0x0] =	vst.idx.msk $0xffff, v14;
	v17 =	vmul.f32 v23, v1;
	v14 =	vld [tilespmem:s13+$0xFFFFFFF0]  }
0x1a0: {  	v16 =	vshll.u32 v15, $0x6;
	v23 =	vld.idx.msk [tilespmem:v28+s10+$0x0], $0xffff;
	v28 =	vnsel vm15, $0x0, v33;
	v31 =	vmul.f32 v31, v8;
	[tilespmem:v44+s11+$0x0] =	vst.idx.msk $0xffff, v47  }
0x1a1: {  	v48 =	vor.u32 $0x30, v21;
	v15 =	vshll.u32 v28, $0x6;
	v27 =	vmul.f32 v27, v7;
	v28 =	vld.idx.msk [tilespmem:v29+s10+$0x0], $0xffff;
	[tilespmem:v63+s11+$0x0] =	vst.idx.msk $0xffff, v17  }
0x1a2: {  	v50 =	vor.u32 $0x20, v6;
	v51 =	vor.u32 $0x21, v4;
	v17 =	vor.u32 $0x30, v24;
	[tilespmem:v45+s11+$0x0] =	vst.idx.msk $0xffff, v31;
	v29 =	vld.idx.msk [tilespmem:v36+s10+$0x0], $0xffff  }
0x1a3: {  	v53 =	vor.u32 $0x20, v3;
	v26 =	vmul.f32 v26, v19;
	v49 =	vld.idx.msk [tilespmem:v46+s10+$0x0], $0xffff;
	[tilespmem:v39+s11+$0x0] =	vst.idx.msk $0xffff, v27;
	v27 =	vor.u32 $0x31, v25  }
0x1a4: {  	v54 =	vor.u32 $0x10, v10;
	v55 =	vor.u32 $0x11, v9;
	v56 =	vor.u32 $0x10, v12;
	v52 =	vld.idx.msk [tilespmem:v40+s10+$0x0], $0xffff  }
0x1a5: {  	v31 =	vor.u32 $0x21, v5;
	[tilespmem:v30+s11+$0x0] =	vst.idx.msk $0xffff, v26;
	v30 =	vld.idx.msk [tilespmem:v16+s10+$0x0], $0xffff;
	v26 =	vmov s29;
	v23 =	vmul.f32 v23, v20  }
0x1a6: {  	v57 =	vor.u32 $0x1, v16;
	v26 =	vshll.u32 v26, $0x6;
	v41 =	vld.idx.msk [tilespmem:v15+s10+$0x0], $0xffff;
	v28 =	vmul.f32 v28, v2  }
0x1a7: {  	[tilespmem:v48+s11+$0x0] =	vst.idx.msk $0xffff, v23;
	v23 =	vld.idx.msk [tilespmem:v17+s10+$0x0], $0xffff;
	v17 =	vor.u32 v0, v18;
	v29 =	vmul.f32 v29, v1  }
0x1a8: {  	v18 =	vor.u32 v0, v26;
	v27 =	vld.idx.msk [tilespmem:v27+s10+$0x0], $0xffff;
	v32 =	vmul.f32 v49, v8;
	[tilespmem:v50+s11+$0x0] =	vst.idx.msk $0xffff, v28  }
0x1a9: {  	v58 =	vor.u32 $0x1, v15;
	v28 =	vor.u32 $0x30, v22;
	v36 =	vmul.f32 v52, v7;
	v35 =	vld.idx.msk [tilespmem:v51+s10+$0x0], $0xffff;
	[tilespmem:v53+s11+$0x0] =	vst.idx.msk $0xffff, v29  }
0x1aa: {  	v59 =	vor.u32 $0x31, v21;
	v29 =	vor.u32 $0x31, v24;
	v30 =	vmul.f32 v30, v14;
	[tilespmem:v56+s11+$0x0] =	vst.idx.msk $0xffff, v32;
	v31 =	vld.idx.msk [tilespmem:v31+s10+$0x0], $0xffff  }
0x1ab: {  	v43 =	vor.u32 $0x11, v10;
	v62 =	vor.u32 $0x21, v6;
	v60 =	vmul.f32 v41, v13;
	v40 =	vld.idx.msk [tilespmem:v42+s10+$0x0], $0xffff;
	[tilespmem:v54+s11+$0x0] =	vst.idx.msk $0xffff, v36  }
0x1ac: {  	v63 =	vor.u32 $0x21, v3;
	v48 =	vor.u32 $0x22, v4;
	v23 =	vmul.f32 v23, v19;
	[tilespmem:v17+s11+$0x0] =	vst.idx.msk $0xffff, v30;
	v30 =	vld.idx.msk [tilespmem:v55+s10+$0x0], $0xffff  }
0x1ad: {  	v49 =	vor.u32 $0x22, v5;
	v50 =	vor.u32 $0x11, v12;
	v33 =	vld.idx.msk [tilespmem:v57+s10+$0x0], $0xffff;
	[tilespmem:v18+s11+$0x0] =	vst.idx.msk $0xffff, v60;
	v27 =	vmul.f32 v27, v20  }
0x1ae: {  	v44 =	vor.u32 $0x2, v16;
	v34 =	vld.idx.msk [tilespmem:v58+s10+$0x0], $0xffff;
	[tilespmem:v28+s11+$0x0] =	vst.idx.msk $0xffff, v23;
	v23 =	vor.u32 $0x12, v11;
	v28 =	vmul.f32 v35, v2  }
0x1af: {  	v51 =	vor.u32 $0x12, v9;
	[tilespmem:v59+s11+$0x0] =	vst.idx.msk $0xffff, v27;
	v27 =	vld.idx.msk [tilespmem:v29+s10+$0x0], $0xffff;
	v29 =	vor.u32 $0x1, v17;
	v31 =	vmul.f32 v31, v1  }
0x1b0: {  	v45 =	vor.u32 $0x1D, v12;
	v52 =	vor.u32 $0x1, v18;
	v36 =	vld.idx.msk [tilespmem:v61+s10+$0x0], $0xffff;
	v40 =	vmul.f32 v40, v8;
	[tilespmem:v62+s11+$0x0] =	vst.idx.msk $0xffff, v28  }
0x1b1: {  	v53 =	vor.u32 $0x2, v15;
	v28 =	vor.u32 $0x31, v22;
	v30 =	vmul.f32 v30, v7;
	v41 =	vld.idx.msk [tilespmem:v48+s10+$0x0], $0xffff;
	[tilespmem:v63+s11+$0x0] =	vst.idx.msk $0xffff, v31  }
0x1b2: {  	v54 =	vor.u32 $0x32, v21;
	v31 =	vor.u32 $0x32, v24;
	v33 =	vmul.f32 v33, v14;
	[tilespmem:v50+s11+$0x0] =	vst.idx.msk $0xffff, v40;
	v37 =	vld.idx.msk [tilespmem:v49+s10+$0x0], $0xffff  }
0x1b3: {  	v55 =	vor.u32 $0x22, v6;
	v34 =	vmul.f32 v34, v13;
	v23 =	vld.idx.msk [tilespmem:v23+s10+$0x0], $0xffff;
	[tilespmem:v43+s11+$0x0] =	vst.idx.msk $0xffff, v30;
	v30 =	vor.u32 $0x33, v25  }
0x1b4: {  	v56 =	vor.u32 $0x22, v3;
	v57 =	vor.u32 $0x23, v4;
	[tilespmem:v29+s11+$0x0] =	vst.idx.msk $0xffff, v33;
	v29 =	vld.idx.msk [tilespmem:v51+s10+$0x0], $0xffff;
	v27 =	vmul.f32 v27, v19  }
0x1b5: {  	v59 =	vor.u32 $0x23, v5;
	v61 =	vor.u32 $0x12, v12;
	v58 =	vld.idx.msk [tilespmem:v44+s10+$0x0], $0xffff;
	[tilespmem:v52+s11+$0x0] =	vst.idx.msk $0xffff, v34;
	v60 =	vmul.f32 v36, v20  }
0x1b6: {  	v62 =	vor.u32 $0x12, v10;
	v38 =	vld.idx.msk [tilespmem:v53+s10+$0x0], $0xffff;
	[tilespmem:v28+s11+$0x0] =	vst.idx.msk $0xffff, v27;
	v27 =	vor.u32 $0x13, v11;
	v28 =	vmul.f32 v41, v2  }
0x1b7: {  	v63 =	vor.u32 $0x13, v9;
	v48 =	vor.u32 $0x2, v17;
	[tilespmem:v54+s11+$0x0] =	vst.idx.msk $0xffff, v60;
	v31 =	vld.idx.msk [tilespmem:v31+s10+$0x0], $0xffff;
	v37 =	vmul.f32 v37, v1  }
0x1b8: {  	v49 =	vor.u32 $0x2, v18;
	v50 =	vor.u32 $0x3, v16;
	v30 =	vld.idx.msk [tilespmem:v30+s10+$0x0], $0xffff;
	v23 =	vmul.f32 v23, v8;
	[tilespmem:v55+s11+$0x0] =	vst.idx.msk $0xffff, v28  }
0x1b9: {  	v51 =	vor.u32 $0x3, v15;
	v28 =	vor.u32 $0x32, v22;
	v29 =	vmul.f32 v29, v7;
	v35 =	vld.idx.msk [tilespmem:v57+s10+$0x0], $0xffff;
	[tilespmem:v56+s11+$0x0] =	vst.idx.msk $0xffff, v37  }
0x1ba: {  	v52 =	vor.u32 $0x33, v24;
	v54 =	vor.u32 $0x33, v21;
	v53 =	vmul.f32 v58, v14;
	[tilespmem:v61+s11+$0x0] =	vst.idx.msk $0xffff, v23;
	v23 =	vld.idx.msk [tilespmem:v59+s10+$0x0], $0xffff  }
0x1bb: {  	v56 =	vor.u32 $0x23, v6;
	v55 =	vmul.f32 v38, v13;
	v27 =	vld.idx.msk [tilespmem:v27+s10+$0x0], $0xffff;
	[tilespmem:v62+s11+$0x0] =	vst.idx.msk $0xffff, v29;
	v29 =	vor.u32 $0x34, v25  }
0x1bc: {  	v58 =	vor.u32 $0x23, v3;
	v59 =	vor.u32 $0x24, v4;
	[tilespmem:v48+s11+$0x0] =	vst.idx.msk $0xffff, v53;
	v57 =	vld.idx.msk [tilespmem:v63+s10+$0x0], $0xffff;
	v31 =	vmul.f32 v31, v19  }
0x1bd: {  	v61 =	vor.u32 $0x24, v5;
	v62 =	vor.u32 $0x13, v12;
	v60 =	vld.idx.msk [tilespmem:v50+s10+$0x0], $0xffff;
	[tilespmem:v49+s11+$0x0] =	vst.idx.msk $0xffff, v55;
	v30 =	vmul.f32 v30, v20  }
0x1be: {  	v63 =	vor.u32 $0x13, v10;
	v40 =	vld.idx.msk [tilespmem:v51+s10+$0x0], $0xffff;
	[tilespmem:v28+s11+$0x0] =	vst.idx.msk $0xffff, v31;
	v28 =	vor.u32 $0x14, v11;
	v31 =	vmul.f32 v35, v2  }
0x1bf: {  	v48 =	vor.u32 $0x14, v9;
	v49 =	vor.u32 $0x3, v17;
	[tilespmem:v54+s11+$0x0] =	vst.idx.msk $0xffff, v30;
	v30 =	vld.idx.msk [tilespmem:v52+s10+$0x0], $0xffff;
	v23 =	vmul.f32 v23, v1  }
0x1c0: {  	v50 =	vor.u32 $0x3, v18;
	v51 =	vor.u32 $0x4, v16;
	v29 =	vld.idx.msk [tilespmem:v29+s10+$0x0], $0xffff;
	v27 =	vmul.f32 v27, v8;
	[tilespmem:v56+s11+$0x0] =	vst.idx.msk $0xffff, v31  }
0x1c1: {  	v52 =	vor.u32 $0x4, v15;
	v31 =	vor.u32 $0x33, v22;
	v34 =	vmul.f32 v57, v7;
	v41 =	vld.idx.msk [tilespmem:v59+s10+$0x0], $0xffff;
	[tilespmem:v58+s11+$0x0] =	vst.idx.msk $0xffff, v23  }
0x1c2: {  	v54 =	vor.u32 $0x34, v21;
	v23 =	vor.u32 $0x34, v24;
	v53 =	vmul.f32 v60, v14;
	[tilespmem:v62+s11+$0x0] =	vst.idx.msk $0xffff, v27;
	v27 =	vld.idx.msk [tilespmem:v61+s10+$0x0], $0xffff  }
0x1c3: {  	v56 =	vor.u32 $0x35, v25;
	v57 =	vor.u32 $0x24, v6;
	v55 =	vmul.f32 v40, v13;
	v28 =	vld.idx.msk [tilespmem:v28+s10+$0x0], $0xffff;
	[tilespmem:v63+s11+$0x0] =	vst.idx.msk $0xffff, v34  }
0x1c4: {  	v59 =	vor.u32 $0x24, v3;
	v60 =	vor.u32 $0x25, v4;
	[tilespmem:v49+s11+$0x0] =	vst.idx.msk $0xffff, v53;
	v58 =	vld.idx.msk [tilespmem:v48+s10+$0x0], $0xffff;
	v30 =	vmul.f32 v30, v19  }
0x1c5: {  	v62 =	vor.u32 $0x25, v5;
	v63 =	vor.u32 $0x14, v12;
	v61 =	vld.idx.msk [tilespmem:v51+s10+$0x0], $0xffff;
	[tilespmem:v50+s11+$0x0] =	vst.idx.msk $0xffff, v55;
	v29 =	vmul.f32 v29, v20  }
0x1c6: {  	v48 =	vor.u32 $0x14, v10;
	v38 =	vld.idx.msk [tilespmem:v52+s10+$0x0], $0xffff;
	[tilespmem:v31+s11+$0x0] =	vst.idx.msk $0xffff, v30;
	v30 =	vor.u32 $0x15, v11;
	v31 =	vmul.f32 v41, v2  }
0x1c7: {  	v49 =	vor.u32 $0x15, v9;
	[tilespmem:v54+s11+$0x0] =	vst.idx.msk $0xffff, v29;
	v23 =	vld.idx.msk [tilespmem:v23+s10+$0x0], $0xffff;
	v29 =	vor.u32 $0x4, v17;
	v27 =	vmul.f32 v27, v1  }
0x1c8: {  	v50 =	vor.u32 $0x4, v18;
	v51 =	vor.u32 $0x5, v16;
	v34 =	vld.idx.msk [tilespmem:v56+s10+$0x0], $0xffff;
	v28 =	vmul.f32 v28, v8;
	[tilespmem:v57+s11+$0x0] =	vst.idx.msk $0xffff, v31  }
0x1c9: {  	v52 =	vor.u32 $0x5, v15;
	v31 =	vor.u32 $0x34, v22;
	v32 =	vmul.f32 v58, v7;
	v37 =	vld.idx.msk [tilespmem:v60+s10+$0x0], $0xffff;
	[tilespmem:v59+s11+$0x0] =	vst.idx.msk $0xffff, v27  }
0x1ca: {  	v54 =	vor.u32 $0x35, v21;
	v27 =	vor.u32 $0x35, v24;
	v53 =	vmul.f32 v61, v14;
	[tilespmem:v63+s11+$0x0] =	vst.idx.msk $0xffff, v28;
	v28 =	vld.idx.msk [tilespmem:v62+s10+$0x0], $0xffff  }
0x1cb: {  	v55 =	vor.u32 $0x36, v25;
	v56 =	vor.u32 $0x25, v6;
	v38 =	vmul.f32 v38, v13;
	v30 =	vld.idx.msk [tilespmem:v30+s10+$0x0], $0xffff;
	[tilespmem:v48+s11+$0x0] =	vst.idx.msk $0xffff, v32  }
0x1cc: {  	v57 =	vor.u32 $0x25, v3;
	v58 =	vor.u32 $0x26, v4;
	[tilespmem:v29+s11+$0x0] =	vst.idx.msk $0xffff, v53;
	v29 =	vld.idx.msk [tilespmem:v49+s10+$0x0], $0xffff;
	v23 =	vmul.f32 v23, v19  }
0x1cd: {  	v60 =	vor.u32 $0x26, v5;
	v61 =	vor.u32 $0x15, v12;
	v59 =	vld.idx.msk [tilespmem:v51+s10+$0x0], $0xffff;
	[tilespmem:v50+s11+$0x0] =	vst.idx.msk $0xffff, v38;
	v34 =	vmul.f32 v34, v20  }
0x1ce: {  	v62 =	vor.u32 $0x15, v10;
	v40 =	vld.idx.msk [tilespmem:v52+s10+$0x0], $0xffff;
	[tilespmem:v31+s11+$0x0] =	vst.idx.msk $0xffff, v23;
	v23 =	vor.u32 $0x16, v11;
	v31 =	vmul.f32 v37, v2  }
0x1cf: {  	v63 =	vor.u32 $0x16, v9;
	v48 =	vor.u32 $0x5, v17;
	[tilespmem:v54+s11+$0x0] =	vst.idx.msk $0xffff, v34;
	v27 =	vld.idx.msk [tilespmem:v27+s10+$0x0], $0xffff;
	v28 =	vmul.f32 v28, v1  }
0x1d0: {  	v49 =	vor.u32 $0x5, v18;
	v50 =	vor.u32 $0x6, v16;
	v32 =	vld.idx.msk [tilespmem:v55+s10+$0x0], $0xffff;
	v30 =	vmul.f32 v30, v8;
	[tilespmem:v56+s11+$0x0] =	vst.idx.msk $0xffff, v31  }
0x1d1: {  	v51 =	vor.u32 $0x6, v15;
	v31 =	vor.u32 $0x35, v22;
	v29 =	vmul.f32 v29, v7;
	v41 =	vld.idx.msk [tilespmem:v58+s10+$0x0], $0xffff;
	[tilespmem:v57+s11+$0x0] =	vst.idx.msk $0xffff, v28  }
0x1d2: {  	v53 =	vor.u32 $0x36, v21;
	v28 =	vor.u32 $0x36, v24;
	v52 =	vmul.f32 v59, v14;
	[tilespmem:v61+s11+$0x0] =	vst.idx.msk $0xffff, v30;
	v30 =	vld.idx.msk [tilespmem:v60+s10+$0x0], $0xffff  }
0x1d3: {  	v55 =	vor.u32 $0x26, v6;
	v54 =	vmul.f32 v40, v13;
	v23 =	vld.idx.msk [tilespmem:v23+s10+$0x0], $0xffff;
	[tilespmem:v62+s11+$0x0] =	vst.idx.msk $0xffff, v29;
	v29 =	vor.u32 $0x37, v25  }
0x1d4: {  	v57 =	vor.u32 $0x26, v3;
	v58 =	vor.u32 $0x27, v4;
	[tilespmem:v48+s11+$0x0] =	vst.idx.msk $0xffff, v52;
	v56 =	vld.idx.msk [tilespmem:v63+s10+$0x0], $0xffff;
	v27 =	vmul.f32 v27, v19  }
0x1d5: {  	v60 =	vor.u32 $0x27, v5;
	v61 =	vor.u32 $0x16, v12;
	v59 =	vld.idx.msk [tilespmem:v50+s10+$0x0], $0xffff;
	[tilespmem:v49+s11+$0x0] =	vst.idx.msk $0xffff, v54;
	v32 =	vmul.f32 v32, v20  }
0x1d6: {  	v62 =	vor.u32 $0x16, v10;
	v39 =	vld.idx.msk [tilespmem:v51+s10+$0x0], $0xffff;
	[tilespmem:v31+s11+$0x0] =	vst.idx.msk $0xffff, v27;
	v27 =	vor.u32 $0x17, v11;
	v31 =	vmul.f32 v41, v2  }
0x1d7: {  	v63 =	vor.u32 $0x17, v9;
	v48 =	vor.u32 $0x6, v17;
	[tilespmem:v53+s11+$0x0] =	vst.idx.msk $0xffff, v32;
	v28 =	vld.idx.msk [tilespmem:v28+s10+$0x0], $0xffff;
	v30 =	vmul.f32 v30, v1  }
0x1d8: {  	v49 =	vor.u32 $0x6, v18;
	v50 =	vor.u32 $0x7, v16;
	v29 =	vld.idx.msk [tilespmem:v29+s10+$0x0], $0xffff;
	v23 =	vmul.f32 v23, v8;
	[tilespmem:v55+s11+$0x0] =	vst.idx.msk $0xffff, v31  }
0x1d9: {  	v51 =	vor.u32 $0x7, v15;
	v31 =	vor.u32 $0x36, v22;
	v33 =	vmul.f32 v56, v7;
	v37 =	vld.idx.msk [tilespmem:v58+s10+$0x0], $0xffff;
	[tilespmem:v57+s11+$0x0] =	vst.idx.msk $0xffff, v30  }
0x1da: {  	v53 =	vor.u32 $0x37, v21;
	v30 =	vor.u32 $0x37, v24;
	v52 =	vmul.f32 v59, v14;
	[tilespmem:v61+s11+$0x0] =	vst.idx.msk $0xffff, v23;
	v23 =	vld.idx.msk [tilespmem:v60+s10+$0x0], $0xffff  }
0x1db: {  	v55 =	vor.u32 $0x38, v25;
	v56 =	vor.u32 $0x27, v6;
	v54 =	vmul.f32 v39, v13;
	v27 =	vld.idx.msk [tilespmem:v27+s10+$0x0], $0xffff;
	[tilespmem:v62+s11+$0x0] =	vst.idx.msk $0xffff, v33  }
0x1dc: {  	v58 =	vor.u32 $0x27, v3;
	v59 =	vor.u32 $0x28, v4;
	[tilespmem:v48+s11+$0x0] =	vst.idx.msk $0xffff, v52;
	v57 =	vld.idx.msk [tilespmem:v63+s10+$0x0], $0xffff;
	v28 =	vmul.f32 v28, v19  }
0x1dd: {  	v61 =	vor.u32 $0x28, v5;
	v62 =	vor.u32 $0x17, v12;
	v60 =	vld.idx.msk [tilespmem:v50+s10+$0x0], $0xffff;
	[tilespmem:v49+s11+$0x0] =	vst.idx.msk $0xffff, v54;
	v29 =	vmul.f32 v29, v20  }
0x1de: {  	v63 =	vor.u32 $0x17, v10;
	v40 =	vld.idx.msk [tilespmem:v51+s10+$0x0], $0xffff;
	[tilespmem:v31+s11+$0x0] =	vst.idx.msk $0xffff, v28;
	v28 =	vor.u32 $0x18, v11;
	v31 =	vmul.f32 v37, v2  }
0x1df: {  	v48 =	vor.u32 $0x18, v9;
	[tilespmem:v53+s11+$0x0] =	vst.idx.msk $0xffff, v29;
	v29 =	vld.idx.msk [tilespmem:v30+s10+$0x0], $0xffff;
	v30 =	vor.u32 $0x7, v17;
	v23 =	vmul.f32 v23, v1  }
0x1e0: {  	v49 =	vor.u32 $0x7, v18;
	v50 =	vor.u32 $0x8, v16;
	v33 =	vld.idx.msk [tilespmem:v55+s10+$0x0], $0xffff;
	v27 =	vmul.f32 v27, v8;
	[tilespmem:v56+s11+$0x0] =	vst.idx.msk $0xffff, v31  }
0x1e1: {  	v51 =	vor.u32 $0x8, v15;
	v31 =	vor.u32 $0x37, v22;
	v32 =	vmul.f32 v57, v7;
	v41 =	vld.idx.msk [tilespmem:v59+s10+$0x0], $0xffff;
	[tilespmem:v58+s11+$0x0] =	vst.idx.msk $0xffff, v23  }
0x1e2: {  	v53 =	vor.u32 $0x38, v21;
	v23 =	vor.u32 $0x38, v24;
	v52 =	vmul.f32 v60, v14;
	[tilespmem:v62+s11+$0x0] =	vst.idx.msk $0xffff, v27;
	v27 =	vld.idx.msk [tilespmem:v61+s10+$0x0], $0xffff  }
0x1e3: {  	v55 =	vor.u32 $0x39, v25;
	v56 =	vor.u32 $0x28, v6;
	v54 =	vmul.f32 v40, v13;
	v28 =	vld.idx.msk [tilespmem:v28+s10+$0x0], $0xffff;
	[tilespmem:v63+s11+$0x0] =	vst.idx.msk $0xffff, v32  }
0x1e4: {  	v57 =	vor.u32 $0x28, v3;
	v58 =	vor.u32 $0x29, v4;
	[tilespmem:v30+s11+$0x0] =	vst.idx.msk $0xffff, v52;
	v30 =	vld.idx.msk [tilespmem:v48+s10+$0x0], $0xffff;
	v29 =	vmul.f32 v29, v19  }
0x1e5: {  	v60 =	vor.u32 $0x29, v5;
	v61 =	vor.u32 $0x18, v12;
	v59 =	vld.idx.msk [tilespmem:v50+s10+$0x0], $0xffff;
	[tilespmem:v49+s11+$0x0] =	vst.idx.msk $0xffff, v54;
	v33 =	vmul.f32 v33, v20  }
0x1e6: {  	v62 =	vor.u32 $0x18, v10;
	v39 =	vld.idx.msk [tilespmem:v51+s10+$0x0], $0xffff;
	[tilespmem:v31+s11+$0x0] =	vst.idx.msk $0xffff, v29;
	v29 =	vor.u32 $0x19, v11;
	v31 =	vmul.f32 v41, v2  }
0x1e7: {  	v63 =	vor.u32 $0x19, v9;
	v48 =	vor.u32 $0x8, v17;
	[tilespmem:v53+s11+$0x0] =	vst.idx.msk $0xffff, v33;
	v23 =	vld.idx.msk [tilespmem:v23+s10+$0x0], $0xffff;
	v27 =	vmul.f32 v27, v1  }
0x1e8: {  	v49 =	vor.u32 $0x8, v18;
	v50 =	vor.u32 $0x9, v16;
	v32 =	vld.idx.msk [tilespmem:v55+s10+$0x0], $0xffff;
	v28 =	vmul.f32 v28, v8;
	[tilespmem:v56+s11+$0x0] =	vst.idx.msk $0xffff, v31  }
0x1e9: {  	v51 =	vor.u32 $0x9, v15;
	v31 =	vor.u32 $0x38, v22;
	v30 =	vmul.f32 v30, v7;
	v37 =	vld.idx.msk [tilespmem:v58+s10+$0x0], $0xffff;
	[tilespmem:v57+s11+$0x0] =	vst.idx.msk $0xffff, v27  }
0x1ea: {  	v53 =	vor.u32 $0x39, v21;
	v27 =	vor.u32 $0x39, v24;
	v52 =	vmul.f32 v59, v14;
	[tilespmem:v61+s11+$0x0] =	vst.idx.msk $0xffff, v28;
	v28 =	vld.idx.msk [tilespmem:v60+s10+$0x0], $0xffff  }
0x1eb: {  	v55 =	vor.u32 $0x29, v6;
	v54 =	vmul.f32 v39, v13;
	v29 =	vld.idx.msk [tilespmem:v29+s10+$0x0], $0xffff;
	[tilespmem:v62+s11+$0x0] =	vst.idx.msk $0xffff, v30;
	v30 =	vor.u32 $0x3A, v25  }
0x1ec: {  	v57 =	vor.u32 $0x29, v3;
	v58 =	vor.u32 $0x2A, v4;
	[tilespmem:v48+s11+$0x0] =	vst.idx.msk $0xffff, v52;
	v56 =	vld.idx.msk [tilespmem:v63+s10+$0x0], $0xffff;
	v23 =	vmul.f32 v23, v19  }
0x1ed: {  	v60 =	vor.u32 $0x2A, v5;
	v61 =	vor.u32 $0x19, v12;
	v59 =	vld.idx.msk [tilespmem:v50+s10+$0x0], $0xffff;
	[tilespmem:v49+s11+$0x0] =	vst.idx.msk $0xffff, v54;
	v32 =	vmul.f32 v32, v20  }
0x1ee: {  	v62 =	vor.u32 $0x19, v10;
	v40 =	vld.idx.msk [tilespmem:v51+s10+$0x0], $0xffff;
	[tilespmem:v31+s11+$0x0] =	vst.idx.msk $0xffff, v23;
	v23 =	vor.u32 $0x1A, v11;
	v31 =	vmul.f32 v37, v2  }
0x1ef: {  	v63 =	vor.u32 $0x1A, v9;
	v48 =	vor.u32 $0x9, v17;
	[tilespmem:v53+s11+$0x0] =	vst.idx.msk $0xffff, v32;
	v27 =	vld.idx.msk [tilespmem:v27+s10+$0x0], $0xffff;
	v28 =	vmul.f32 v28, v1  }
0x1f0: {  	v49 =	vor.u32 $0x9, v18;
	v50 =	vor.u32 $0xA, v16;
	v30 =	vld.idx.msk [tilespmem:v30+s10+$0x0], $0xffff;
	v29 =	vmul.f32 v29, v8;
	[tilespmem:v55+s11+$0x0] =	vst.idx.msk $0xffff, v31  }
0x1f1: {  	v51 =	vor.u32 $0xA, v15;
	v31 =	vor.u32 $0x39, v22;
	v33 =	vmul.f32 v56, v7;
	v41 =	vld.idx.msk [tilespmem:v58+s10+$0x0], $0xffff;
	[tilespmem:v57+s11+$0x0] =	vst.idx.msk $0xffff, v28  }
0x1f2: {  	v53 =	vor.u32 $0x3A, v21;
	v28 =	vor.u32 $0x3A, v24;
	v52 =	vmul.f32 v59, v14;
	[tilespmem:v61+s11+$0x0] =	vst.idx.msk $0xffff, v29;
	v29 =	vld.idx.msk [tilespmem:v60+s10+$0x0], $0xffff  }
0x1f3: {  	v55 =	vor.u32 $0x3B, v25;
	v56 =	vor.u32 $0x2A, v6;
	v54 =	vmul.f32 v40, v13;
	v23 =	vld.idx.msk [tilespmem:v23+s10+$0x0], $0xffff;
	[tilespmem:v62+s11+$0x0] =	vst.idx.msk $0xffff, v33  }
0x1f4: {  	v58 =	vor.u32 $0x2A, v3;
	v59 =	vor.u32 $0x2B, v4;
	[tilespmem:v48+s11+$0x0] =	vst.idx.msk $0xffff, v52;
	v57 =	vld.idx.msk [tilespmem:v63+s10+$0x0], $0xffff;
	v27 =	vmul.f32 v27, v19  }
0x1f5: {  	v61 =	vor.u32 $0x2B, v5;
	v62 =	vor.u32 $0x1A, v12;
	v60 =	vld.idx.msk [tilespmem:v50+s10+$0x0], $0xffff;
	[tilespmem:v49+s11+$0x0] =	vst.idx.msk $0xffff, v54;
	v30 =	vmul.f32 v30, v20  }
0x1f6: {  	v63 =	vor.u32 $0x1A, v10;
	v39 =	vld.idx.msk [tilespmem:v51+s10+$0x0], $0xffff;
	[tilespmem:v31+s11+$0x0] =	vst.idx.msk $0xffff, v27;
	v27 =	vor.u32 $0x1B, v11;
	v31 =	vmul.f32 v41, v2  }
0x1f7: {  	v48 =	vor.u32 $0x1B, v9;
	[tilespmem:v53+s11+$0x0] =	vst.idx.msk $0xffff, v30;
	v28 =	vld.idx.msk [tilespmem:v28+s10+$0x0], $0xffff;
	v30 =	vor.u32 $0xA, v17;
	v29 =	vmul.f32 v29, v1  }
0x1f8: {  	v49 =	vor.u32 $0xA, v18;
	v50 =	vor.u32 $0xB, v16;
	v33 =	vld.idx.msk [tilespmem:v55+s10+$0x0], $0xffff;
	v23 =	vmul.f32 v23, v8;
	[tilespmem:v56+s11+$0x0] =	vst.idx.msk $0xffff, v31  }
0x1f9: {  	v51 =	vor.u32 $0xB, v15;
	v31 =	vor.u32 $0x3A, v22;
	v32 =	vmul.f32 v57, v7;
	v37 =	vld.idx.msk [tilespmem:v59+s10+$0x0], $0xffff;
	[tilespmem:v58+s11+$0x0] =	vst.idx.msk $0xffff, v29  }
0x1fa: {  	v53 =	vor.u32 $0x3B, v21;
	v29 =	vor.u32 $0x3B, v24;
	v52 =	vmul.f32 v60, v14;
	[tilespmem:v62+s11+$0x0] =	vst.idx.msk $0xffff, v23;
	v23 =	vld.idx.msk [tilespmem:v61+s10+$0x0], $0xffff  }
0x1fb: {  	v55 =	vor.u32 $0x3C, v25;
	v56 =	vor.u32 $0x2B, v6;
	v54 =	vmul.f32 v39, v13;
	v27 =	vld.idx.msk [tilespmem:v27+s10+$0x0], $0xffff;
	[tilespmem:v63+s11+$0x0] =	vst.idx.msk $0xffff, v32  }
0x1fc: {  	v57 =	vor.u32 $0x2B, v3;
	v58 =	vor.u32 $0x2C, v4;
	[tilespmem:v30+s11+$0x0] =	vst.idx.msk $0xffff, v52;
	v30 =	vld.idx.msk [tilespmem:v48+s10+$0x0], $0xffff;
	v28 =	vmul.f32 v28, v19  }
0x1fd: {  	v60 =	vor.u32 $0x2C, v5;
	v61 =	vor.u32 $0x1B, v12;
	v59 =	vld.idx.msk [tilespmem:v50+s10+$0x0], $0xffff;
	[tilespmem:v49+s11+$0x0] =	vst.idx.msk $0xffff, v54;
	v33 =	vmul.f32 v33, v20  }
0x1fe: {  	v62 =	vor.u32 $0x1B, v10;
	v40 =	vld.idx.msk [tilespmem:v51+s10+$0x0], $0xffff;
	[tilespmem:v31+s11+$0x0] =	vst.idx.msk $0xffff, v28;
	v28 =	vor.u32 $0x1C, v11;
	v31 =	vmul.f32 v37, v2  }
0x1ff: {  	v63 =	vor.u32 $0x1C, v9;
	v48 =	vor.u32 $0xB, v17;
	[tilespmem:v53+s11+$0x0] =	vst.idx.msk $0xffff, v33;
	v29 =	vld.idx.msk [tilespmem:v29+s10+$0x0], $0xffff;
	v23 =	vmul.f32 v23, v1  }
0x200: {  	v49 =	vor.u32 $0xB, v18;
	v50 =	vor.u32 $0xC, v16;
	v32 =	vld.idx.msk [tilespmem:v55+s10+$0x0], $0xffff;
	v27 =	vmul.f32 v27, v8;
	[tilespmem:v56+s11+$0x0] =	vst.idx.msk $0xffff, v31  }
0x201: {  	v51 =	vor.u32 $0xC, v15;
	v31 =	vor.u32 $0x3B, v22;
	v30 =	vmul.f32 v30, v7;
	v41 =	vld.idx.msk [tilespmem:v58+s10+$0x0], $0xffff;
	[tilespmem:v57+s11+$0x0] =	vst.idx.msk $0xffff, v23  }
0x202: {  	v53 =	vor.u32 $0x3C, v21;
	v23 =	vor.u32 $0x3C, v24;
	v52 =	vmul.f32 v59, v14;
	[tilespmem:v61+s11+$0x0] =	vst.idx.msk $0xffff, v27;
	v27 =	vld.idx.msk [tilespmem:v60+s10+$0x0], $0xffff  }
0x203: {  	v55 =	vor.u32 $0x2C, v6;
	v54 =	vmul.f32 v40, v13;
	v28 =	vld.idx.msk [tilespmem:v28+s10+$0x0], $0xffff;
	[tilespmem:v62+s11+$0x0] =	vst.idx.msk $0xffff, v30;
	v30 =	vor.u32 $0x3D, v25  }
0x204: {  	v57 =	vor.u32 $0x2C, v3;
	v58 =	vor.u32 $0x2D, v4;
	[tilespmem:v48+s11+$0x0] =	vst.idx.msk $0xffff, v52;
	v56 =	vld.idx.msk [tilespmem:v63+s10+$0x0], $0xffff;
	v29 =	vmul.f32 v29, v19  }
0x205: {  	v60 =	vor.u32 $0x2D, v5;
	v61 =	vor.u32 $0x1C, v12;
	v59 =	vld.idx.msk [tilespmem:v50+s10+$0x0], $0xffff;
	[tilespmem:v49+s11+$0x0] =	vst.idx.msk $0xffff, v54;
	v32 =	vmul.f32 v32, v20  }
0x206: {  	v62 =	vor.u32 $0x1C, v10;
	v39 =	vld.idx.msk [tilespmem:v51+s10+$0x0], $0xffff;
	[tilespmem:v31+s11+$0x0] =	vst.idx.msk $0xffff, v29;
	v29 =	vor.u32 $0x1D, v11;
	v31 =	vmul.f32 v41, v2  }
0x207: {  	v63 =	vor.u32 $0x1D, v9;
	v48 =	vor.u32 $0xC, v17;
	[tilespmem:v53+s11+$0x0] =	vst.idx.msk $0xffff, v32;
	v23 =	vld.idx.msk [tilespmem:v23+s10+$0x0], $0xffff;
	v27 =	vmul.f32 v27, v1  }
0x208: {  	v49 =	vor.u32 $0xC, v18;
	v50 =	vor.u32 $0xD, v16;
	v30 =	vld.idx.msk [tilespmem:v30+s10+$0x0], $0xffff;
	v28 =	vmul.f32 v28, v8;
	[tilespmem:v55+s11+$0x0] =	vst.idx.msk $0xffff, v31  }
0x209: {  	v51 =	vor.u32 $0xD, v15;
	v31 =	vor.u32 $0x3C, v22;
	v33 =	vmul.f32 v56, v7;
	v37 =	vld.idx.msk [tilespmem:v58+s10+$0x0], $0xffff;
	[tilespmem:v57+s11+$0x0] =	vst.idx.msk $0xffff, v27  }
0x20a: {  	v26 =	vor.u32 $0x20, v11;
	v52 =	vor.u32 $0x3D, v24;
	v42 =	vmul.f32 v59, v14;
	[tilespmem:v61+s11+$0x0] =	vst.idx.msk $0xffff, v28;
	v28 =	vld.idx.msk [tilespmem:v60+s10+$0x0], $0xffff  }
0x20b: {  	v46 =	vor.u32 $0xD, v17;
	v53 =	vor.u32 $0x3D, v21;
	v54 =	vmul.f32 v39, v13;
	v29 =	vld.idx.msk [tilespmem:v29+s10+$0x0], $0xffff;
	[tilespmem:v62+s11+$0x0] =	vst.idx.msk $0xffff, v33  }
0x20c: {  	v55 =	vor.u32 $0x3E, v25;
	v57 =	vor.u32 $0x2D, v6;
	[tilespmem:v48+s11+$0x0] =	vst.idx.msk $0xffff, v42;
	v56 =	vld.idx.msk [tilespmem:v63+s10+$0x0], $0xffff;
	v58 =	vmul.f32 v23, v19  }
0x20d: {  	v47 =	vor.u32 $0xD, v18;
	v59 =	vor.u32 $0x2D, v3;
	v60 =	vor.u32 $0x2E, v4;
	v44 =	vld.idx.msk [tilespmem:v50+s10+$0x0], $0xffff;
	[tilespmem:v49+s11+$0x0] =	vst.idx.msk $0xffff, v54  }
0x20e: {  	v43 =	vor.u32 $0x2F, v6;
	v61 =	vor.u32 $0x2E, v5;
	v30 =	vmul.f32 v30, v20;
	v40 =	vld.idx.msk [tilespmem:v51+s10+$0x0], $0xffff;
	[tilespmem:v31+s11+$0x0] =	vst.idx.msk $0xffff, v58  }
0x20f: {  	s31 =	simm.s32 $0x80;
	s14 =	simm.s32 $0x90;
	v27 =	vor.u32 $0x20, v9;
	v62 =	vor.u32 $0x1E, v11;
	v37 =	vmul.f32 v37, v2;
	v63 =	vld.idx.msk [tilespmem:v52+s10+$0x0], $0xffff  }
0x210: {  	v39 =	vmov s31;
	v31 =	vor.u32 $0x1D, v10;
	[tilespmem:v53+s11+$0x0] =	vst.idx.msk $0xffff, v30;
	v28 =	vmul.f32 v28, v1;
	v30 =	vld [tilespmem:s14+$0x0]  }
0x211: {  	v23 =	vor.u32 $0x20, v16;
	v52 =	vor.u32 $0x1E, v9;
	v33 =	vld.idx.msk [tilespmem:v55+s10+$0x0], $0xffff;
	v29 =	vmul.f32 v29, v8;
	[tilespmem:v57+s11+$0x0] =	vst.idx.msk $0xffff, v37  }
0x212: {  	v48 =	vor.u32 $0xE, v16;
	v42 =	vor.u32 $0x3F, v21;
	v54 =	vor.u32 $0xE, v15;
	v36 =	vld.idx.msk [tilespmem:v60+s10+$0x0], $0xffff;
	[tilespmem:v59+s11+$0x0] =	vst.idx.msk $0xffff, v28  }
0x213: {  	v53 =	vor.u32 $0x3D, v22;
	v55 =	vor.u32 $0x3E, v24;
	v32 =	vmul.f32 v56, v7;
	[tilespmem:v45+s11+$0x0] =	vst.idx.msk $0xffff, v29;
	v29 =	vld.idx.msk [tilespmem:v61+s10+$0x0], $0xffff  }
0x214: {  	v57 =	vor.u32 $0x3E, v21;
	v60 =	vor.u32 $0x2E, v6;
	v44 =	vmul.f32 v44, v14;
	v59 =	vld.idx.msk [tilespmem:v62+s10+$0x0], $0xffff  }
0x215: {  	v58 =	vmul.f32 v40, v13;
	[tilespmem:v31+s11+$0x0] =	vst.idx.msk $0xffff, v32;
	v31 =	vor.u32 $0x3F, v25;
	v32 =	vor.u32 $0x3F, v24;
	v24 =	vld [tilespmem:s14+$0xFFFFFFF0]  }
0x216: {  	v61 =	vor.u32 $0x2F, v4;
	[tilespmem:v46+s11+$0x0] =	vst.idx.msk $0xffff, v44;
	v35 =	vld.idx.msk [tilespmem:v52+s10+$0x0], $0xffff;
	v34 =	vmul.f32 v63, v19;
	v44 =	vor.u32 $0x2E, v3  }
0x217: {  	v62 =	vor.u32 $0x1E, v12;
	v46 =	vor.u32 $0x2F, v5;
	v45 =	vld.idx.msk [tilespmem:v48+s10+$0x0], $0xffff;
	[tilespmem:v47+s11+$0x0] =	vst.idx.msk $0xffff, v58;
	v33 =	vmul.f32 v33, v20  }
0x218: {  	v56 =	vor.u32 $0x1F, v11;
	v63 =	vor.u32 $0x1E, v10;
	v47 =	vld.idx.msk [tilespmem:v54+s10+$0x0], $0xffff;
	[tilespmem:v53+s11+$0x0] =	vst.idx.msk $0xffff, v34;
	v36 =	vmul.f32 v36, v2  }
0x219: {  	v49 =	vor.u32 $0xE, v17;
	v58 =	vor.u32 $0x1F, v9;
	[tilespmem:v57+s11+$0x0] =	vst.idx.msk $0xffff, v33;
	v57 =	vld.idx.msk [tilespmem:v55+s10+$0x0], $0xffff;
	v29 =	vmul.f32 v29, v1  }
0x21a: {  	v51 =	vor.u32 $0xE, v18;
	v52 =	vor.u32 $0xF, v16;
	v50 =	vld.idx.msk [tilespmem:v31+s10+$0x0], $0xffff;
	v31 =	vmul.f32 v59, v8;
	[tilespmem:v60+s11+$0x0] =	vst.idx.msk $0xffff, v36  }
0x21b: {  	v53 =	vor.u32 $0x3E, v22;
	v59 =	vor.u32 $0xF, v15;
	v60 =	vmul.f32 v35, v7;
	v41 =	vld.idx.msk [tilespmem:v61+s10+$0x0], $0xffff;
	[tilespmem:v44+s11+$0x0] =	vst.idx.msk $0xffff, v29  }
0x21c: {  	v37 =	vor.u32 $0xF, v17;
	v28 =	vshll.u32 v39, $0x6;
	v61 =	vmul.f32 v45, v14;
	[tilespmem:v62+s11+$0x0] =	vst.idx.msk $0xffff, v31;
	v39 =	vld.idx.msk [tilespmem:v46+s10+$0x0], $0xffff  }
0x21d: {  	v25 =	vor.u32 $0x20, v15;
	v34 =	vor.u32 $0x2F, v3;
	v62 =	vmul.f32 v47, v13;
	v21 =	vld.idx.msk [tilespmem:v56+s10+$0x0], $0xffff;
	[tilespmem:v63+s11+$0x0] =	vst.idx.msk $0xffff, v60  }
0x21e: {  	v33 =	vor.u32 $0x30, v5;
	v31 =	vor.u32 $0x3F, v22;
	[tilespmem:v49+s11+$0x0] =	vst.idx.msk $0xffff, v61;
	v22 =	vld.idx.msk [tilespmem:v58+s10+$0x0], $0xffff;
	v63 =	vmul.f32 v57, v19  }
0x21f: {  	v36 =	vor.u32 $0x1F, v10;
	v44 =	vor.u32 $0x30, v4;
	v38 =	vld.idx.msk [tilespmem:v52+s10+$0x0], $0xffff;
	[tilespmem:v51+s11+$0x0] =	vst.idx.msk $0xffff, v62;
	v46 =	vmul.f32 v50, v20  }
0x220: {  	s16 =	simm.s32 $0x8;
	s17 =	simm.s32 $0x90;
	s15 =	simm.s32 $0x90;
	v29 =	vor.u32 $0x30, v6;
	v35 =	vor.u32 $0xF, v18;
	v45 =	vor.u32 $0x1F, v12;
	v40 =	vld.idx.msk [tilespmem:v59+s10+$0x0], $0xffff;
	[tilespmem:v53+s11+$0x0] =	vst.idx.msk $0xffff, v63  }
.LBB2_2:
0x221: {  	s16 =	sadd.s32 $0x2, s16;
	v47 =	vor.u32 $0x10, v16;
	v48 =	vor.u32 $0x10, v15;
	s13 =	sadd.s32 $0x20, s13;
	v41 =	vmul.f32 v41, v2;
	[tilespmem:v42+s11+$0x0] =	vst.idx.msk $0xffff, v46;
	v32 =	vld.idx.msk [tilespmem:v32+s10+$0x0], $0xffff  }
0x222: {  	v24 =	vadd.s32 $0xFFFFFFFF, v24;
	v30 =	vadd.s32 $0xFFFFFFFF, v30;
	v39 =	vmul.f32 v39, v1;
	v20 =	vmovc v8;
	v8 =	vmovc v14;
	p0 =	slt.u32 s16, $0x60;
	v42 =	vld [tilespmem:s13+$0x0]  }
0x223: {  	vm0 =	vgt.s32 v24, $0x0;
	vm1 =	vgt.s32 v30, $0x0;
	v46 =	vmul.f32 v21, v20;
	v21 =	vmovc v6;
	v14 =	vld [tilespmem:s13+$0xFFFFFFF0];
	[tilespmem:v43+s11+$0x0] =	vst.idx.msk $0xffff, v41  }
0x224: {  	s14 =	sadd.s32 $0x20, s14;
	v6 =	vnsel vm0, $0x0, v24;
	v30 =	vnsel vm1, $0x0, v30;
	v41 =	vmul.f32 v22, v7;
	v43 =	vld.idx.msk [tilespmem:v44+s10+$0x0], $0xffff;
	[tilespmem:v34+s11+$0x0] =	vst.idx.msk $0xffff, v39  }
0x225: {  	s18 =	sadd.s32 $0xFFFFFFF0, s14;
	v24 =	vshll.u32 v6, $0x6;
	v22 =	vshll.u32 v30, $0x6;
	v6 =	vmul.f32 v38, v8;
	[tilespmem:v45+s11+$0x0] =	vst.idx.msk $0xffff, v46;
	v30 =	vld.idx.msk [tilespmem:v33+s10+$0x0], $0xffff  }
0x226: {  	v33 =	vmov s18;
	v34 =	vmul.f32 v40, v13;
	v38 =	vld.idx.msk [tilespmem:v26+s10+$0x0], $0xffff;
	[tilespmem:v36+s11+$0x0] =	vst.idx.msk $0xffff, v41;
	v26 =	vmovc v23;
	v23 =	vor.u32 $0x20, v24  }
0x227: {  	v33 =	vshll.u32 v33, $0x6;
	v36 =	vor.u32 $0x20, v22;
	[tilespmem:v37+s11+$0x0] =	vst.idx.msk $0xffff, v6;
	v37 =	vld.idx.msk [tilespmem:v27+s10+$0x0], $0xffff;
	v6 =	vmul.f32 v32, v19  }
0x228: {  	v39 =	vor.u32 $0x30, v3;
	v19 =	vmovc v1;
	v32 =	vld.idx.msk [tilespmem:v47+s10+$0x0], $0xffff;
	[tilespmem:v35+s11+$0x0] =	vst.idx.msk $0xffff, v34;
	v34 =	vor.u32 $0x21, v9;
	v35 =	vor.u32 $0x31, v4  }
0x229: {  	v44 =	vor.u32 $0x21, v11;
	v45 =	vor.u32 $0x20, v10;
	v41 =	vor.u32 $0x20, v12;
	v1 =	vmovc v7;
	v40 =	vld.idx.msk [tilespmem:v48+s10+$0x0], $0xffff;
	[tilespmem:v31+s11+$0x0] =	vst.idx.msk $0xffff, v6  }
0x22a: {  	v46 =	vor.u32 $0x10, v18;
	v7 =	vmovc v13;
	v13 =	vmovc v42;
	v47 =	vor.u32 $0x11, v15;
	v49 =	vmul.f32 v43, v2;
	v31 =	vld.idx.msk [tilespmem:v24+s10+$0x0], $0xffff  }
0x22b: {  	v42 =	vmov s15;
	v27 =	vmovc v25;
	v25 =	vmovc v36;
	s15 =	smov.u32 s14;
	v48 =	vor.u32 $0x10, v17;
	v30 =	vmul.f32 v30, v19;
	v43 =	vld.idx.msk [tilespmem:v22+s10+$0x0], $0xffff  }
0x22c: {  	v36 =	vshll.u32 v42, $0x6;
	v42 =	vor.u32 $0x11, v16;
	v38 =	vmul.f32 v38, v20;
	v6 =	vmovc v12;
	[tilespmem:v29+s11+$0x0] =	vst.idx.msk $0xffff, v49  }
0x22d: {  	v36 =	vor.u32 v0, v36;
	v49 =	vor.u32 v0, v28;
	v51 =	vmul.f32 v37, v1;
	v35 =	vld.idx.msk [tilespmem:v35+s10+$0x0], $0xffff  }
0x22e: {  	v50 =	vor.u32 $0x1, v22;
	v37 =	vor.u32 $0x1, v24;
	v28 =	vmovc v33;
	v52 =	vmul.f32 v32, v8;
	[tilespmem:v41+s11+$0x0] =	vst.idx.msk $0xffff, v38  }
0x22f: {  	v12 =	vmov v17;
	v32 =	vmul.f32 v40, v7;
	v38 =	vor.u32 $0x31, v5;
	v33 =	vld.idx.msk [tilespmem:v44+s10+$0x0], $0xffff;
	[tilespmem:v45+s11+$0x0] =	vst.idx.msk $0xffff, v51  }
0x230: {  	v17 =	vmov v49;
	v40 =	vor.u32 $0x31, v21;
	v31 =	vmul.f32 v31, v14;
	[tilespmem:v48+s11+$0x0] =	vst.idx.msk $0xffff, v52;
	v34 =	vld.idx.msk [tilespmem:v34+s10+$0x0], $0xffff  }
0x231: {  	v29 =	vmov v3;
	v41 =	vmul.f32 v43, v13;
	v42 =	vld.idx.msk [tilespmem:v42+s10+$0x0], $0xffff;
	[tilespmem:v46+s11+$0x0] =	vst.idx.msk $0xffff, v32;
	v32 =	vor.u32 $0x32, v4  }
0x232: {  	v3 =	vmovc v10;
	v44 =	vor.u32 $0x21, v10;
	v45 =	vor.u32 $0x32, v5;
	v43 =	vor.u32 $0x21, v6;
	[tilespmem:v49+s11+$0x0] =	vst.idx.msk $0xffff, v31;
	v31 =	vld.idx.msk [tilespmem:v47+s10+$0x0], $0xffff  }
0x233: {  	v46 =	vor.u32 $0x22, v9;
	v35 =	vmul.f32 v35, v2;
	v37 =	vld.idx.msk [tilespmem:v37+s10+$0x0], $0xffff;
	[tilespmem:v36+s11+$0x0] =	vst.idx.msk $0xffff, v41;
	v41 =	vor.u32 $0x22, v11  }
0x234: {  	v10 =	vmovc v18;
	v48 =	vor.u32 $0x11, v12;
	v49 =	vor.u32 $0x11, v18;
	v47 =	vld.idx.msk [tilespmem:v50+s10+$0x0], $0xffff;
	[tilespmem:v39+s11+$0x0] =	vst.idx.msk $0xffff, v30;
	v30 =	vor.u32 $0x31, v29  }
0x235: {  	v39 =	vor.u32 $0x12, v16;
	v50 =	vor.u32 $0x12, v15;
	v33 =	vmul.f32 v33, v20;
	[tilespmem:v40+s11+$0x0] =	vst.idx.msk $0xffff, v35;
	v35 =	vld.idx.msk [tilespmem:v38+s10+$0x0], $0xffff  }
0x236: {  	v18 =	vmovc v36;
	v38 =	vor.u32 $0x1, v17;
	v40 =	vor.u32 $0x1, v36;
	v34 =	vmul.f32 v34, v1;
	v32 =	vld.idx.msk [tilespmem:v32+s10+$0x0], $0xffff  }
0x237: {  	v51 =	vor.u32 $0x2, v22;
	v36 =	vor.u32 $0x2, v24;
	v42 =	vmul.f32 v42, v8;
	[tilespmem:v43+s11+$0x0] =	vst.idx.msk $0xffff, v33  }
0x238: {  	v31 =	vmul.f32 v31, v7;
	v33 =	vld.idx.msk [tilespmem:v41+s10+$0x0], $0xffff;
	[tilespmem:v44+s11+$0x0] =	vst.idx.msk $0xffff, v34  }
0x239: {  	v34 =	vmul.f32 v37, v14;
	v41 =	vor.u32 $0x32, v21;
	[tilespmem:v48+s11+$0x0] =	vst.idx.msk $0xffff, v42;
	v37 =	vld.idx.msk [tilespmem:v46+s10+$0x0], $0xffff  }
0x23a: {  	v43 =	vor.u32 $0x33, v5;
	v42 =	vmul.f32 v47, v13;
	v39 =	vld.idx.msk [tilespmem:v39+s10+$0x0], $0xffff;
	[tilespmem:v49+s11+$0x0] =	vst.idx.msk $0xffff, v31;
	v31 =	vor.u32 $0x33, v4  }
0x23b: {  	v44 =	vor.u32 $0x22, v3;
	v35 =	vmul.f32 v35, v19;
	[tilespmem:v38+s11+$0x0] =	vst.idx.msk $0xffff, v34;
	v34 =	vld.idx.msk [tilespmem:v50+s10+$0x0], $0xffff;
	v38 =	vor.u32 $0x22, v6  }
0x23c: {  	v32 =	vmul.f32 v32, v2;
	v36 =	vld.idx.msk [tilespmem:v36+s10+$0x0], $0xffff;
	[tilespmem:v40+s11+$0x0] =	vst.idx.msk $0xffff, v42;
	v40 =	vor.u32 $0x23, v11;
	v42 =	vor.u32 $0x23, v9  }
0x23d: {  	v47 =	vor.u32 $0x12, v12;
	v48 =	vor.u32 $0x12, v10;
	v46 =	vld.idx.msk [tilespmem:v51+s10+$0x0], $0xffff;
	[tilespmem:v30+s11+$0x0] =	vst.idx.msk $0xffff, v35;
	v30 =	vor.u32 $0x32, v29  }
0x23e: {  	v49 =	vor.u32 $0x13, v15;
	v35 =	vor.u32 $0x13, v16;
	v33 =	vmul.f32 v33, v20;
	[tilespmem:v41+s11+$0x0] =	vst.idx.msk $0xffff, v32;
	v32 =	vld.idx.msk [tilespmem:v45+s10+$0x0], $0xffff  }
0x23f: {  	v41 =	vor.u32 $0x2, v17;
	v45 =	vor.u32 $0x2, v18;
	v37 =	vmul.f32 v37, v1;
	v31 =	vld.idx.msk [tilespmem:v31+s10+$0x0], $0xffff  }
0x240: {  	v50 =	vor.u32 $0x3, v24;
	v51 =	vor.u32 $0x3, v22;
	v39 =	vmul.f32 v39, v8;
	[tilespmem:v38+s11+$0x0] =	vst.idx.msk $0xffff, v33  }
0x241: {  	v33 =	vmul.f32 v34, v7;
	v34 =	vld.idx.msk [tilespmem:v40+s10+$0x0], $0xffff;
	[tilespmem:v44+s11+$0x0] =	vst.idx.msk $0xffff, v37  }
0x242: {  	v38 =	vor.u32 $0x33, v21;
	v36 =	vmul.f32 v36, v14;
	[tilespmem:v47+s11+$0x0] =	vst.idx.msk $0xffff, v39;
	v37 =	vld.idx.msk [tilespmem:v42+s10+$0x0], $0xffff  }
0x243: {  	v40 =	vor.u32 $0x34, v5;
	v39 =	vmul.f32 v46, v13;
	v35 =	vld.idx.msk [tilespmem:v35+s10+$0x0], $0xffff;
	[tilespmem:v48+s11+$0x0] =	vst.idx.msk $0xffff, v33;
	v33 =	vor.u32 $0x34, v4  }
0x244: {  	v42 =	vor.u32 $0x23, v3;
	v32 =	vmul.f32 v32, v19;
	[tilespmem:v41+s11+$0x0] =	vst.idx.msk $0xffff, v36;
	v36 =	vld.idx.msk [tilespmem:v49+s10+$0x0], $0xffff;
	v41 =	vor.u32 $0x23, v6  }
0x245: {  	v31 =	vmul.f32 v31, v2;
	v44 =	vld.idx.msk [tilespmem:v50+s10+$0x0], $0xffff;
	[tilespmem:v45+s11+$0x0] =	vst.idx.msk $0xffff, v39;
	v39 =	vor.u32 $0x24, v11;
	v45 =	vor.u32 $0x24, v9  }
0x246: {  	v47 =	vor.u32 $0x13, v12;
	v48 =	vor.u32 $0x13, v10;
	v46 =	vld.idx.msk [tilespmem:v51+s10+$0x0], $0xffff;
	[tilespmem:v30+s11+$0x0] =	vst.idx.msk $0xffff, v32;
	v30 =	vor.u32 $0x33, v29  }
0x247: {  	v49 =	vor.u32 $0x14, v15;
	v32 =	vor.u32 $0x14, v16;
	v34 =	vmul.f32 v34, v20;
	[tilespmem:v38+s11+$0x0] =	vst.idx.msk $0xffff, v31;
	v31 =	vld.idx.msk [tilespmem:v43+s10+$0x0], $0xffff  }
0x248: {  	v38 =	vor.u32 $0x3, v17;
	v43 =	vor.u32 $0x3, v18;
	v37 =	vmul.f32 v37, v1;
	v33 =	vld.idx.msk [tilespmem:v33+s10+$0x0], $0xffff  }
0x249: {  	v50 =	vor.u32 $0x4, v24;
	v51 =	vor.u32 $0x4, v22;
	v35 =	vmul.f32 v35, v8;
	[tilespmem:v41+s11+$0x0] =	vst.idx.msk $0xffff, v34  }
0x24a: {  	v34 =	vmul.f32 v36, v7;
	v36 =	vld.idx.msk [tilespmem:v39+s10+$0x0], $0xffff;
	[tilespmem:v42+s11+$0x0] =	vst.idx.msk $0xffff, v37  }
0x24b: {  	v37 =	vmul.f32 v44, v14;
	v39 =	vor.u32 $0x34, v21;
	[tilespmem:v47+s11+$0x0] =	vst.idx.msk $0xffff, v35;
	v35 =	vld.idx.msk [tilespmem:v45+s10+$0x0], $0xffff  }
0x24c: {  	v42 =	vor.u32 $0x35, v5;
	v41 =	vmul.f32 v46, v13;
	v32 =	vld.idx.msk [tilespmem:v32+s10+$0x0], $0xffff;
	[tilespmem:v48+s11+$0x0] =	vst.idx.msk $0xffff, v34;
	v34 =	vor.u32 $0x35, v4  }
0x24d: {  	v44 =	vor.u32 $0x24, v3;
	v31 =	vmul.f32 v31, v19;
	[tilespmem:v38+s11+$0x0] =	vst.idx.msk $0xffff, v37;
	v37 =	vld.idx.msk [tilespmem:v49+s10+$0x0], $0xffff;
	v38 =	vor.u32 $0x24, v6  }
0x24e: {  	v33 =	vmul.f32 v33, v2;
	v45 =	vld.idx.msk [tilespmem:v50+s10+$0x0], $0xffff;
	[tilespmem:v43+s11+$0x0] =	vst.idx.msk $0xffff, v41;
	v41 =	vor.u32 $0x25, v11;
	v43 =	vor.u32 $0x25, v9  }
0x24f: {  	v47 =	vor.u32 $0x14, v12;
	v48 =	vor.u32 $0x14, v10;
	v46 =	vld.idx.msk [tilespmem:v51+s10+$0x0], $0xffff;
	[tilespmem:v30+s11+$0x0] =	vst.idx.msk $0xffff, v31;
	v30 =	vor.u32 $0x34, v29  }
0x250: {  	v49 =	vor.u32 $0x15, v15;
	v31 =	vor.u32 $0x15, v16;
	v36 =	vmul.f32 v36, v20;
	[tilespmem:v39+s11+$0x0] =	vst.idx.msk $0xffff, v33;
	v33 =	vld.idx.msk [tilespmem:v40+s10+$0x0], $0xffff  }
0x251: {  	v39 =	vor.u32 $0x4, v17;
	v40 =	vor.u32 $0x4, v18;
	v35 =	vmul.f32 v35, v1;
	v34 =	vld.idx.msk [tilespmem:v34+s10+$0x0], $0xffff  }
0x252: {  	v50 =	vor.u32 $0x5, v24;
	v51 =	vor.u32 $0x5, v22;
	v32 =	vmul.f32 v32, v8;
	[tilespmem:v38+s11+$0x0] =	vst.idx.msk $0xffff, v36  }
0x253: {  	v36 =	vmul.f32 v37, v7;
	v37 =	vld.idx.msk [tilespmem:v41+s10+$0x0], $0xffff;
	[tilespmem:v44+s11+$0x0] =	vst.idx.msk $0xffff, v35  }
0x254: {  	v38 =	vor.u32 $0x35, v21;
	v35 =	vmul.f32 v45, v14;
	[tilespmem:v47+s11+$0x0] =	vst.idx.msk $0xffff, v32;
	v32 =	vld.idx.msk [tilespmem:v43+s10+$0x0], $0xffff  }
0x255: {  	v41 =	vmul.f32 v46, v13;
	v43 =	vor.u32 $0x36, v5;
	v31 =	vld.idx.msk [tilespmem:v31+s10+$0x0], $0xffff;
	[tilespmem:v48+s11+$0x0] =	vst.idx.msk $0xffff, v36;
	v36 =	vor.u32 $0x36, v4  }
0x256: {  	v44 =	vor.u32 $0x25, v3;
	v33 =	vmul.f32 v33, v19;
	[tilespmem:v39+s11+$0x0] =	vst.idx.msk $0xffff, v35;
	v35 =	vld.idx.msk [tilespmem:v49+s10+$0x0], $0xffff;
	v39 =	vor.u32 $0x25, v6  }
0x257: {  	v34 =	vmul.f32 v34, v2;
	v45 =	vld.idx.msk [tilespmem:v50+s10+$0x0], $0xffff;
	[tilespmem:v40+s11+$0x0] =	vst.idx.msk $0xffff, v41;
	v40 =	vor.u32 $0x26, v11;
	v41 =	vor.u32 $0x26, v9  }
0x258: {  	v47 =	vor.u32 $0x15, v12;
	v48 =	vor.u32 $0x15, v10;
	v46 =	vld.idx.msk [tilespmem:v51+s10+$0x0], $0xffff;
	[tilespmem:v30+s11+$0x0] =	vst.idx.msk $0xffff, v33;
	v30 =	vor.u32 $0x35, v29  }
0x259: {  	v49 =	vor.u32 $0x16, v15;
	v33 =	vor.u32 $0x16, v16;
	v37 =	vmul.f32 v37, v20;
	[tilespmem:v38+s11+$0x0] =	vst.idx.msk $0xffff, v34;
	v34 =	vld.idx.msk [tilespmem:v42+s10+$0x0], $0xffff  }
0x25a: {  	v38 =	vor.u32 $0x5, v17;
	v42 =	vor.u32 $0x5, v18;
	v32 =	vmul.f32 v32, v1;
	v36 =	vld.idx.msk [tilespmem:v36+s10+$0x0], $0xffff  }
0x25b: {  	v50 =	vor.u32 $0x6, v24;
	v51 =	vor.u32 $0x6, v22;
	v31 =	vmul.f32 v31, v8;
	[tilespmem:v39+s11+$0x0] =	vst.idx.msk $0xffff, v37  }
0x25c: {  	v35 =	vmul.f32 v35, v7;
	v37 =	vld.idx.msk [tilespmem:v40+s10+$0x0], $0xffff;
	[tilespmem:v44+s11+$0x0] =	vst.idx.msk $0xffff, v32  }
0x25d: {  	v39 =	vor.u32 $0x36, v21;
	v32 =	vmul.f32 v45, v14;
	[tilespmem:v47+s11+$0x0] =	vst.idx.msk $0xffff, v31;
	v31 =	vld.idx.msk [tilespmem:v41+s10+$0x0], $0xffff  }
0x25e: {  	v40 =	vmul.f32 v46, v13;
	v41 =	vor.u32 $0x37, v5;
	v33 =	vld.idx.msk [tilespmem:v33+s10+$0x0], $0xffff;
	[tilespmem:v48+s11+$0x0] =	vst.idx.msk $0xffff, v35;
	v35 =	vor.u32 $0x37, v4  }
0x25f: {  	v44 =	vor.u32 $0x26, v3;
	v34 =	vmul.f32 v34, v19;
	[tilespmem:v38+s11+$0x0] =	vst.idx.msk $0xffff, v32;
	v32 =	vld.idx.msk [tilespmem:v49+s10+$0x0], $0xffff;
	v38 =	vor.u32 $0x26, v6  }
0x260: {  	v36 =	vmul.f32 v36, v2;
	v45 =	vld.idx.msk [tilespmem:v50+s10+$0x0], $0xffff;
	[tilespmem:v42+s11+$0x0] =	vst.idx.msk $0xffff, v40;
	v40 =	vor.u32 $0x27, v11;
	v42 =	vor.u32 $0x27, v9  }
0x261: {  	v47 =	vor.u32 $0x16, v12;
	v48 =	vor.u32 $0x16, v10;
	v46 =	vld.idx.msk [tilespmem:v51+s10+$0x0], $0xffff;
	[tilespmem:v30+s11+$0x0] =	vst.idx.msk $0xffff, v34;
	v30 =	vor.u32 $0x36, v29  }
0x262: {  	v49 =	vor.u32 $0x17, v15;
	v34 =	vor.u32 $0x17, v16;
	v37 =	vmul.f32 v37, v20;
	[tilespmem:v39+s11+$0x0] =	vst.idx.msk $0xffff, v36;
	v36 =	vld.idx.msk [tilespmem:v43+s10+$0x0], $0xffff  }
0x263: {  	v39 =	vor.u32 $0x6, v17;
	v43 =	vor.u32 $0x6, v18;
	v31 =	vmul.f32 v31, v1;
	v35 =	vld.idx.msk [tilespmem:v35+s10+$0x0], $0xffff  }
0x264: {  	v50 =	vor.u32 $0x7, v24;
	v51 =	vor.u32 $0x7, v22;
	v33 =	vmul.f32 v33, v8;
	[tilespmem:v38+s11+$0x0] =	vst.idx.msk $0xffff, v37  }
0x265: {  	v32 =	vmul.f32 v32, v7;
	v37 =	vld.idx.msk [tilespmem:v40+s10+$0x0], $0xffff;
	[tilespmem:v44+s11+$0x0] =	vst.idx.msk $0xffff, v31  }
0x266: {  	v38 =	vor.u32 $0x37, v21;
	v31 =	vmul.f32 v45, v14;
	[tilespmem:v47+s11+$0x0] =	vst.idx.msk $0xffff, v33;
	v33 =	vld.idx.msk [tilespmem:v42+s10+$0x0], $0xffff  }
0x267: {  	v40 =	vmul.f32 v46, v13;
	v42 =	vor.u32 $0x38, v5;
	v34 =	vld.idx.msk [tilespmem:v34+s10+$0x0], $0xffff;
	[tilespmem:v48+s11+$0x0] =	vst.idx.msk $0xffff, v32;
	v32 =	vor.u32 $0x38, v4  }
0x268: {  	v44 =	vor.u32 $0x27, v3;
	v36 =	vmul.f32 v36, v19;
	[tilespmem:v39+s11+$0x0] =	vst.idx.msk $0xffff, v31;
	v31 =	vld.idx.msk [tilespmem:v49+s10+$0x0], $0xffff;
	v39 =	vor.u32 $0x27, v6  }
0x269: {  	v35 =	vmul.f32 v35, v2;
	v45 =	vld.idx.msk [tilespmem:v50+s10+$0x0], $0xffff;
	[tilespmem:v43+s11+$0x0] =	vst.idx.msk $0xffff, v40;
	v40 =	vor.u32 $0x28, v11;
	v43 =	vor.u32 $0x28, v9  }
0x26a: {  	v47 =	vor.u32 $0x17, v12;
	v48 =	vor.u32 $0x17, v10;
	v46 =	vld.idx.msk [tilespmem:v51+s10+$0x0], $0xffff;
	[tilespmem:v30+s11+$0x0] =	vst.idx.msk $0xffff, v36;
	v30 =	vor.u32 $0x37, v29  }
0x26b: {  	v49 =	vor.u32 $0x18, v15;
	v36 =	vor.u32 $0x18, v16;
	v37 =	vmul.f32 v37, v20;
	[tilespmem:v38+s11+$0x0] =	vst.idx.msk $0xffff, v35;
	v35 =	vld.idx.msk [tilespmem:v41+s10+$0x0], $0xffff  }
0x26c: {  	v38 =	vor.u32 $0x7, v17;
	v41 =	vor.u32 $0x7, v18;
	v33 =	vmul.f32 v33, v1;
	v32 =	vld.idx.msk [tilespmem:v32+s10+$0x0], $0xffff  }
0x26d: {  	v50 =	vor.u32 $0x8, v24;
	v51 =	vor.u32 $0x8, v22;
	v34 =	vmul.f32 v34, v8;
	[tilespmem:v39+s11+$0x0] =	vst.idx.msk $0xffff, v37  }
0x26e: {  	v31 =	vmul.f32 v31, v7;
	v37 =	vld.idx.msk [tilespmem:v40+s10+$0x0], $0xffff;
	[tilespmem:v44+s11+$0x0] =	vst.idx.msk $0xffff, v33  }
0x26f: {  	v39 =	vor.u32 $0x38, v21;
	v33 =	vmul.f32 v45, v14;
	[tilespmem:v47+s11+$0x0] =	vst.idx.msk $0xffff, v34;
	v34 =	vld.idx.msk [tilespmem:v43+s10+$0x0], $0xffff  }
0x270: {  	v40 =	vmul.f32 v46, v13;
	v43 =	vor.u32 $0x39, v5;
	v36 =	vld.idx.msk [tilespmem:v36+s10+$0x0], $0xffff;
	[tilespmem:v48+s11+$0x0] =	vst.idx.msk $0xffff, v31;
	v31 =	vor.u32 $0x39, v4  }
0x271: {  	v44 =	vor.u32 $0x28, v3;
	v35 =	vmul.f32 v35, v19;
	[tilespmem:v38+s11+$0x0] =	vst.idx.msk $0xffff, v33;
	v33 =	vld.idx.msk [tilespmem:v49+s10+$0x0], $0xffff;
	v38 =	vor.u32 $0x28, v6  }
0x272: {  	v32 =	vmul.f32 v32, v2;
	v45 =	vld.idx.msk [tilespmem:v50+s10+$0x0], $0xffff;
	[tilespmem:v41+s11+$0x0] =	vst.idx.msk $0xffff, v40;
	v40 =	vor.u32 $0x29, v11;
	v41 =	vor.u32 $0x29, v9  }
0x273: {  	v47 =	vor.u32 $0x18, v12;
	v48 =	vor.u32 $0x18, v10;
	v46 =	vld.idx.msk [tilespmem:v51+s10+$0x0], $0xffff;
	[tilespmem:v30+s11+$0x0] =	vst.idx.msk $0xffff, v35;
	v30 =	vor.u32 $0x38, v29  }
0x274: {  	v49 =	vor.u32 $0x19, v15;
	v35 =	vor.u32 $0x19, v16;
	v37 =	vmul.f32 v37, v20;
	[tilespmem:v39+s11+$0x0] =	vst.idx.msk $0xffff, v32;
	v32 =	vld.idx.msk [tilespmem:v42+s10+$0x0], $0xffff  }
0x275: {  	v39 =	vor.u32 $0x8, v17;
	v42 =	vor.u32 $0x8, v18;
	v34 =	vmul.f32 v34, v1;
	v31 =	vld.idx.msk [tilespmem:v31+s10+$0x0], $0xffff  }
0x276: {  	v50 =	vor.u32 $0x9, v24;
	v51 =	vor.u32 $0x9, v22;
	v36 =	vmul.f32 v36, v8;
	[tilespmem:v38+s11+$0x0] =	vst.idx.msk $0xffff, v37  }
0x277: {  	v33 =	vmul.f32 v33, v7;
	v37 =	vld.idx.msk [tilespmem:v40+s10+$0x0], $0xffff;
	[tilespmem:v44+s11+$0x0] =	vst.idx.msk $0xffff, v34  }
0x278: {  	v38 =	vor.u32 $0x39, v21;
	v34 =	vmul.f32 v45, v14;
	[tilespmem:v47+s11+$0x0] =	vst.idx.msk $0xffff, v36;
	v36 =	vld.idx.msk [tilespmem:v41+s10+$0x0], $0xffff  }
0x279: {  	v40 =	vmul.f32 v46, v13;
	v41 =	vor.u32 $0x3A, v5;
	v35 =	vld.idx.msk [tilespmem:v35+s10+$0x0], $0xffff;
	[tilespmem:v48+s11+$0x0] =	vst.idx.msk $0xffff, v33;
	v33 =	vor.u32 $0x3A, v4  }
0x27a: {  	v44 =	vor.u32 $0x29, v3;
	v32 =	vmul.f32 v32, v19;
	[tilespmem:v39+s11+$0x0] =	vst.idx.msk $0xffff, v34;
	v34 =	vld.idx.msk [tilespmem:v49+s10+$0x0], $0xffff;
	v39 =	vor.u32 $0x29, v6  }
0x27b: {  	v31 =	vmul.f32 v31, v2;
	v45 =	vld.idx.msk [tilespmem:v50+s10+$0x0], $0xffff;
	[tilespmem:v42+s11+$0x0] =	vst.idx.msk $0xffff, v40;
	v40 =	vor.u32 $0x2A, v11;
	v42 =	vor.u32 $0x2A, v9  }
0x27c: {  	v47 =	vor.u32 $0x19, v12;
	v48 =	vor.u32 $0x19, v10;
	v46 =	vld.idx.msk [tilespmem:v51+s10+$0x0], $0xffff;
	[tilespmem:v30+s11+$0x0] =	vst.idx.msk $0xffff, v32;
	v30 =	vor.u32 $0x39, v29  }
0x27d: {  	v49 =	vor.u32 $0x1A, v15;
	v32 =	vor.u32 $0x1A, v16;
	v37 =	vmul.f32 v37, v20;
	[tilespmem:v38+s11+$0x0] =	vst.idx.msk $0xffff, v31;
	v31 =	vld.idx.msk [tilespmem:v43+s10+$0x0], $0xffff  }
0x27e: {  	v38 =	vor.u32 $0x9, v17;
	v43 =	vor.u32 $0x9, v18;
	v36 =	vmul.f32 v36, v1;
	v33 =	vld.idx.msk [tilespmem:v33+s10+$0x0], $0xffff  }
0x27f: {  	v50 =	vor.u32 $0xA, v24;
	v51 =	vor.u32 $0xA, v22;
	v35 =	vmul.f32 v35, v8;
	[tilespmem:v39+s11+$0x0] =	vst.idx.msk $0xffff, v37  }
0x280: {  	v34 =	vmul.f32 v34, v7;
	v37 =	vld.idx.msk [tilespmem:v40+s10+$0x0], $0xffff;
	[tilespmem:v44+s11+$0x0] =	vst.idx.msk $0xffff, v36  }
0x281: {  	v39 =	vor.u32 $0x3A, v21;
	v36 =	vmul.f32 v45, v14;
	[tilespmem:v47+s11+$0x0] =	vst.idx.msk $0xffff, v35;
	v35 =	vld.idx.msk [tilespmem:v42+s10+$0x0], $0xffff  }
0x282: {  	v40 =	vmul.f32 v46, v13;
	v42 =	vor.u32 $0x3B, v5;
	v32 =	vld.idx.msk [tilespmem:v32+s10+$0x0], $0xffff;
	[tilespmem:v48+s11+$0x0] =	vst.idx.msk $0xffff, v34;
	v34 =	vor.u32 $0x3B, v4  }
0x283: {  	v44 =	vor.u32 $0x2A, v3;
	v31 =	vmul.f32 v31, v19;
	[tilespmem:v38+s11+$0x0] =	vst.idx.msk $0xffff, v36;
	v36 =	vld.idx.msk [tilespmem:v49+s10+$0x0], $0xffff;
	v38 =	vor.u32 $0x2A, v6  }
0x284: {  	v33 =	vmul.f32 v33, v2;
	v45 =	vld.idx.msk [tilespmem:v50+s10+$0x0], $0xffff;
	[tilespmem:v43+s11+$0x0] =	vst.idx.msk $0xffff, v40;
	v40 =	vor.u32 $0x2B, v11;
	v43 =	vor.u32 $0x2B, v9  }
0x285: {  	v47 =	vor.u32 $0x1A, v12;
	v48 =	vor.u32 $0x1A, v10;
	v46 =	vld.idx.msk [tilespmem:v51+s10+$0x0], $0xffff;
	[tilespmem:v30+s11+$0x0] =	vst.idx.msk $0xffff, v31;
	v30 =	vor.u32 $0x3A, v29  }
0x286: {  	v49 =	vor.u32 $0x1B, v15;
	v31 =	vor.u32 $0x1B, v16;
	v37 =	vmul.f32 v37, v20;
	[tilespmem:v39+s11+$0x0] =	vst.idx.msk $0xffff, v33;
	v33 =	vld.idx.msk [tilespmem:v41+s10+$0x0], $0xffff  }
0x287: {  	v39 =	vor.u32 $0xA, v17;
	v41 =	vor.u32 $0xA, v18;
	v35 =	vmul.f32 v35, v1;
	v34 =	vld.idx.msk [tilespmem:v34+s10+$0x0], $0xffff  }
0x288: {  	v50 =	vor.u32 $0xB, v24;
	v51 =	vor.u32 $0xB, v22;
	v32 =	vmul.f32 v32, v8;
	[tilespmem:v38+s11+$0x0] =	vst.idx.msk $0xffff, v37  }
0x289: {  	v36 =	vmul.f32 v36, v7;
	v37 =	vld.idx.msk [tilespmem:v40+s10+$0x0], $0xffff;
	[tilespmem:v44+s11+$0x0] =	vst.idx.msk $0xffff, v35  }
0x28a: {  	v38 =	vor.u32 $0x3B, v21;
	v35 =	vmul.f32 v45, v14;
	[tilespmem:v47+s11+$0x0] =	vst.idx.msk $0xffff, v32;
	v32 =	vld.idx.msk [tilespmem:v43+s10+$0x0], $0xffff  }
0x28b: {  	v40 =	vmul.f32 v46, v13;
	v43 =	vor.u32 $0x3C, v5;
	v31 =	vld.idx.msk [tilespmem:v31+s10+$0x0], $0xffff;
	[tilespmem:v48+s11+$0x0] =	vst.idx.msk $0xffff, v36;
	v36 =	vor.u32 $0x3C, v4  }
0x28c: {  	v44 =	vor.u32 $0x2B, v3;
	v33 =	vmul.f32 v33, v19;
	[tilespmem:v39+s11+$0x0] =	vst.idx.msk $0xffff, v35;
	v35 =	vld.idx.msk [tilespmem:v49+s10+$0x0], $0xffff;
	v39 =	vor.u32 $0x2B, v6  }
0x28d: {  	v34 =	vmul.f32 v34, v2;
	v45 =	vld.idx.msk [tilespmem:v50+s10+$0x0], $0xffff;
	[tilespmem:v41+s11+$0x0] =	vst.idx.msk $0xffff, v40;
	v40 =	vor.u32 $0x2C, v11;
	v41 =	vor.u32 $0x2C, v9  }
0x28e: {  	v47 =	vor.u32 $0x1B, v12;
	v48 =	vor.u32 $0x1B, v10;
	v46 =	vld.idx.msk [tilespmem:v51+s10+$0x0], $0xffff;
	[tilespmem:v30+s11+$0x0] =	vst.idx.msk $0xffff, v33;
	v30 =	vor.u32 $0x3B, v29  }
0x28f: {  	v49 =	vor.u32 $0x1C, v15;
	v33 =	vor.u32 $0x1C, v16;
	v37 =	vmul.f32 v37, v20;
	[tilespmem:v38+s11+$0x0] =	vst.idx.msk $0xffff, v34;
	v34 =	vld.idx.msk [tilespmem:v42+s10+$0x0], $0xffff  }
0x290: {  	v38 =	vor.u32 $0xB, v17;
	v42 =	vor.u32 $0xB, v18;
	v32 =	vmul.f32 v32, v1;
	v36 =	vld.idx.msk [tilespmem:v36+s10+$0x0], $0xffff  }
0x291: {  	v50 =	vor.u32 $0xC, v24;
	v51 =	vor.u32 $0xC, v22;
	v31 =	vmul.f32 v31, v8;
	[tilespmem:v39+s11+$0x0] =	vst.idx.msk $0xffff, v37  }
0x292: {  	v35 =	vmul.f32 v35, v7;
	v37 =	vld.idx.msk [tilespmem:v40+s10+$0x0], $0xffff;
	[tilespmem:v44+s11+$0x0] =	vst.idx.msk $0xffff, v32  }
0x293: {  	v39 =	vor.u32 $0x3C, v21;
	v32 =	vmul.f32 v45, v14;
	[tilespmem:v47+s11+$0x0] =	vst.idx.msk $0xffff, v31;
	v31 =	vld.idx.msk [tilespmem:v41+s10+$0x0], $0xffff  }
0x294: {  	v40 =	vmul.f32 v46, v13;
	v41 =	vor.u32 $0x3D, v5;
	v33 =	vld.idx.msk [tilespmem:v33+s10+$0x0], $0xffff;
	[tilespmem:v48+s11+$0x0] =	vst.idx.msk $0xffff, v35;
	v35 =	vor.u32 $0x3D, v4  }
0x295: {  	v44 =	vor.u32 $0x2C, v3;
	v34 =	vmul.f32 v34, v19;
	[tilespmem:v38+s11+$0x0] =	vst.idx.msk $0xffff, v32;
	v32 =	vld.idx.msk [tilespmem:v49+s10+$0x0], $0xffff;
	v38 =	vor.u32 $0x2C, v6  }
0x296: {  	v36 =	vmul.f32 v36, v2;
	v45 =	vld.idx.msk [tilespmem:v50+s10+$0x0], $0xffff;
	[tilespmem:v42+s11+$0x0] =	vst.idx.msk $0xffff, v40;
	v40 =	vor.u32 $0x2D, v11;
	v42 =	vor.u32 $0x2D, v9  }
0x297: {  	v47 =	vor.u32 $0x1C, v12;
	v48 =	vor.u32 $0x1C, v10;
	v46 =	vld.idx.msk [tilespmem:v51+s10+$0x0], $0xffff;
	[tilespmem:v30+s11+$0x0] =	vst.idx.msk $0xffff, v34;
	v30 =	vor.u32 $0x3C, v29  }
0x298: {  	v49 =	vor.u32 $0x1D, v15;
	v34 =	vor.u32 $0x1D, v16;
	v37 =	vmul.f32 v37, v20;
	[tilespmem:v39+s11+$0x0] =	vst.idx.msk $0xffff, v36;
	v36 =	vld.idx.msk [tilespmem:v43+s10+$0x0], $0xffff  }
0x299: {  	v39 =	vor.u32 $0xC, v17;
	v43 =	vor.u32 $0xC, v18;
	v31 =	vmul.f32 v31, v1;
	v35 =	vld.idx.msk [tilespmem:v35+s10+$0x0], $0xffff  }
0x29a: {  	v50 =	vor.u32 $0xD, v24;
	v51 =	vor.u32 $0xD, v22;
	v33 =	vmul.f32 v33, v8;
	[tilespmem:v38+s11+$0x0] =	vst.idx.msk $0xffff, v37  }
0x29b: {  	v32 =	vmul.f32 v32, v7;
	v37 =	vld.idx.msk [tilespmem:v40+s10+$0x0], $0xffff;
	[tilespmem:v44+s11+$0x0] =	vst.idx.msk $0xffff, v31  }
0x29c: {  	v38 =	vor.u32 $0x3D, v21;
	v31 =	vmul.f32 v45, v14;
	[tilespmem:v47+s11+$0x0] =	vst.idx.msk $0xffff, v33;
	v33 =	vld.idx.msk [tilespmem:v42+s10+$0x0], $0xffff  }
0x29d: {  	v40 =	vmul.f32 v46, v13;
	v42 =	vor.u32 $0x3E, v5;
	v34 =	vld.idx.msk [tilespmem:v34+s10+$0x0], $0xffff;
	[tilespmem:v48+s11+$0x0] =	vst.idx.msk $0xffff, v32;
	v32 =	vor.u32 $0x3E, v4  }
0x29e: {  	v44 =	vor.u32 $0x2D, v3;
	v36 =	vmul.f32 v36, v19;
	[tilespmem:v39+s11+$0x0] =	vst.idx.msk $0xffff, v31;
	v31 =	vld.idx.msk [tilespmem:v49+s10+$0x0], $0xffff;
	v39 =	vor.u32 $0x2D, v6  }
0x29f: {  	v35 =	vmul.f32 v35, v2;
	v45 =	vld.idx.msk [tilespmem:v50+s10+$0x0], $0xffff;
	[tilespmem:v43+s11+$0x0] =	vst.idx.msk $0xffff, v40;
	v40 =	vor.u32 $0x2E, v11;
	v43 =	vor.u32 $0x2E, v9  }
0x2a0: {  	s17 =	sadd.s32 $0x20, s17;
	v47 =	vor.u32 $0x1D, v12;
	v48 =	vor.u32 $0x1D, v10;
	v46 =	vld.idx.msk [tilespmem:v51+s10+$0x0], $0xffff;
	[tilespmem:v30+s11+$0x0] =	vst.idx.msk $0xffff, v36;
	v36 =	vor.u32 $0x3D, v29  }
0x2a1: {  	v49 =	vor.u32 $0x1E, v16;
	v50 =	vor.u32 $0x1E, v15;
	v37 =	vmul.f32 v37, v20;
	[tilespmem:v38+s11+$0x0] =	vst.idx.msk $0xffff, v35;
	v35 =	vld.idx.msk [tilespmem:v41+s10+$0x0], $0xffff  }
0x2a2: {  	v38 =	vor.u32 $0xD, v17;
	v41 =	vor.u32 $0xD, v18;
	v33 =	vmul.f32 v33, v1;
	v51 =	vld.idx.msk [tilespmem:v32+s10+$0x0], $0xffff  }
0x2a3: {  	v53 =	vor.u32 $0xE, v22;
	v52 =	vor.u32 $0xE, v24;
	v32 =	vmul.f32 v34, v8;
	v30 =	vld [tilespmem:s17+$0x0];
	[tilespmem:v39+s11+$0x0] =	vst.idx.msk $0xffff, v37  }
0x2a4: {  	v31 =	vmul.f32 v31, v7;
	v34 =	vld.idx.msk [tilespmem:v40+s10+$0x0], $0xffff;
	[tilespmem:v44+s11+$0x0] =	vst.idx.msk $0xffff, v33  }
0x2a5: {  	v39 =	vor.u32 $0x3E, v21;
	v33 =	vmul.f32 v45, v14;
	[tilespmem:v47+s11+$0x0] =	vst.idx.msk $0xffff, v32;
	v37 =	vld.idx.msk [tilespmem:v43+s10+$0x0], $0xffff  }
0x2a6: {  	v40 =	vmul.f32 v46, v13;
	v32 =	vor.u32 $0x3F, v5;
	v43 =	vld.idx.msk [tilespmem:v49+s10+$0x0], $0xffff;
	[tilespmem:v48+s11+$0x0] =	vst.idx.msk $0xffff, v31;
	v31 =	vor.u32 $0x3F, v4  }
0x2a7: {  	v5 =	vor.u32 $0x2E, v6;
	v49 =	vmul.f32 v35, v19;
	[tilespmem:v38+s11+$0x0] =	vst.idx.msk $0xffff, v33;
	v33 =	vld.idx.msk [tilespmem:v50+s10+$0x0], $0xffff;
	v38 =	vor.u32 $0x2E, v3  }
0x2a8: {  	v44 =	vor.u32 $0x2F, v9;
	v35 =	vld.idx.msk [tilespmem:v52+s10+$0x0], $0xffff;
	[tilespmem:v41+s11+$0x0] =	vst.idx.msk $0xffff, v40;
	v40 =	vor.u32 $0x2F, v11;
	v41 =	vmul.f32 v51, v2  }
0x2a9: {  	v46 =	vor.u32 $0x1E, v12;
	v47 =	vor.u32 $0x1E, v10;
	v48 =	vor.u32 $0x3E, v29;
	v4 =	vmovc v11;
	v45 =	vld.idx.msk [tilespmem:v53+s10+$0x0], $0xffff;
	[tilespmem:v36+s11+$0x0] =	vst.idx.msk $0xffff, v49  }
0x2aa: {  	v36 =	vor.u32 $0x1F, v16;
	v49 =	vor.u32 $0x1F, v15;
	v34 =	vmul.f32 v34, v20;
	[tilespmem:v39+s11+$0x0] =	vst.idx.msk $0xffff, v41;
	v50 =	vld.idx.msk [tilespmem:v42+s10+$0x0], $0xffff  }
0x2ab: {  	v51 =	vor.u32 $0xE, v17;
	v52 =	vor.u32 $0xE, v18;
	v11 =	vmovc v16;
	v16 =	vmovc v24;
	v37 =	vmul.f32 v37, v1;
	v53 =	vld.idx.msk [tilespmem:v31+s10+$0x0], $0xffff  }
0x2ac: {  	v55 =	vor.u32 $0xF, v22;
	v54 =	vor.u32 $0xF, v16;
	v31 =	vmul.f32 v43, v8;
	v24 =	vld [tilespmem:s17+$0xFFFFFFF0];
	[tilespmem:v5+s11+$0x0] =	vst.idx.msk $0xffff, v34;
	v5 =	vmovc v9  }
0x2ad: {  	v33 =	vmul.f32 v33, v7;
	v9 =	vmov v15;
	v15 =	vmov v22;
	v41 =	vld.idx.msk [tilespmem:v40+s10+$0x0], $0xffff;
	[tilespmem:v38+s11+$0x0] =	vst.idx.msk $0xffff, v37  }
.Ltmp0:
0x2ae: {  	v42 =	vor.u32 $0x3F, v21;
	v22 =	vmul.f32 v35, v14;
	[tilespmem:v46+s11+$0x0] =	vst.idx.msk $0xffff, v31;
	v39 =	vld.idx.msk [tilespmem:v44+s10+$0x0], $0xffff;
	v31 =	vor.u32 $0x3F, v29;
	(pc) =	sbr.rel @p0 .LBB2_2-.Ltmp0, $4  }
0x2af: {  	v35 =	vmul.f32 v45, v13;
	v29 =	vor.u32 $0x30, v6;
	v21 =	vld.idx.msk [tilespmem:v36+s10+$0x0], $0xffff;
	[tilespmem:v47+s11+$0x0] =	vst.idx.msk $0xffff, v33;
	v33 =	vor.u32 $0x30, v5  }
0x2b0: {  	v43 =	vor.u32 $0x2F, v6;
	v34 =	vor.u32 $0x2F, v3;
	v47 =	vmul.f32 v50, v19;
	[tilespmem:v51+s11+$0x0] =	vst.idx.msk $0xffff, v22;
	v22 =	vld.idx.msk [tilespmem:v49+s10+$0x0], $0xffff  }
0x2b1: {  	v44 =	vor.u32 $0x30, v4;
	v36 =	vor.u32 $0x1F, v10;
	v46 =	vmul.f32 v53, v2;
	v38 =	vld.idx.msk [tilespmem:v54+s10+$0x0], $0xffff;
	[tilespmem:v52+s11+$0x0] =	vst.idx.msk $0xffff, v35  }
0x2b2: {  	v37 =	vor.u32 $0xF, v17;
	v45 =	vor.u32 $0x1F, v12;
	v2 =	vmovc v20;
	v35 =	vor.u32 $0xF, v18;
	v40 =	vld.idx.msk [tilespmem:v55+s10+$0x0], $0xffff;
	[tilespmem:v48+s11+$0x0] =	vst.idx.msk $0xffff, v47  }
0x2b3: {  	_ =	sdelay $0x3  }
0x2b4: {  	v47 =	vor.u32 $0x10, v16;
	v41 =	vmul.f32 v41, v2;
	v48 =	vor.u32 $0x10, v15;
	s13 =	sadd.s32 $0x20, s13;
	v32 =	vld.idx.msk [tilespmem:v32+s10+$0x0], $0xffff  }
0x2b5: {  	v24 =	vadd.s32 $0xFFFFFFFF, v24;
	v30 =	vadd.s32 $0xFFFFFFFF, v30;
	v39 =	vmul.f32 v39, v1;
	v20 =	vld [tilespmem:s13+$0x0]  }
0x2b6: {  	vm0 =	vgt.s32 v24, $0x0;
	v49 =	vmul.f32 v21, v8;
	vm1 =	vgt.s32 v30, $0x0;
	v21 =	vld [tilespmem:s13+$0xFFFFFFF0];
	[tilespmem:v43+s11+$0x0] =	vst.idx.msk $0xffff, v41  }
0x2b7: {  	v24 =	vnsel vm0, $0x0, v24;
	v55 =	vmul.f32 v22, v7;
	v57 =	vnsel vm1, $0x0, v30;
	[tilespmem:v34+s11+$0x0] =	vst.idx.msk $0xffff, v39;
	v56 =	vld.idx.msk [tilespmem:v44+s10+$0x0], $0xffff  }
0x2b8: {  	v24 =	vshll.u32 v24, $0x6;
	v58 =	vmul.f32 v38, v14;
	[tilespmem:v45+s11+$0x0] =	vst.idx.msk $0xffff, v49;
	v22 =	vshll.u32 v57, $0x6;
	v57 =	vld.idx.msk [tilespmem:v33+s10+$0x0], $0xffff  }
0x2b9: {  	v59 =	vmul.f32 v40, v13;
	v26 =	vld.idx.msk [tilespmem:v26+s10+$0x0], $0xffff;
	[tilespmem:v36+s11+$0x0] =	vst.idx.msk $0xffff, v55  }
0x2ba: {  	v61 =	vor.u32 $0x31, v4;
	v62 =	vor.u32 $0x20, v12;
	[tilespmem:v37+s11+$0x0] =	vst.idx.msk $0xffff, v58;
	v27 =	vld.idx.msk [tilespmem:v27+s10+$0x0], $0xffff  }
0x2bb: {  	v63 =	vor.u32 $0x21, v11;
	v52 =	vmov s15;
	v53 =	vor.u32 $0x10, v17;
	v60 =	vld.idx.msk [tilespmem:v47+s10+$0x0], $0xffff;
	[tilespmem:v35+s11+$0x0] =	vst.idx.msk $0xffff, v59  }
0x2bc: {  	v30 =	vor.u32 $0x21, v9;
	v49 =	vor.u32 $0x20, v10;
	v19 =	vmul.f32 v32, v19;
	v48 =	vld.idx.msk [tilespmem:v48+s10+$0x0], $0xffff  }
0x2bd: {  	[tilespmem:v42+s11+$0x0] =	vst.idx.msk $0xffff, v46;
	v39 =	vor.u32 $0x10, v18;
	v41 =	vor.u32 $0x11, v15;
	v50 =	vmul.f32 v56, v2;
	v51 =	vld.idx.msk [tilespmem:v24+s10+$0x0], $0xffff  }
0x2be: {  	v55 =	vor.u32 $0x11, v16;
	v59 =	vor.u32 $0x1, v24;
	[tilespmem:v31+s11+$0x0] =	vst.idx.msk $0xffff, v19;
	v54 =	vld.idx.msk [tilespmem:v22+s10+$0x0], $0xffff;
	v56 =	vmul.f32 v26, v8  }
0x2bf: {  	v19 =	vshll.u32 v52, $0x6;
	v26 =	vor.u32 v0, v28;
	[tilespmem:v29+s11+$0x0] =	vst.idx.msk $0xffff, v50;
	v27 =	vmul.f32 v27, v7  }
0x2c0: {  	v19 =	vor.u32 v0, v19;
	v58 =	vld.idx.msk [tilespmem:v61+s10+$0x0], $0xffff;
	v32 =	vmul.f32 v60, v14;
	[tilespmem:v62+s11+$0x0] =	vst.idx.msk $0xffff, v56  }
0x2c1: {  	v60 =	vor.u32 $0x30, v3;
	v61 =	vor.u32 $0x1, v22;
	v34 =	vmul.f32 v48, v13;
	v37 =	vld.idx.msk [tilespmem:v63+s10+$0x0], $0xffff;
	[tilespmem:v49+s11+$0x0] =	vst.idx.msk $0xffff, v27  }
0x2c2: {  	v62 =	vor.u32 $0x31, v5;
	v63 =	vor.u32 $0x31, v6;
	v31 =	vmul.f32 v51, v21;
	[tilespmem:v53+s11+$0x0] =	vst.idx.msk $0xffff, v32;
	v30 =	vld.idx.msk [tilespmem:v30+s10+$0x0], $0xffff  }
0x2c3: {  	v50 =	vor.u32 $0x32, v4;
	v48 =	vmul.f32 v54, v20;
	v51 =	vor.u32 $0x21, v12;
	v49 =	vld.idx.msk [tilespmem:v55+s10+$0x0], $0xffff;
	[tilespmem:v39+s11+$0x0] =	vst.idx.msk $0xffff, v34  }
0x2c4: {  	v29 =	vmul.f32 v57, v1;
	v53 =	vor.u32 $0x21, v10;
	v54 =	vor.u32 $0x22, v11;
	[tilespmem:v26+s11+$0x0] =	vst.idx.msk $0xffff, v31;
	v52 =	vld.idx.msk [tilespmem:v41+s10+$0x0], $0xffff  }
0x2c5: {  	v56 =	vor.u32 $0x11, v17;
	v55 =	vor.u32 $0x22, v9;
	[tilespmem:v19+s11+$0x0] =	vst.idx.msk $0xffff, v48;
	v33 =	vld.idx.msk [tilespmem:v59+s10+$0x0], $0xffff;
	v28 =	vmul.f32 v58, v2  }
0x2c6: {  	v57 =	vor.u32 $0x11, v18;
	v36 =	vld.idx.msk [tilespmem:v61+s10+$0x0], $0xffff;
	[tilespmem:v60+s11+$0x0] =	vst.idx.msk $0xffff, v29;
	v58 =	vor.u32 $0x12, v16;
	v59 =	vmul.f32 v37, v8  }
0x2c7: {  	v60 =	vor.u32 $0x12, v15;
	v61 =	vor.u32 $0x1, v26;
	v27 =	vld.idx.msk [tilespmem:v62+s10+$0x0], $0xffff;
	[tilespmem:v63+s11+$0x0] =	vst.idx.msk $0xffff, v28;
	v30 =	vmul.f32 v30, v7  }
0x2c8: {  	v62 =	vor.u32 $0x1, v19;
	v63 =	vor.u32 $0x2, v24;
	v34 =	vld.idx.msk [tilespmem:v50+s10+$0x0], $0xffff;
	v40 =	vmul.f32 v49, v14;
	[tilespmem:v51+s11+$0x0] =	vst.idx.msk $0xffff, v59  }
0x2c9: {  	v48 =	vor.u32 $0x31, v3;
	v49 =	vor.u32 $0x2, v22;
	v31 =	vmul.f32 v52, v13;
	v42 =	vld.idx.msk [tilespmem:v54+s10+$0x0], $0xffff;
	[tilespmem:v53+s11+$0x0] =	vst.idx.msk $0xffff, v30  }
0x2ca: {  	v50 =	vor.u32 $0x32, v5;
	v51 =	vor.u32 $0x32, v6;
	v33 =	vmul.f32 v33, v21;
	[tilespmem:v56+s11+$0x0] =	vst.idx.msk $0xffff, v40;
	v38 =	vld.idx.msk [tilespmem:v55+s10+$0x0], $0xffff  }
0x2cb: {  	v52 =	vor.u32 $0x33, v4;
	v53 =	vor.u32 $0x22, v12;
	v36 =	vmul.f32 v36, v20;
	v29 =	vld.idx.msk [tilespmem:v58+s10+$0x0], $0xffff;
	[tilespmem:v57+s11+$0x0] =	vst.idx.msk $0xffff, v31  }
0x2cc: {  	v55 =	vor.u32 $0x22, v10;
	v56 =	vor.u32 $0x23, v11;
	v27 =	vmul.f32 v27, v1;
	[tilespmem:v61+s11+$0x0] =	vst.idx.msk $0xffff, v33;
	v54 =	vld.idx.msk [tilespmem:v60+s10+$0x0], $0xffff  }
0x2cd: {  	v59 =	vor.u32 $0x12, v17;
	v58 =	vor.u32 $0x23, v9;
	[tilespmem:v62+s11+$0x0] =	vst.idx.msk $0xffff, v36;
	v57 =	vld.idx.msk [tilespmem:v63+s10+$0x0], $0xffff;
	v34 =	vmul.f32 v34, v2  }
0x2ce: {  	v60 =	vor.u32 $0x12, v18;
	v61 =	vor.u32 $0x13, v16;
	v39 =	vld.idx.msk [tilespmem:v49+s10+$0x0], $0xffff;
	[tilespmem:v48+s11+$0x0] =	vst.idx.msk $0xffff, v27;
	v62 =	vmul.f32 v42, v8  }
0x2cf: {  	v63 =	vor.u32 $0x13, v15;
	v48 =	vor.u32 $0x2, v26;
	v30 =	vld.idx.msk [tilespmem:v50+s10+$0x0], $0xffff;
	[tilespmem:v51+s11+$0x0] =	vst.idx.msk $0xffff, v34;
	v38 =	vmul.f32 v38, v7  }
0x2d0: {  	v49 =	vor.u32 $0x2, v19;
	v50 =	vor.u32 $0x3, v24;
	v31 =	vld.idx.msk [tilespmem:v52+s10+$0x0], $0xffff;
	v29 =	vmul.f32 v29, v14;
	[tilespmem:v53+s11+$0x0] =	vst.idx.msk $0xffff, v62  }
0x2d1: {  	v51 =	vor.u32 $0x32, v3;
	v52 =	vor.u32 $0x3, v22;
	v28 =	vmul.f32 v54, v13;
	v37 =	vld.idx.msk [tilespmem:v56+s10+$0x0], $0xffff;
	[tilespmem:v55+s11+$0x0] =	vst.idx.msk $0xffff, v38  }
0x2d2: {  	v53 =	vor.u32 $0x33, v5;
	v55 =	vor.u32 $0x33, v6;
	v54 =	vmul.f32 v57, v21;
	[tilespmem:v59+s11+$0x0] =	vst.idx.msk $0xffff, v29;
	v29 =	vld.idx.msk [tilespmem:v58+s10+$0x0], $0xffff  }
0x2d3: {  	v56 =	vmul.f32 v39, v20;
	v57 =	vor.u32 $0x34, v4;
	v58 =	vor.u32 $0x23, v12;
	v27 =	vld.idx.msk [tilespmem:v61+s10+$0x0], $0xffff;
	[tilespmem:v60+s11+$0x0] =	vst.idx.msk $0xffff, v28  }
0x2d4: {  	v60 =	vor.u32 $0x23, v10;
	v30 =	vmul.f32 v30, v1;
	v61 =	vor.u32 $0x24, v11;
	[tilespmem:v48+s11+$0x0] =	vst.idx.msk $0xffff, v54;
	v59 =	vld.idx.msk [tilespmem:v63+s10+$0x0], $0xffff  }
0x2d5: {  	[tilespmem:v49+s11+$0x0] =	vst.idx.msk $0xffff, v56;
	v63 =	vor.u32 $0x24, v9;
	v48 =	vor.u32 $0x13, v17;
	v62 =	vld.idx.msk [tilespmem:v50+s10+$0x0], $0xffff;
	v31 =	vmul.f32 v31, v2  }
0x2d6: {  	v49 =	vor.u32 $0x13, v18;
	v41 =	vld.idx.msk [tilespmem:v52+s10+$0x0], $0xffff;
	[tilespmem:v51+s11+$0x0] =	vst.idx.msk $0xffff, v30;
	v50 =	vor.u32 $0x14, v16;
	v51 =	vmul.f32 v37, v8  }
0x2d7: {  	v54 =	vor.u32 $0x3, v26;
	v52 =	vor.u32 $0x14, v15;
	v53 =	vld.idx.msk [tilespmem:v53+s10+$0x0], $0xffff;
	[tilespmem:v55+s11+$0x0] =	vst.idx.msk $0xffff, v31;
	v29 =	vmul.f32 v29, v7  }
0x2d8: {  	v56 =	vor.u32 $0x4, v24;
	v55 =	vor.u32 $0x3, v19;
	v28 =	vld.idx.msk [tilespmem:v57+s10+$0x0], $0xffff;
	v27 =	vmul.f32 v27, v14;
	[tilespmem:v58+s11+$0x0] =	vst.idx.msk $0xffff, v51  }
0x2d9: {  	v57 =	vor.u32 $0x33, v3;
	v58 =	vor.u32 $0x4, v22;
	v34 =	vmul.f32 v59, v13;
	v42 =	vld.idx.msk [tilespmem:v61+s10+$0x0], $0xffff;
	[tilespmem:v60+s11+$0x0] =	vst.idx.msk $0xffff, v29  }
0x2da: {  	v59 =	vor.u32 $0x34, v5;
	v61 =	vor.u32 $0x34, v6;
	v60 =	vmul.f32 v62, v21;
	[tilespmem:v48+s11+$0x0] =	vst.idx.msk $0xffff, v27;
	v27 =	vld.idx.msk [tilespmem:v63+s10+$0x0], $0xffff  }
0x2db: {  	v62 =	vmul.f32 v41, v20;
	v63 =	vor.u32 $0x35, v4;
	v48 =	vor.u32 $0x24, v12;
	v30 =	vld.idx.msk [tilespmem:v50+s10+$0x0], $0xffff;
	[tilespmem:v49+s11+$0x0] =	vst.idx.msk $0xffff, v34  }
0x2dc: {  	v51 =	vor.u32 $0x25, v11;
	v50 =	vor.u32 $0x24, v10;
	v31 =	vmul.f32 v53, v1;
	[tilespmem:v54+s11+$0x0] =	vst.idx.msk $0xffff, v60;
	v49 =	vld.idx.msk [tilespmem:v52+s10+$0x0], $0xffff  }
0x2dd: {  	v53 =	vor.u32 $0x25, v9;
	[tilespmem:v55+s11+$0x0] =	vst.idx.msk $0xffff, v62;
	v54 =	vor.u32 $0x14, v17;
	v52 =	vld.idx.msk [tilespmem:v56+s10+$0x0], $0xffff;
	v28 =	vmul.f32 v28, v2  }
0x2de: {  	v55 =	vor.u32 $0x14, v18;
	v39 =	vld.idx.msk [tilespmem:v58+s10+$0x0], $0xffff;
	[tilespmem:v57+s11+$0x0] =	vst.idx.msk $0xffff, v31;
	v56 =	vor.u32 $0x15, v16;
	v57 =	vmul.f32 v42, v8  }
0x2df: {  	v60 =	vor.u32 $0x4, v26;
	v58 =	vor.u32 $0x15, v15;
	v59 =	vld.idx.msk [tilespmem:v59+s10+$0x0], $0xffff;
	[tilespmem:v61+s11+$0x0] =	vst.idx.msk $0xffff, v28;
	v27 =	vmul.f32 v27, v7  }
0x2e0: {  	v62 =	vor.u32 $0x5, v24;
	v61 =	vor.u32 $0x4, v19;
	v34 =	vld.idx.msk [tilespmem:v63+s10+$0x0], $0xffff;
	v30 =	vmul.f32 v30, v14;
	[tilespmem:v48+s11+$0x0] =	vst.idx.msk $0xffff, v57  }
0x2e1: {  	v47 =	vor.u32 $0x5, v22;
	v63 =	vor.u32 $0x34, v3;
	v32 =	vmul.f32 v49, v13;
	v38 =	vld.idx.msk [tilespmem:v51+s10+$0x0], $0xffff;
	[tilespmem:v50+s11+$0x0] =	vst.idx.msk $0xffff, v27  }
0x2e2: {  	v48 =	vor.u32 $0x35, v5;
	v51 =	vor.u32 $0x35, v6;
	v49 =	vmul.f32 v52, v21;
	[tilespmem:v54+s11+$0x0] =	vst.idx.msk $0xffff, v30;
	v50 =	vld.idx.msk [tilespmem:v53+s10+$0x0], $0xffff  }
0x2e3: {  	v39 =	vmul.f32 v39, v20;
	v52 =	vor.u32 $0x36, v4;
	v53 =	vor.u32 $0x25, v12;
	v31 =	vld.idx.msk [tilespmem:v56+s10+$0x0], $0xffff;
	[tilespmem:v55+s11+$0x0] =	vst.idx.msk $0xffff, v32  }
0x2e4: {  	v55 =	vor.u32 $0x25, v10;
	v28 =	vmul.f32 v59, v1;
	v56 =	vor.u32 $0x26, v11;
	[tilespmem:v60+s11+$0x0] =	vst.idx.msk $0xffff, v49;
	v54 =	vld.idx.msk [tilespmem:v58+s10+$0x0], $0xffff  }
0x2e5: {  	v59 =	vor.u32 $0x15, v17;
	[tilespmem:v61+s11+$0x0] =	vst.idx.msk $0xffff, v39;
	v58 =	vor.u32 $0x26, v9;
	v57 =	vld.idx.msk [tilespmem:v62+s10+$0x0], $0xffff;
	v34 =	vmul.f32 v34, v2  }
0x2e6: {  	v60 =	vor.u32 $0x15, v18;
	v61 =	vor.u32 $0x16, v16;
	v41 =	vld.idx.msk [tilespmem:v47+s10+$0x0], $0xffff;
	[tilespmem:v63+s11+$0x0] =	vst.idx.msk $0xffff, v28;
	v62 =	vmul.f32 v38, v8  }
0x2e7: {  	v63 =	vor.u32 $0x16, v15;
	v27 =	vld.idx.msk [tilespmem:v48+s10+$0x0], $0xffff;
	v48 =	vor.u32 $0x5, v26;
	[tilespmem:v51+s11+$0x0] =	vst.idx.msk $0xffff, v34;
	v30 =	vmul.f32 v50, v7  }
0x2e8: {  	v49 =	vor.u32 $0x5, v19;
	v50 =	vor.u32 $0x6, v24;
	v32 =	vld.idx.msk [tilespmem:v52+s10+$0x0], $0xffff;
	v31 =	vmul.f32 v31, v14;
	[tilespmem:v53+s11+$0x0] =	vst.idx.msk $0xffff, v62  }
0x2e9: {  	v51 =	vor.u32 $0x35, v3;
	v52 =	vor.u32 $0x6, v22;
	v29 =	vmul.f32 v54, v13;
	v42 =	vld.idx.msk [tilespmem:v56+s10+$0x0], $0xffff;
	[tilespmem:v55+s11+$0x0] =	vst.idx.msk $0xffff, v30  }
0x2ea: {  	v30 =	vor.u32 $0x36, v5;
	v55 =	vor.u32 $0x36, v6;
	v53 =	vmul.f32 v57, v21;
	[tilespmem:v59+s11+$0x0] =	vst.idx.msk $0xffff, v31;
	v54 =	vld.idx.msk [tilespmem:v58+s10+$0x0], $0xffff  }
0x2eb: {  	v56 =	vmul.f32 v41, v20;
	v57 =	vor.u32 $0x37, v4;
	v58 =	vor.u32 $0x26, v12;
	v28 =	vld.idx.msk [tilespmem:v61+s10+$0x0], $0xffff;
	[tilespmem:v60+s11+$0x0] =	vst.idx.msk $0xffff, v29  }
0x2ec: {  	v60 =	vor.u32 $0x26, v10;
	v27 =	vmul.f32 v27, v1;
	v61 =	vor.u32 $0x27, v11;
	[tilespmem:v48+s11+$0x0] =	vst.idx.msk $0xffff, v53;
	v59 =	vld.idx.msk [tilespmem:v63+s10+$0x0], $0xffff  }
0x2ed: {  	[tilespmem:v49+s11+$0x0] =	vst.idx.msk $0xffff, v56;
	v63 =	vor.u32 $0x27, v9;
	v48 =	vor.u32 $0x16, v17;
	v62 =	vld.idx.msk [tilespmem:v50+s10+$0x0], $0xffff;
	v32 =	vmul.f32 v32, v2  }
0x2ee: {  	v49 =	vor.u32 $0x16, v18;
	v40 =	vld.idx.msk [tilespmem:v52+s10+$0x0], $0xffff;
	[tilespmem:v51+s11+$0x0] =	vst.idx.msk $0xffff, v27;
	v50 =	vor.u32 $0x17, v16;
	v51 =	vmul.f32 v42, v8  }
0x2ef: {  	v53 =	vor.u32 $0x6, v26;
	v52 =	vor.u32 $0x17, v15;
	v30 =	vld.idx.msk [tilespmem:v30+s10+$0x0], $0xffff;
	[tilespmem:v55+s11+$0x0] =	vst.idx.msk $0xffff, v32;
	v31 =	vmul.f32 v54, v7  }
0x2f0: {  	v54 =	vor.u32 $0x6, v19;
	v55 =	vor.u32 $0x7, v24;
	v29 =	vld.idx.msk [tilespmem:v57+s10+$0x0], $0xffff;
	v28 =	vmul.f32 v28, v14;
	[tilespmem:v58+s11+$0x0] =	vst.idx.msk $0xffff, v51  }
0x2f1: {  	v56 =	vor.u32 $0x36, v3;
	v57 =	vor.u32 $0x7, v22;
	v33 =	vmul.f32 v59, v13;
	v38 =	vld.idx.msk [tilespmem:v61+s10+$0x0], $0xffff;
	[tilespmem:v60+s11+$0x0] =	vst.idx.msk $0xffff, v31  }
0x2f2: {  	v58 =	vor.u32 $0x37, v5;
	v60 =	vor.u32 $0x37, v6;
	v59 =	vmul.f32 v62, v21;
	[tilespmem:v48+s11+$0x0] =	vst.idx.msk $0xffff, v28;
	v28 =	vld.idx.msk [tilespmem:v63+s10+$0x0], $0xffff  }
0x2f3: {  	v61 =	vmul.f32 v40, v20;
	v62 =	vor.u32 $0x38, v4;
	v63 =	vor.u32 $0x27, v12;
	v27 =	vld.idx.msk [tilespmem:v50+s10+$0x0], $0xffff;
	[tilespmem:v49+s11+$0x0] =	vst.idx.msk $0xffff, v33  }
0x2f4: {  	v49 =	vor.u32 $0x27, v10;
	v30 =	vmul.f32 v30, v1;
	v50 =	vor.u32 $0x28, v11;
	[tilespmem:v53+s11+$0x0] =	vst.idx.msk $0xffff, v59;
	v48 =	vld.idx.msk [tilespmem:v52+s10+$0x0], $0xffff  }
0x2f5: {  	[tilespmem:v54+s11+$0x0] =	vst.idx.msk $0xffff, v61;
	v52 =	vor.u32 $0x28, v9;
	v53 =	vor.u32 $0x17, v17;
	v51 =	vld.idx.msk [tilespmem:v55+s10+$0x0], $0xffff;
	v29 =	vmul.f32 v29, v2  }
0x2f6: {  	v54 =	vor.u32 $0x17, v18;
	v41 =	vld.idx.msk [tilespmem:v57+s10+$0x0], $0xffff;
	[tilespmem:v56+s11+$0x0] =	vst.idx.msk $0xffff, v30;
	v55 =	vor.u32 $0x18, v16;
	v56 =	vmul.f32 v38, v8  }
0x2f7: {  	v59 =	vor.u32 $0x7, v26;
	v57 =	vor.u32 $0x18, v15;
	v58 =	vld.idx.msk [tilespmem:v58+s10+$0x0], $0xffff;
	[tilespmem:v60+s11+$0x0] =	vst.idx.msk $0xffff, v29;
	v28 =	vmul.f32 v28, v7  }
0x2f8: {  	v61 =	vor.u32 $0x8, v24;
	v60 =	vor.u32 $0x7, v19;
	v33 =	vld.idx.msk [tilespmem:v62+s10+$0x0], $0xffff;
	v27 =	vmul.f32 v27, v14;
	[tilespmem:v63+s11+$0x0] =	vst.idx.msk $0xffff, v56  }
0x2f9: {  	v63 =	vor.u32 $0x8, v22;
	v32 =	vmul.f32 v48, v13;
	v42 =	vld.idx.msk [tilespmem:v50+s10+$0x0], $0xffff;
	[tilespmem:v49+s11+$0x0] =	vst.idx.msk $0xffff, v28  }
0x2fa: {  	v62 =	vor.u32 $0x37, v3;
	v47 =	vmul.f32 v51, v21;
	[tilespmem:v53+s11+$0x0] =	vst.idx.msk $0xffff, v27;
	v48 =	vld.idx.msk [tilespmem:v52+s10+$0x0], $0xffff  }
0x2fb: {  	v46 =	vor.u32 $0x38, v5;
	v49 =	vor.u32 $0x38, v6;
	v50 =	vmul.f32 v41, v20;
	v30 =	vld.idx.msk [tilespmem:v55+s10+$0x0], $0xffff;
	[tilespmem:v54+s11+$0x0] =	vst.idx.msk $0xffff, v32  }
0x2fc: {  	v51 =	vor.u32 $0x39, v4;
	v52 =	vor.u32 $0x28, v12;
	[tilespmem:v59+s11+$0x0] =	vst.idx.msk $0xffff, v47;
	v31 =	vld.idx.msk [tilespmem:v57+s10+$0x0], $0xffff  }
0x2fd: {  	v53 =	vor.u32 $0x28, v10;
	v29 =	vmul.f32 v58, v1;
	v54 =	vor.u32 $0x29, v11;
	[tilespmem:v60+s11+$0x0] =	vst.idx.msk $0xffff, v50;
	v55 =	vld.idx.msk [tilespmem:v61+s10+$0x0], $0xffff  }
0x2fe: {  	v56 =	vor.u32 $0x29, v9;
	v57 =	vor.u32 $0x18, v17;
	v33 =	vmul.f32 v33, v2;
	v40 =	vld.idx.msk [tilespmem:v63+s10+$0x0], $0xffff  }
0x2ff: {  	v58 =	vor.u32 $0x19, v16;
	v60 =	vor.u32 $0x8, v26;
	[tilespmem:v62+s11+$0x0] =	vst.idx.msk $0xffff, v29;
	v59 =	vmul.f32 v42, v8  }
0x300: {  	v62 =	vor.u32 $0x8, v19;
	v63 =	vor.u32 $0x9, v24;
	v28 =	vld.idx.msk [tilespmem:v46+s10+$0x0], $0xffff;
	[tilespmem:v49+s11+$0x0] =	vst.idx.msk $0xffff, v33;
	v61 =	vmul.f32 v48, v7  }
0x301: {  	v47 =	vor.u32 $0x9, v22;
	v27 =	vld.idx.msk [tilespmem:v51+s10+$0x0], $0xffff;
	v30 =	vmul.f32 v30, v14;
	[tilespmem:v52+s11+$0x0] =	vst.idx.msk $0xffff, v59  }
0x302: {  	v29 =	vld.idx.msk [tilespmem:v54+s10+$0x0], $0xffff;
	[tilespmem:v53+s11+$0x0] =	vst.idx.msk $0xffff, v61;
	v48 =	vmul.f32 v55, v21  }
0x303: {  	[tilespmem:v57+s11+$0x0] =	vst.idx.msk $0xffff, v30;
	v30 =	vld.idx.msk [tilespmem:v56+s10+$0x0], $0xffff;
	v49 =	vmul.f32 v40, v20  }
0x304: {  	v32 =	vld.idx.msk [tilespmem:v58+s10+$0x0], $0xffff;
	[tilespmem:v60+s11+$0x0] =	vst.idx.msk $0xffff, v48  }
0x305: {  	[tilespmem:v62+s11+$0x0] =	vst.idx.msk $0xffff, v49;
	v33 =	vld.idx.msk [tilespmem:v63+s10+$0x0], $0xffff  }
0x306: {  	v34 =	vld.idx.msk [tilespmem:v47+s10+$0x0], $0xffff  }
0x307: {  	v50 =	vor.u32 $0x9, v26  }
0x308: {  	v51 =	vor.u32 $0x9, v19;
	v52 =	vor.u32 $0xA, v24  }
0x309: {  	v53 =	vor.u32 $0xA, v22  }
0x30a: {  	v33 =	vmul.f32 v33, v21  }
0x30b: {  	v34 =	vmul.f32 v34, v20  }
0x30c: {  	[tilespmem:v50+s11+$0x0] =	vst.idx.msk $0xffff, v33  }
0x30d: {  	[tilespmem:v51+s11+$0x0] =	vst.idx.msk $0xffff, v34;
	v33 =	vld.idx.msk [tilespmem:v52+s10+$0x0], $0xffff  }
0x30e: {  	v34 =	vld.idx.msk [tilespmem:v53+s10+$0x0], $0xffff  }
0x30f: {  	v54 =	vor.u32 $0xA, v26  }
0x310: {  	v55 =	vor.u32 $0xA, v19;
	v56 =	vor.u32 $0xB, v24  }
0x311: {  	v57 =	vor.u32 $0xB, v22  }
0x312: {  	v33 =	vmul.f32 v33, v21  }
0x313: {  	v34 =	vmul.f32 v34, v20  }
0x314: {  	[tilespmem:v54+s11+$0x0] =	vst.idx.msk $0xffff, v33  }
0x315: {  	[tilespmem:v55+s11+$0x0] =	vst.idx.msk $0xffff, v34;
	v33 =	vld.idx.msk [tilespmem:v56+s10+$0x0], $0xffff  }
0x316: {  	v34 =	vld.idx.msk [tilespmem:v57+s10+$0x0], $0xffff  }
0x317: {  	v58 =	vor.u32 $0xB, v26  }
0x318: {  	v59 =	vor.u32 $0xB, v19;
	v60 =	vor.u32 $0xC, v24  }
0x319: {  	v61 =	vor.u32 $0xC, v22  }
0x31a: {  	v33 =	vmul.f32 v33, v21  }
0x31b: {  	v34 =	vmul.f32 v34, v20  }
0x31c: {  	[tilespmem:v58+s11+$0x0] =	vst.idx.msk $0xffff, v33  }
0x31d: {  	[tilespmem:v59+s11+$0x0] =	vst.idx.msk $0xffff, v34;
	v33 =	vld.idx.msk [tilespmem:v60+s10+$0x0], $0xffff  }
0x31e: {  	v34 =	vld.idx.msk [tilespmem:v61+s10+$0x0], $0xffff  }
0x31f: {  	v62 =	vor.u32 $0xC, v26  }
0x320: {  	v40 =	vor.u32 $0xD, v24;
	v63 =	vor.u32 $0xC, v19  }
0x321: {  	v41 =	vor.u32 $0xD, v22  }
0x322: {  	v33 =	vmul.f32 v33, v21  }
0x323: {  	v34 =	vmul.f32 v34, v20  }
0x324: {  	[tilespmem:v62+s11+$0x0] =	vst.idx.msk $0xffff, v33  }
0x325: {  	[tilespmem:v63+s11+$0x0] =	vst.idx.msk $0xffff, v34;
	v33 =	vld.idx.msk [tilespmem:v40+s10+$0x0], $0xffff  }
0x326: {  	v34 =	vld.idx.msk [tilespmem:v41+s10+$0x0], $0xffff  }
0x327: {  	v42 =	vor.u32 $0xD, v26  }
0x328: {  	v44 =	vor.u32 $0xE, v24;
	v43 =	vor.u32 $0xD, v19  }
0x329: {  	v45 =	vor.u32 $0xE, v22  }
0x32a: {  	v33 =	vmul.f32 v33, v21  }
0x32b: {  	v34 =	vmul.f32 v34, v20  }
0x32c: {  	[tilespmem:v42+s11+$0x0] =	vst.idx.msk $0xffff, v33  }
0x32d: {  	[tilespmem:v43+s11+$0x0] =	vst.idx.msk $0xffff, v34;
	v33 =	vld.idx.msk [tilespmem:v44+s10+$0x0], $0xffff  }
0x32e: {  	v34 =	vld.idx.msk [tilespmem:v45+s10+$0x0], $0xffff  }
0x32f: {  	v46 =	vor.u32 $0xE, v26  }
0x330: {  	v48 =	vor.u32 $0xF, v24;
	v47 =	vor.u32 $0xE, v19  }
0x331: {  	v49 =	vor.u32 $0xF, v22  }
0x332: {  	v33 =	vmul.f32 v33, v21  }
0x333: {  	v34 =	vmul.f32 v34, v20  }
0x334: {  	[tilespmem:v46+s11+$0x0] =	vst.idx.msk $0xffff, v33  }
0x335: {  	[tilespmem:v47+s11+$0x0] =	vst.idx.msk $0xffff, v34;
	v33 =	vld.idx.msk [tilespmem:v48+s10+$0x0], $0xffff  }
0x336: {  	v34 =	vld.idx.msk [tilespmem:v49+s10+$0x0], $0xffff  }
0x337: {  	v50 =	vor.u32 $0xF, v26  }
0x338: {  	v51 =	vor.u32 $0xF, v19;
	v52 =	vor.u32 $0x10, v24  }
0x339: {  	v53 =	vor.u32 $0x10, v22  }
0x33a: {  	v33 =	vmul.f32 v33, v21  }
0x33b: {  	v34 =	vmul.f32 v34, v20  }
0x33c: {  	[tilespmem:v50+s11+$0x0] =	vst.idx.msk $0xffff, v33  }
0x33d: {  	[tilespmem:v51+s11+$0x0] =	vst.idx.msk $0xffff, v34;
	v33 =	vld.idx.msk [tilespmem:v52+s10+$0x0], $0xffff  }
0x33e: {  	v34 =	vld.idx.msk [tilespmem:v53+s10+$0x0], $0xffff  }
0x33f: {  	v54 =	vor.u32 $0x10, v26  }
0x340: {  	v55 =	vor.u32 $0x10, v19;
	v56 =	vor.u32 $0x11, v24  }
0x341: {  	v57 =	vor.u32 $0x11, v22  }
0x342: {  	v33 =	vmul.f32 v33, v21  }
0x343: {  	v34 =	vmul.f32 v34, v20  }
0x344: {  	[tilespmem:v54+s11+$0x0] =	vst.idx.msk $0xffff, v33  }
0x345: {  	[tilespmem:v55+s11+$0x0] =	vst.idx.msk $0xffff, v34;
	v33 =	vld.idx.msk [tilespmem:v56+s10+$0x0], $0xffff  }
0x346: {  	v34 =	vld.idx.msk [tilespmem:v57+s10+$0x0], $0xffff  }
0x347: {  	v58 =	vor.u32 $0x11, v26  }
0x348: {  	v59 =	vor.u32 $0x11, v19;
	v60 =	vor.u32 $0x12, v24  }
0x349: {  	v61 =	vor.u32 $0x12, v22  }
0x34a: {  	v33 =	vmul.f32 v33, v21  }
0x34b: {  	v34 =	vmul.f32 v34, v20  }
0x34c: {  	[tilespmem:v58+s11+$0x0] =	vst.idx.msk $0xffff, v33  }
0x34d: {  	[tilespmem:v59+s11+$0x0] =	vst.idx.msk $0xffff, v34;
	v33 =	vld.idx.msk [tilespmem:v60+s10+$0x0], $0xffff  }
0x34e: {  	v34 =	vld.idx.msk [tilespmem:v61+s10+$0x0], $0xffff  }
0x34f: {  	v62 =	vor.u32 $0x12, v26  }
0x350: {  	v63 =	vor.u32 $0x12, v19;
	v40 =	vor.u32 $0x13, v24  }
0x351: {  	v41 =	vor.u32 $0x13, v22  }
0x352: {  	v33 =	vmul.f32 v33, v21  }
0x353: {  	v34 =	vmul.f32 v34, v20  }
0x354: {  	[tilespmem:v62+s11+$0x0] =	vst.idx.msk $0xffff, v33  }
0x355: {  	[tilespmem:v63+s11+$0x0] =	vst.idx.msk $0xffff, v34;
	v33 =	vld.idx.msk [tilespmem:v40+s10+$0x0], $0xffff  }
0x356: {  	v34 =	vld.idx.msk [tilespmem:v41+s10+$0x0], $0xffff  }
0x357: {  	v42 =	vor.u32 $0x13, v26  }
0x358: {  	v43 =	vor.u32 $0x13, v19;
	v44 =	vor.u32 $0x14, v24  }
0x359: {  	v45 =	vor.u32 $0x14, v22  }
0x35a: {  	v33 =	vmul.f32 v33, v21  }
0x35b: {  	v34 =	vmul.f32 v34, v20  }
0x35c: {  	[tilespmem:v42+s11+$0x0] =	vst.idx.msk $0xffff, v33  }
0x35d: {  	[tilespmem:v43+s11+$0x0] =	vst.idx.msk $0xffff, v34;
	v33 =	vld.idx.msk [tilespmem:v44+s10+$0x0], $0xffff  }
0x35e: {  	v34 =	vld.idx.msk [tilespmem:v45+s10+$0x0], $0xffff  }
0x35f: {  	v46 =	vor.u32 $0x14, v26  }
0x360: {  	v47 =	vor.u32 $0x14, v19;
	v48 =	vor.u32 $0x15, v24  }
0x361: {  	v49 =	vor.u32 $0x15, v22  }
0x362: {  	v33 =	vmul.f32 v33, v21  }
0x363: {  	v34 =	vmul.f32 v34, v20  }
0x364: {  	[tilespmem:v46+s11+$0x0] =	vst.idx.msk $0xffff, v33  }
0x365: {  	[tilespmem:v47+s11+$0x0] =	vst.idx.msk $0xffff, v34;
	v33 =	vld.idx.msk [tilespmem:v48+s10+$0x0], $0xffff  }
0x366: {  	v34 =	vld.idx.msk [tilespmem:v49+s10+$0x0], $0xffff  }
0x367: {  	v50 =	vor.u32 $0x15, v26  }
0x368: {  	v51 =	vor.u32 $0x15, v19;
	v52 =	vor.u32 $0x16, v24  }
0x369: {  	v53 =	vor.u32 $0x16, v22  }
0x36a: {  	v33 =	vmul.f32 v33, v21  }
0x36b: {  	v34 =	vmul.f32 v34, v20  }
0x36c: {  	[tilespmem:v50+s11+$0x0] =	vst.idx.msk $0xffff, v33  }
0x36d: {  	[tilespmem:v51+s11+$0x0] =	vst.idx.msk $0xffff, v34;
	v33 =	vld.idx.msk [tilespmem:v52+s10+$0x0], $0xffff  }
0x36e: {  	v34 =	vld.idx.msk [tilespmem:v53+s10+$0x0], $0xffff  }
0x36f: {  	v54 =	vor.u32 $0x16, v26  }
0x370: {  	v55 =	vor.u32 $0x16, v19;
	v56 =	vor.u32 $0x17, v24  }
0x371: {  	v57 =	vor.u32 $0x17, v22  }
0x372: {  	v33 =	vmul.f32 v33, v21  }
0x373: {  	v34 =	vmul.f32 v34, v20  }
0x374: {  	[tilespmem:v54+s11+$0x0] =	vst.idx.msk $0xffff, v33  }
0x375: {  	[tilespmem:v55+s11+$0x0] =	vst.idx.msk $0xffff, v34;
	v33 =	vld.idx.msk [tilespmem:v56+s10+$0x0], $0xffff  }
0x376: {  	v34 =	vld.idx.msk [tilespmem:v57+s10+$0x0], $0xffff  }
0x377: {  	v58 =	vor.u32 $0x17, v26  }
0x378: {  	v59 =	vor.u32 $0x17, v19;
	v60 =	vor.u32 $0x18, v24  }
0x379: {  	v61 =	vor.u32 $0x18, v22  }
0x37a: {  	v33 =	vmul.f32 v33, v21  }
0x37b: {  	v34 =	vmul.f32 v34, v20  }
0x37c: {  	[tilespmem:v58+s11+$0x0] =	vst.idx.msk $0xffff, v33  }
0x37d: {  	[tilespmem:v59+s11+$0x0] =	vst.idx.msk $0xffff, v34;
	v33 =	vld.idx.msk [tilespmem:v60+s10+$0x0], $0xffff  }
0x37e: {  	v62 =	vor.u32 $0x18, v18;
	v63 =	vld.idx.msk [tilespmem:v61+s10+$0x0], $0xffff  }
0x37f: {  	v44 =	vor.u32 $0x19, v15;
	v45 =	vor.u32 $0x18, v26  }
0x380: {  	v46 =	vor.u32 $0x18, v19;
	v47 =	vor.u32 $0x19, v24  }
0x381: {  	v31 =	vmul.f32 v31, v13;
	v48 =	vor.u32 $0x19, v22  }
0x382: {  	v33 =	vmul.f32 v33, v21  }
0x383: {  	[tilespmem:v62+s11+$0x0] =	vst.idx.msk $0xffff, v31;
	v49 =	vmul.f32 v63, v20  }
0x384: {  	v34 =	vld.idx.msk [tilespmem:v44+s10+$0x0], $0xffff;
	[tilespmem:v45+s11+$0x0] =	vst.idx.msk $0xffff, v33  }
0x385: {  	v50 =	vor.u32 $0x19, v17;
	[tilespmem:v46+s11+$0x0] =	vst.idx.msk $0xffff, v49;
	v51 =	vld.idx.msk [tilespmem:v47+s10+$0x0], $0xffff  }
0x386: {  	v52 =	vor.u32 $0x19, v18;
	v53 =	vor.u32 $0x1A, v16;
	v54 =	vld.idx.msk [tilespmem:v48+s10+$0x0], $0xffff  }
0x387: {  	v55 =	vor.u32 $0x1A, v15;
	v56 =	vor.u32 $0x19, v26  }
0x388: {  	v32 =	vmul.f32 v32, v14;
	v57 =	vor.u32 $0x19, v19;
	v58 =	vor.u32 $0x1A, v24  }
0x389: {  	v59 =	vor.u32 $0x1A, v22;
	v34 =	vmul.f32 v34, v13  }
0x38a: {  	[tilespmem:v50+s11+$0x0] =	vst.idx.msk $0xffff, v32;
	v60 =	vmul.f32 v51, v21  }
0x38b: {  	[tilespmem:v52+s11+$0x0] =	vst.idx.msk $0xffff, v34;
	v33 =	vld.idx.msk [tilespmem:v53+s10+$0x0], $0xffff;
	v61 =	vmul.f32 v54, v20  }
0x38c: {  	v34 =	vld.idx.msk [tilespmem:v55+s10+$0x0], $0xffff;
	[tilespmem:v56+s11+$0x0] =	vst.idx.msk $0xffff, v60  }
0x38d: {  	v62 =	vor.u32 $0x1A, v17;
	[tilespmem:v57+s11+$0x0] =	vst.idx.msk $0xffff, v61;
	v63 =	vld.idx.msk [tilespmem:v58+s10+$0x0], $0xffff  }
0x38e: {  	v45 =	vor.u32 $0x1A, v18;
	v46 =	vor.u32 $0x1B, v16;
	v47 =	vld.idx.msk [tilespmem:v59+s10+$0x0], $0xffff  }
0x38f: {  	v49 =	vor.u32 $0x1A, v26;
	v48 =	vor.u32 $0x1B, v15  }
0x390: {  	v50 =	vor.u32 $0x1A, v19;
	v33 =	vmul.f32 v33, v14;
	v51 =	vor.u32 $0x1B, v24  }
0x391: {  	v52 =	vor.u32 $0x1B, v22;
	v34 =	vmul.f32 v34, v13  }
0x392: {  	[tilespmem:v62+s11+$0x0] =	vst.idx.msk $0xffff, v33;
	v53 =	vmul.f32 v63, v21  }
0x393: {  	[tilespmem:v45+s11+$0x0] =	vst.idx.msk $0xffff, v34;
	v33 =	vld.idx.msk [tilespmem:v46+s10+$0x0], $0xffff;
	v54 =	vmul.f32 v47, v20  }
0x394: {  	v34 =	vld.idx.msk [tilespmem:v48+s10+$0x0], $0xffff;
	[tilespmem:v49+s11+$0x0] =	vst.idx.msk $0xffff, v53  }
0x395: {  	v55 =	vor.u32 $0x1B, v17;
	[tilespmem:v50+s11+$0x0] =	vst.idx.msk $0xffff, v54;
	v56 =	vld.idx.msk [tilespmem:v51+s10+$0x0], $0xffff  }
0x396: {  	v57 =	vor.u32 $0x1B, v18;
	v58 =	vor.u32 $0x1C, v16;
	v59 =	vld.idx.msk [tilespmem:v52+s10+$0x0], $0xffff  }
0x397: {  	v60 =	vor.u32 $0x1C, v15;
	v61 =	vor.u32 $0x1B, v26  }
0x398: {  	v62 =	vor.u32 $0x1B, v19;
	v33 =	vmul.f32 v33, v14;
	v63 =	vor.u32 $0x1C, v24  }
0x399: {  	v45 =	vor.u32 $0x1C, v22;
	v34 =	vmul.f32 v34, v13  }
0x39a: {  	[tilespmem:v55+s11+$0x0] =	vst.idx.msk $0xffff, v33;
	v46 =	vmul.f32 v56, v21  }
0x39b: {  	[tilespmem:v57+s11+$0x0] =	vst.idx.msk $0xffff, v34;
	v33 =	vld.idx.msk [tilespmem:v58+s10+$0x0], $0xffff;
	v47 =	vmul.f32 v59, v20  }
0x39c: {  	v34 =	vld.idx.msk [tilespmem:v60+s10+$0x0], $0xffff;
	[tilespmem:v61+s11+$0x0] =	vst.idx.msk $0xffff, v46  }
0x39d: {  	v48 =	vor.u32 $0x1C, v17;
	[tilespmem:v62+s11+$0x0] =	vst.idx.msk $0xffff, v47;
	v49 =	vld.idx.msk [tilespmem:v63+s10+$0x0], $0xffff  }
0x39e: {  	v50 =	vor.u32 $0x1C, v18;
	v51 =	vor.u32 $0x1D, v16;
	v52 =	vld.idx.msk [tilespmem:v45+s10+$0x0], $0xffff  }
0x39f: {  	v53 =	vor.u32 $0x1D, v15;
	v54 =	vor.u32 $0x1C, v26  }
0x3a0: {  	v55 =	vor.u32 $0x1C, v19;
	v33 =	vmul.f32 v33, v14;
	v56 =	vor.u32 $0x1D, v24  }
0x3a1: {  	v57 =	vor.u32 $0x1D, v22;
	v34 =	vmul.f32 v34, v13  }
0x3a2: {  	[tilespmem:v48+s11+$0x0] =	vst.idx.msk $0xffff, v33;
	v58 =	vmul.f32 v49, v21  }
0x3a3: {  	[tilespmem:v50+s11+$0x0] =	vst.idx.msk $0xffff, v34;
	v33 =	vld.idx.msk [tilespmem:v51+s10+$0x0], $0xffff;
	v59 =	vmul.f32 v52, v20  }
0x3a4: {  	v34 =	vld.idx.msk [tilespmem:v53+s10+$0x0], $0xffff;
	[tilespmem:v54+s11+$0x0] =	vst.idx.msk $0xffff, v58  }
0x3a5: {  	v60 =	vor.u32 $0x1D, v17;
	[tilespmem:v55+s11+$0x0] =	vst.idx.msk $0xffff, v59;
	v61 =	vld.idx.msk [tilespmem:v56+s10+$0x0], $0xffff  }
0x3a6: {  	v62 =	vor.u32 $0x1D, v18;
	v63 =	vor.u32 $0x1E, v16;
	v45 =	vld.idx.msk [tilespmem:v57+s10+$0x0], $0xffff  }
0x3a7: {  	v46 =	vor.u32 $0x1E, v15;
	v47 =	vor.u32 $0x1D, v26  }
0x3a8: {  	v48 =	vor.u32 $0x1D, v19;
	v33 =	vmul.f32 v33, v14;
	v49 =	vor.u32 $0x1E, v24  }
0x3a9: {  	v50 =	vor.u32 $0x1E, v22;
	v34 =	vmul.f32 v34, v13  }
0x3aa: {  	[tilespmem:v60+s11+$0x0] =	vst.idx.msk $0xffff, v33;
	v51 =	vmul.f32 v61, v21  }
0x3ab: {  	[tilespmem:v62+s11+$0x0] =	vst.idx.msk $0xffff, v34;
	v33 =	vld.idx.msk [tilespmem:v63+s10+$0x0], $0xffff;
	v52 =	vmul.f32 v45, v20  }
0x3ac: {  	v34 =	vld.idx.msk [tilespmem:v46+s10+$0x0], $0xffff;
	[tilespmem:v47+s11+$0x0] =	vst.idx.msk $0xffff, v51  }
0x3ad: {  	v53 =	vor.u32 $0x1E, v17;
	[tilespmem:v48+s11+$0x0] =	vst.idx.msk $0xffff, v52;
	v54 =	vld.idx.msk [tilespmem:v49+s10+$0x0], $0xffff  }
0x3ae: {  	v55 =	vor.u32 $0x1E, v18;
	v56 =	vor.u32 $0x1F, v16;
	v57 =	vld.idx.msk [tilespmem:v50+s10+$0x0], $0xffff  }
0x3af: {  	v58 =	vor.u32 $0x1F, v15;
	v59 =	vor.u32 $0x1E, v26  }
0x3b0: {  	v60 =	vor.u32 $0x1E, v19;
	v33 =	vmul.f32 v33, v14;
	v61 =	vor.u32 $0x1F, v24  }
0x3b1: {  	v62 =	vor.u32 $0x1F, v22;
	v34 =	vmul.f32 v34, v13  }
0x3b2: {  	[tilespmem:v53+s11+$0x0] =	vst.idx.msk $0xffff, v33;
	v63 =	vmul.f32 v54, v21  }
0x3b3: {  	[tilespmem:v55+s11+$0x0] =	vst.idx.msk $0xffff, v34;
	v33 =	vld.idx.msk [tilespmem:v56+s10+$0x0], $0xffff;
	v43 =	vmul.f32 v57, v20  }
0x3b4: {  	v34 =	vld.idx.msk [tilespmem:v58+s10+$0x0], $0xffff;
	[tilespmem:v59+s11+$0x0] =	vst.idx.msk $0xffff, v63  }
0x3b5: {  	v44 =	vor.u32 $0x1F, v17;
	[tilespmem:v60+s11+$0x0] =	vst.idx.msk $0xffff, v43;
	v45 =	vld.idx.msk [tilespmem:v61+s10+$0x0], $0xffff  }
0x3b6: {  	v46 =	vor.u32 $0x1F, v18;
	v47 =	vld.idx.msk [tilespmem:v62+s10+$0x0], $0xffff  }
0x3b7: {  	v48 =	vor.u32 $0x1F, v26  }
0x3b8: {  	v49 =	vor.u32 $0x20, v24;
	v50 =	vor.u32 $0x1F, v19;
	v33 =	vmul.f32 v33, v14  }
0x3b9: {  	v51 =	vor.u32 $0x20, v22;
	v34 =	vmul.f32 v34, v13  }
0x3ba: {  	[tilespmem:v44+s11+$0x0] =	vst.idx.msk $0xffff, v33;
	v52 =	vmul.f32 v45, v21  }
0x3bb: {  	[tilespmem:v46+s11+$0x0] =	vst.idx.msk $0xffff, v34;
	v23 =	vld.idx.msk [tilespmem:v23+s10+$0x0], $0xffff;
	v53 =	vmul.f32 v47, v20  }
0x3bc: {  	v25 =	vld.idx.msk [tilespmem:v25+s10+$0x0], $0xffff;
	[tilespmem:v48+s11+$0x0] =	vst.idx.msk $0xffff, v52  }
0x3bd: {  	v54 =	vor.u32 $0x20, v17;
	[tilespmem:v50+s11+$0x0] =	vst.idx.msk $0xffff, v53;
	v55 =	vld.idx.msk [tilespmem:v49+s10+$0x0], $0xffff  }
0x3be: {  	v56 =	vor.u32 $0x21, v16;
	v57 =	vor.u32 $0x20, v18;
	v58 =	vld.idx.msk [tilespmem:v51+s10+$0x0], $0xffff  }
0x3bf: {  	v59 =	vor.u32 $0x21, v15;
	v60 =	vor.u32 $0x20, v26  }
0x3c0: {  	v61 =	vor.u32 $0x21, v24;
	v62 =	vor.u32 $0x20, v19;
	v23 =	vmul.f32 v23, v14  }
0x3c1: {  	v63 =	vor.u32 $0x21, v22;
	v25 =	vmul.f32 v25, v13  }
0x3c2: {  	[tilespmem:v54+s11+$0x0] =	vst.idx.msk $0xffff, v23;
	v43 =	vmul.f32 v55, v21  }
0x3c3: {  	[tilespmem:v57+s11+$0x0] =	vst.idx.msk $0xffff, v25;
	v31 =	vld.idx.msk [tilespmem:v56+s10+$0x0], $0xffff;
	v44 =	vmul.f32 v58, v20  }
0x3c4: {  	v45 =	vld.idx.msk [tilespmem:v59+s10+$0x0], $0xffff;
	[tilespmem:v60+s11+$0x0] =	vst.idx.msk $0xffff, v43  }
0x3c5: {  	v46 =	vor.u32 $0x21, v17;
	[tilespmem:v62+s11+$0x0] =	vst.idx.msk $0xffff, v44;
	v47 =	vld.idx.msk [tilespmem:v61+s10+$0x0], $0xffff  }
0x3c6: {  	v48 =	vor.u32 $0x21, v18;
	v49 =	vor.u32 $0x22, v16;
	v50 =	vld.idx.msk [tilespmem:v63+s10+$0x0], $0xffff  }
0x3c7: {  	v52 =	vor.u32 $0x21, v26;
	v51 =	vor.u32 $0x22, v15  }
0x3c8: {  	v54 =	vor.u32 $0x22, v24;
	v53 =	vor.u32 $0x21, v19;
	v31 =	vmul.f32 v31, v14  }
0x3c9: {  	v32 =	vmul.f32 v45, v13;
	v55 =	vor.u32 $0x22, v22  }
0x3ca: {  	[tilespmem:v46+s11+$0x0] =	vst.idx.msk $0xffff, v31;
	v56 =	vmul.f32 v47, v21  }
0x3cb: {  	[tilespmem:v48+s11+$0x0] =	vst.idx.msk $0xffff, v32;
	v31 =	vld.idx.msk [tilespmem:v49+s10+$0x0], $0xffff;
	v57 =	vmul.f32 v50, v20  }
0x3cc: {  	v32 =	vld.idx.msk [tilespmem:v51+s10+$0x0], $0xffff;
	[tilespmem:v52+s11+$0x0] =	vst.idx.msk $0xffff, v56  }
0x3cd: {  	v58 =	vor.u32 $0x22, v17;
	[tilespmem:v53+s11+$0x0] =	vst.idx.msk $0xffff, v57;
	v59 =	vld.idx.msk [tilespmem:v54+s10+$0x0], $0xffff  }
0x3ce: {  	v60 =	vor.u32 $0x22, v18;
	v61 =	vor.u32 $0x23, v16;
	v62 =	vld.idx.msk [tilespmem:v55+s10+$0x0], $0xffff  }
0x3cf: {  	v44 =	vor.u32 $0x22, v26;
	v63 =	vor.u32 $0x23, v15  }
0x3d0: {  	v45 =	vor.u32 $0x22, v19;
	v46 =	vor.u32 $0x23, v24;
	v31 =	vmul.f32 v31, v14  }
0x3d1: {  	v32 =	vmul.f32 v32, v13;
	v47 =	vor.u32 $0x23, v22  }
0x3d2: {  	[tilespmem:v58+s11+$0x0] =	vst.idx.msk $0xffff, v31;
	v48 =	vmul.f32 v59, v21  }
0x3d3: {  	[tilespmem:v60+s11+$0x0] =	vst.idx.msk $0xffff, v32;
	v31 =	vld.idx.msk [tilespmem:v61+s10+$0x0], $0xffff;
	v49 =	vmul.f32 v62, v20  }
0x3d4: {  	v32 =	vld.idx.msk [tilespmem:v63+s10+$0x0], $0xffff;
	[tilespmem:v44+s11+$0x0] =	vst.idx.msk $0xffff, v48  }
0x3d5: {  	v50 =	vor.u32 $0x23, v17;
	[tilespmem:v45+s11+$0x0] =	vst.idx.msk $0xffff, v49;
	v51 =	vld.idx.msk [tilespmem:v46+s10+$0x0], $0xffff  }
0x3d6: {  	v52 =	vor.u32 $0x23, v18;
	v53 =	vor.u32 $0x24, v16;
	v54 =	vld.idx.msk [tilespmem:v47+s10+$0x0], $0xffff  }
0x3d7: {  	v56 =	vor.u32 $0x23, v26;
	v55 =	vor.u32 $0x24, v15  }
0x3d8: {  	v58 =	vor.u32 $0x24, v24;
	v57 =	vor.u32 $0x23, v19;
	v31 =	vmul.f32 v31, v14  }
0x3d9: {  	v32 =	vmul.f32 v32, v13;
	v59 =	vor.u32 $0x24, v22  }
0x3da: {  	[tilespmem:v50+s11+$0x0] =	vst.idx.msk $0xffff, v31;
	v60 =	vmul.f32 v51, v21  }
0x3db: {  	[tilespmem:v52+s11+$0x0] =	vst.idx.msk $0xffff, v32;
	v31 =	vld.idx.msk [tilespmem:v53+s10+$0x0], $0xffff;
	v61 =	vmul.f32 v54, v20  }
0x3dc: {  	v32 =	vld.idx.msk [tilespmem:v55+s10+$0x0], $0xffff;
	[tilespmem:v56+s11+$0x0] =	vst.idx.msk $0xffff, v60  }
0x3dd: {  	v62 =	vor.u32 $0x24, v17;
	[tilespmem:v57+s11+$0x0] =	vst.idx.msk $0xffff, v61;
	v63 =	vld.idx.msk [tilespmem:v58+s10+$0x0], $0xffff  }
0x3de: {  	v44 =	vor.u32 $0x24, v18;
	v45 =	vor.u32 $0x25, v16;
	v46 =	vld.idx.msk [tilespmem:v59+s10+$0x0], $0xffff  }
0x3df: {  	v48 =	vor.u32 $0x24, v26;
	v47 =	vor.u32 $0x25, v15  }
0x3e0: {  	v50 =	vor.u32 $0x25, v24;
	v49 =	vor.u32 $0x24, v19;
	v31 =	vmul.f32 v31, v14  }
0x3e1: {  	v32 =	vmul.f32 v32, v13;
	v51 =	vor.u32 $0x25, v22  }
0x3e2: {  	[tilespmem:v62+s11+$0x0] =	vst.idx.msk $0xffff, v31;
	v52 =	vmul.f32 v63, v21  }
0x3e3: {  	[tilespmem:v44+s11+$0x0] =	vst.idx.msk $0xffff, v32;
	v31 =	vld.idx.msk [tilespmem:v45+s10+$0x0], $0xffff;
	v53 =	vmul.f32 v46, v20  }
0x3e4: {  	v32 =	vld.idx.msk [tilespmem:v47+s10+$0x0], $0xffff;
	[tilespmem:v48+s11+$0x0] =	vst.idx.msk $0xffff, v52  }
0x3e5: {  	v54 =	vor.u32 $0x25, v17;
	[tilespmem:v49+s11+$0x0] =	vst.idx.msk $0xffff, v53;
	v55 =	vld.idx.msk [tilespmem:v50+s10+$0x0], $0xffff  }
0x3e6: {  	v56 =	vor.u32 $0x25, v18;
	v57 =	vor.u32 $0x26, v16;
	v58 =	vld.idx.msk [tilespmem:v51+s10+$0x0], $0xffff  }
0x3e7: {  	v60 =	vor.u32 $0x25, v26;
	v59 =	vor.u32 $0x26, v15  }
0x3e8: {  	v62 =	vor.u32 $0x26, v24;
	v61 =	vor.u32 $0x25, v19;
	v31 =	vmul.f32 v31, v14  }
0x3e9: {  	v32 =	vmul.f32 v32, v13;
	v63 =	vor.u32 $0x26, v22  }
0x3ea: {  	[tilespmem:v54+s11+$0x0] =	vst.idx.msk $0xffff, v31;
	v43 =	vmul.f32 v55, v21  }
0x3eb: {  	[tilespmem:v56+s11+$0x0] =	vst.idx.msk $0xffff, v32;
	v31 =	vld.idx.msk [tilespmem:v57+s10+$0x0], $0xffff;
	v44 =	vmul.f32 v58, v20  }
0x3ec: {  	v32 =	vld.idx.msk [tilespmem:v59+s10+$0x0], $0xffff;
	[tilespmem:v60+s11+$0x0] =	vst.idx.msk $0xffff, v43  }
0x3ed: {  	v45 =	vor.u32 $0x26, v17;
	[tilespmem:v61+s11+$0x0] =	vst.idx.msk $0xffff, v44;
	v46 =	vld.idx.msk [tilespmem:v62+s10+$0x0], $0xffff  }
0x3ee: {  	v47 =	vor.u32 $0x26, v18;
	v48 =	vor.u32 $0x27, v16;
	v49 =	vld.idx.msk [tilespmem:v63+s10+$0x0], $0xffff  }
0x3ef: {  	v50 =	vor.u32 $0x27, v15;
	v51 =	vor.u32 $0x26, v26  }
0x3f0: {  	v52 =	vor.u32 $0x26, v19;
	v53 =	vor.u32 $0x27, v24;
	v31 =	vmul.f32 v31, v14  }
0x3f1: {  	v54 =	vor.u32 $0x27, v22;
	v32 =	vmul.f32 v32, v13  }
0x3f2: {  	[tilespmem:v45+s11+$0x0] =	vst.idx.msk $0xffff, v31;
	v55 =	vmul.f32 v46, v21  }
0x3f3: {  	[tilespmem:v47+s11+$0x0] =	vst.idx.msk $0xffff, v32;
	v31 =	vld.idx.msk [tilespmem:v48+s10+$0x0], $0xffff;
	v56 =	vmul.f32 v49, v20  }
0x3f4: {  	v32 =	vld.idx.msk [tilespmem:v50+s10+$0x0], $0xffff;
	[tilespmem:v51+s11+$0x0] =	vst.idx.msk $0xffff, v55  }
0x3f5: {  	v57 =	vor.u32 $0x27, v17;
	[tilespmem:v52+s11+$0x0] =	vst.idx.msk $0xffff, v56;
	v58 =	vld.idx.msk [tilespmem:v53+s10+$0x0], $0xffff  }
0x3f6: {  	v59 =	vor.u32 $0x27, v18;
	v60 =	vor.u32 $0x28, v16;
	v61 =	vld.idx.msk [tilespmem:v54+s10+$0x0], $0xffff  }
0x3f7: {  	v62 =	vor.u32 $0x28, v15;
	v63 =	vor.u32 $0x27, v26  }
0x3f8: {  	v45 =	vor.u32 $0x28, v24;
	v44 =	vor.u32 $0x27, v19;
	v31 =	vmul.f32 v31, v14  }
0x3f9: {  	v32 =	vmul.f32 v32, v13;
	v46 =	vor.u32 $0x28, v22  }
0x3fa: {  	[tilespmem:v57+s11+$0x0] =	vst.idx.msk $0xffff, v31;
	v47 =	vmul.f32 v58, v21  }
0x3fb: {  	[tilespmem:v59+s11+$0x0] =	vst.idx.msk $0xffff, v32;
	v31 =	vld.idx.msk [tilespmem:v60+s10+$0x0], $0xffff;
	v48 =	vmul.f32 v61, v20  }
0x3fc: {  	v32 =	vld.idx.msk [tilespmem:v62+s10+$0x0], $0xffff;
	[tilespmem:v63+s11+$0x0] =	vst.idx.msk $0xffff, v47  }
0x3fd: {  	v49 =	vor.u32 $0x28, v17;
	[tilespmem:v44+s11+$0x0] =	vst.idx.msk $0xffff, v48;
	v50 =	vld.idx.msk [tilespmem:v45+s10+$0x0], $0xffff  }
0x3fe: {  	v51 =	vor.u32 $0x28, v18;
	v52 =	vor.u32 $0x29, v16;
	v53 =	vld.idx.msk [tilespmem:v46+s10+$0x0], $0xffff  }
0x3ff: {  	v55 =	vor.u32 $0x28, v26;
	v54 =	vor.u32 $0x29, v15  }
0x400: {  	v57 =	vor.u32 $0x29, v24;
	v56 =	vor.u32 $0x28, v19;
	v31 =	vmul.f32 v31, v14  }
0x401: {  	v32 =	vmul.f32 v32, v13;
	v58 =	vor.u32 $0x29, v22  }
0x402: {  	[tilespmem:v49+s11+$0x0] =	vst.idx.msk $0xffff, v31;
	v59 =	vmul.f32 v50, v21  }
0x403: {  	v60 =	vor.u32 $0x29, v12;
	[tilespmem:v51+s11+$0x0] =	vst.idx.msk $0xffff, v32;
	v61 =	vld.idx.msk [tilespmem:v52+s10+$0x0], $0xffff;
	v62 =	vmul.f32 v53, v20  }
0x404: {  	v63 =	vor.u32 $0x29, v10;
	v44 =	vor.u32 $0x2A, v11;
	v45 =	vld.idx.msk [tilespmem:v54+s10+$0x0], $0xffff;
	[tilespmem:v55+s11+$0x0] =	vst.idx.msk $0xffff, v59  }
0x405: {  	v47 =	vor.u32 $0x29, v17;
	v46 =	vor.u32 $0x2A, v9;
	[tilespmem:v56+s11+$0x0] =	vst.idx.msk $0xffff, v62;
	v37 =	vld.idx.msk [tilespmem:v57+s10+$0x0], $0xffff  }
0x406: {  	v49 =	vor.u32 $0x29, v18;
	v48 =	vmul.f32 v29, v8;
	v50 =	vor.u32 $0x2A, v16;
	v51 =	vld.idx.msk [tilespmem:v58+s10+$0x0], $0xffff  }
0x407: {  	v30 =	vmul.f32 v30, v7;
	v52 =	vor.u32 $0x2A, v15;
	v53 =	vor.u32 $0x29, v26  }
0x408: {  	[tilespmem:v60+s11+$0x0] =	vst.idx.msk $0xffff, v48;
	v54 =	vmul.f32 v61, v14;
	v55 =	vor.u32 $0x29, v19;
	v56 =	vor.u32 $0x2A, v24  }
0x409: {  	v34 =	vld.idx.msk [tilespmem:v44+s10+$0x0], $0xffff;
	[tilespmem:v63+s11+$0x0] =	vst.idx.msk $0xffff, v30;
	v57 =	vmul.f32 v45, v13;
	v58 =	vor.u32 $0x2A, v22  }
0x40a: {  	v23 =	vld.idx.msk [tilespmem:v46+s10+$0x0], $0xffff;
	[tilespmem:v47+s11+$0x0] =	vst.idx.msk $0xffff, v54;
	v59 =	vmul.f32 v37, v21  }
0x40b: {  	v60 =	vor.u32 $0x2A, v12;
	v36 =	vld.idx.msk [tilespmem:v50+s10+$0x0], $0xffff;
	[tilespmem:v49+s11+$0x0] =	vst.idx.msk $0xffff, v57;
	v61 =	vmul.f32 v51, v20  }
0x40c: {  	v63 =	vor.u32 $0x2B, v11;
	v62 =	vor.u32 $0x2A, v10;
	v44 =	vld.idx.msk [tilespmem:v52+s10+$0x0], $0xffff;
	[tilespmem:v53+s11+$0x0] =	vst.idx.msk $0xffff, v59  }
0x40d: {  	v46 =	vor.u32 $0x2A, v17;
	v45 =	vor.u32 $0x2B, v9;
	[tilespmem:v55+s11+$0x0] =	vst.idx.msk $0xffff, v61;
	v33 =	vld.idx.msk [tilespmem:v56+s10+$0x0], $0xffff  }
0x40e: {  	v48 =	vor.u32 $0x2A, v18;
	v47 =	vmul.f32 v34, v8;
	v49 =	vor.u32 $0x2B, v16;
	v32 =	vld.idx.msk [tilespmem:v58+s10+$0x0], $0xffff  }
0x40f: {  	v23 =	vmul.f32 v23, v7;
	v50 =	vor.u32 $0x2B, v15;
	v51 =	vor.u32 $0x2A, v26  }
0x410: {  	v54 =	vor.u32 $0x2B, v24;
	[tilespmem:v60+s11+$0x0] =	vst.idx.msk $0xffff, v47;
	v52 =	vmul.f32 v36, v14;
	v53 =	vor.u32 $0x2A, v19  }
0x411: {  	[tilespmem:v62+s11+$0x0] =	vst.idx.msk $0xffff, v23;
	v37 =	vld.idx.msk [tilespmem:v63+s10+$0x0], $0xffff;
	v55 =	vmul.f32 v44, v13;
	v56 =	vor.u32 $0x2B, v22  }
0x412: {  	v25 =	vld.idx.msk [tilespmem:v45+s10+$0x0], $0xffff;
	[tilespmem:v46+s11+$0x0] =	vst.idx.msk $0xffff, v52;
	v57 =	vmul.f32 v33, v21  }
0x413: {  	v58 =	vor.u32 $0x2B, v12;
	v34 =	vld.idx.msk [tilespmem:v49+s10+$0x0], $0xffff;
	[tilespmem:v48+s11+$0x0] =	vst.idx.msk $0xffff, v55;
	v59 =	vmul.f32 v32, v20  }
0x414: {  	v60 =	vor.u32 $0x2B, v10;
	v61 =	vor.u32 $0x2C, v11;
	v62 =	vld.idx.msk [tilespmem:v50+s10+$0x0], $0xffff;
	[tilespmem:v51+s11+$0x0] =	vst.idx.msk $0xffff, v57  }
0x415: {  	v63 =	vor.u32 $0x2C, v9;
	v44 =	vor.u32 $0x2B, v17;
	[tilespmem:v53+s11+$0x0] =	vst.idx.msk $0xffff, v59;
	v36 =	vld.idx.msk [tilespmem:v54+s10+$0x0], $0xffff  }
0x416: {  	v47 =	vor.u32 $0x2C, v16;
	v46 =	vor.u32 $0x2B, v18;
	v45 =	vmul.f32 v37, v8;
	v30 =	vld.idx.msk [tilespmem:v56+s10+$0x0], $0xffff  }
0x417: {  	v25 =	vmul.f32 v25, v7;
	v48 =	vor.u32 $0x2C, v15;
	v49 =	vor.u32 $0x2B, v26  }
0x418: {  	v52 =	vor.u32 $0x2C, v24;
	[tilespmem:v58+s11+$0x0] =	vst.idx.msk $0xffff, v45;
	v50 =	vmul.f32 v34, v14;
	v51 =	vor.u32 $0x2B, v19  }
0x419: {  	[tilespmem:v60+s11+$0x0] =	vst.idx.msk $0xffff, v25;
	v32 =	vld.idx.msk [tilespmem:v61+s10+$0x0], $0xffff;
	v53 =	vmul.f32 v62, v13;
	v54 =	vor.u32 $0x2C, v22  }
0x41a: {  	v29 =	vld.idx.msk [tilespmem:v63+s10+$0x0], $0xffff;
	[tilespmem:v44+s11+$0x0] =	vst.idx.msk $0xffff, v50;
	v55 =	vmul.f32 v36, v21  }
0x41b: {  	v56 =	vor.u32 $0x2C, v12;
	v37 =	vld.idx.msk [tilespmem:v47+s10+$0x0], $0xffff;
	[tilespmem:v46+s11+$0x0] =	vst.idx.msk $0xffff, v53;
	v57 =	vmul.f32 v30, v20  }
0x41c: {  	v58 =	vor.u32 $0x2C, v10;
	v59 =	vor.u32 $0x2D, v11;
	v60 =	vld.idx.msk [tilespmem:v48+s10+$0x0], $0xffff;
	[tilespmem:v49+s11+$0x0] =	vst.idx.msk $0xffff, v55  }
0x41d: {  	v61 =	vor.u32 $0x2D, v9;
	v62 =	vor.u32 $0x2C, v17;
	[tilespmem:v51+s11+$0x0] =	vst.idx.msk $0xffff, v57;
	v34 =	vld.idx.msk [tilespmem:v52+s10+$0x0], $0xffff  }
0x41e: {  	v45 =	vor.u32 $0x2D, v16;
	v44 =	vor.u32 $0x2C, v18;
	v63 =	vmul.f32 v32, v8;
	v31 =	vld.idx.msk [tilespmem:v54+s10+$0x0], $0xffff  }
0x41f: {  	v29 =	vmul.f32 v29, v7;
	v46 =	vor.u32 $0x2D, v15;
	v47 =	vor.u32 $0x2C, v26  }
0x420: {  	v50 =	vor.u32 $0x2D, v24;
	[tilespmem:v56+s11+$0x0] =	vst.idx.msk $0xffff, v63;
	v48 =	vmul.f32 v37, v14;
	v49 =	vor.u32 $0x2C, v19  }
0x421: {  	[tilespmem:v58+s11+$0x0] =	vst.idx.msk $0xffff, v29;
	v35 =	vld.idx.msk [tilespmem:v59+s10+$0x0], $0xffff;
	v51 =	vmul.f32 v60, v13;
	v52 =	vor.u32 $0x2D, v22  }
0x422: {  	v23 =	vld.idx.msk [tilespmem:v61+s10+$0x0], $0xffff;
	[tilespmem:v62+s11+$0x0] =	vst.idx.msk $0xffff, v48;
	v53 =	vmul.f32 v34, v21  }
0x423: {  	v54 =	vor.u32 $0x2D, v12;
	v33 =	vld.idx.msk [tilespmem:v45+s10+$0x0], $0xffff;
	[tilespmem:v44+s11+$0x0] =	vst.idx.msk $0xffff, v51;
	v55 =	vmul.f32 v31, v20  }
0x424: {  	v56 =	vor.u32 $0x2D, v10;
	v57 =	vor.u32 $0x2E, v11;
	v58 =	vld.idx.msk [tilespmem:v46+s10+$0x0], $0xffff;
	[tilespmem:v47+s11+$0x0] =	vst.idx.msk $0xffff, v53  }
0x425: {  	v59 =	vor.u32 $0x2E, v9;
	v60 =	vor.u32 $0x2D, v17;
	[tilespmem:v49+s11+$0x0] =	vst.idx.msk $0xffff, v55;
	v37 =	vld.idx.msk [tilespmem:v50+s10+$0x0], $0xffff  }
0x426: {  	v63 =	vor.u32 $0x2E, v16;
	v62 =	vor.u32 $0x2D, v18;
	v61 =	vmul.f32 v35, v8;
	v30 =	vld.idx.msk [tilespmem:v52+s10+$0x0], $0xffff  }
0x427: {  	v23 =	vmul.f32 v23, v7;
	v44 =	vor.u32 $0x2E, v15;
	v45 =	vor.u32 $0x2D, v26  }
0x428: {  	v48 =	vor.u32 $0x2E, v24;
	[tilespmem:v54+s11+$0x0] =	vst.idx.msk $0xffff, v61;
	v46 =	vmul.f32 v33, v14;
	v47 =	vor.u32 $0x2D, v19  }
0x429: {  	[tilespmem:v56+s11+$0x0] =	vst.idx.msk $0xffff, v23;
	v32 =	vld.idx.msk [tilespmem:v57+s10+$0x0], $0xffff;
	v49 =	vmul.f32 v58, v13;
	v50 =	vor.u32 $0x2E, v22  }
0x42a: {  	v25 =	vld.idx.msk [tilespmem:v59+s10+$0x0], $0xffff;
	[tilespmem:v60+s11+$0x0] =	vst.idx.msk $0xffff, v46;
	v51 =	vmul.f32 v37, v21  }
0x42b: {  	v52 =	vor.u32 $0x2E, v12;
	v36 =	vld.idx.msk [tilespmem:v63+s10+$0x0], $0xffff;
	[tilespmem:v62+s11+$0x0] =	vst.idx.msk $0xffff, v49;
	v53 =	vmul.f32 v30, v20  }
0x42c: {  	v54 =	vor.u32 $0x2E, v10;
	v55 =	vor.u32 $0x2F, v11;
	v56 =	vld.idx.msk [tilespmem:v44+s10+$0x0], $0xffff;
	[tilespmem:v45+s11+$0x0] =	vst.idx.msk $0xffff, v51  }
0x42d: {  	v57 =	vor.u32 $0x2F, v9;
	v58 =	vor.u32 $0x2E, v17;
	[tilespmem:v47+s11+$0x0] =	vst.idx.msk $0xffff, v53;
	v34 =	vld.idx.msk [tilespmem:v48+s10+$0x0], $0xffff  }
0x42e: {  	v61 =	vor.u32 $0x2F, v16;
	v60 =	vor.u32 $0x2E, v18;
	v59 =	vmul.f32 v32, v8;
	v31 =	vld.idx.msk [tilespmem:v50+s10+$0x0], $0xffff  }
0x42f: {  	v25 =	vmul.f32 v25, v7;
	v62 =	vor.u32 $0x2F, v15;
	v63 =	vor.u32 $0x2E, v26  }
0x430: {  	v44 =	vor.u32 $0x2E, v19;
	[tilespmem:v52+s11+$0x0] =	vst.idx.msk $0xffff, v59;
	v43 =	vmul.f32 v36, v14;
	v45 =	vor.u32 $0x2F, v24  }
0x431: {  	[tilespmem:v54+s11+$0x0] =	vst.idx.msk $0xffff, v25;
	v35 =	vld.idx.msk [tilespmem:v55+s10+$0x0], $0xffff;
	v47 =	vor.u32 $0x2F, v22;
	v46 =	vmul.f32 v56, v13  }
0x432: {  	v29 =	vld.idx.msk [tilespmem:v57+s10+$0x0], $0xffff;
	[tilespmem:v58+s11+$0x0] =	vst.idx.msk $0xffff, v43;
	v48 =	vmul.f32 v34, v21  }
0x433: {  	v49 =	vor.u32 $0x2F, v12;
	v33 =	vld.idx.msk [tilespmem:v61+s10+$0x0], $0xffff;
	[tilespmem:v60+s11+$0x0] =	vst.idx.msk $0xffff, v46;
	v50 =	vmul.f32 v31, v20  }
0x434: {  	v52 =	vor.u32 $0x30, v11;
	v51 =	vor.u32 $0x2F, v10;
	v53 =	vld.idx.msk [tilespmem:v62+s10+$0x0], $0xffff;
	[tilespmem:v63+s11+$0x0] =	vst.idx.msk $0xffff, v48  }
0x435: {  	v54 =	vor.u32 $0x30, v9;
	v55 =	vor.u32 $0x2F, v17;
	[tilespmem:v44+s11+$0x0] =	vst.idx.msk $0xffff, v50;
	v37 =	vld.idx.msk [tilespmem:v45+s10+$0x0], $0xffff  }
0x436: {  	v57 =	vor.u32 $0x2F, v18;
	v58 =	vor.u32 $0x30, v16;
	v56 =	vmul.f32 v35, v8;
	v30 =	vld.idx.msk [tilespmem:v47+s10+$0x0], $0xffff  }
0x437: {  	v59 =	vor.u32 $0x30, v15;
	v29 =	vmul.f32 v29, v7;
	v60 =	vor.u32 $0x2F, v26  }
0x438: {  	v62 =	vor.u32 $0x2F, v19;
	[tilespmem:v49+s11+$0x0] =	vst.idx.msk $0xffff, v56;
	v61 =	vmul.f32 v33, v14;
	v63 =	vor.u32 $0x30, v24  }
0x439: {  	v43 =	vor.u32 $0x30, v22;
	[tilespmem:v51+s11+$0x0] =	vst.idx.msk $0xffff, v29;
	v32 =	vld.idx.msk [tilespmem:v52+s10+$0x0], $0xffff;
	v42 =	vmul.f32 v53, v13  }
0x43a: {  	v23 =	vld.idx.msk [tilespmem:v54+s10+$0x0], $0xffff;
	[tilespmem:v55+s11+$0x0] =	vst.idx.msk $0xffff, v61;
	v44 =	vmul.f32 v37, v21  }
0x43b: {  	v45 =	vor.u32 $0x30, v12;
	v36 =	vld.idx.msk [tilespmem:v58+s10+$0x0], $0xffff;
	[tilespmem:v57+s11+$0x0] =	vst.idx.msk $0xffff, v42;
	v46 =	vmul.f32 v30, v20  }
0x43c: {  	v48 =	vor.u32 $0x30, v10;
	v47 =	vor.u32 $0x31, v11;
	v49 =	vld.idx.msk [tilespmem:v59+s10+$0x0], $0xffff;
	[tilespmem:v60+s11+$0x0] =	vst.idx.msk $0xffff, v44  }
0x43d: {  	v51 =	vor.u32 $0x30, v17;
	v50 =	vor.u32 $0x31, v9;
	[tilespmem:v62+s11+$0x0] =	vst.idx.msk $0xffff, v46;
	v34 =	vld.idx.msk [tilespmem:v63+s10+$0x0], $0xffff  }
0x43e: {  	v54 =	vor.u32 $0x30, v18;
	v53 =	vor.u32 $0x31, v16;
	v52 =	vmul.f32 v32, v8;
	v31 =	vld.idx.msk [tilespmem:v43+s10+$0x0], $0xffff  }
0x43f: {  	v56 =	vor.u32 $0x30, v26;
	v55 =	vor.u32 $0x31, v15;
	v23 =	vmul.f32 v23, v7  }
0x440: {  	v58 =	vor.u32 $0x31, v24;
	v59 =	vor.u32 $0x30, v19;
	[tilespmem:v45+s11+$0x0] =	vst.idx.msk $0xffff, v52;
	v57 =	vmul.f32 v36, v14  }
0x441: {  	v61 =	vor.u32 $0x31, v22;
	[tilespmem:v48+s11+$0x0] =	vst.idx.msk $0xffff, v23;
	v30 =	vld.idx.msk [tilespmem:v47+s10+$0x0], $0xffff;
	v60 =	vmul.f32 v49, v13  }
0x442: {  	v25 =	vld.idx.msk [tilespmem:v50+s10+$0x0], $0xffff;
	[tilespmem:v51+s11+$0x0] =	vst.idx.msk $0xffff, v57;
	v62 =	vmul.f32 v34, v21  }
0x443: {  	v63 =	vor.u32 $0x31, v12;
	v32 =	vld.idx.msk [tilespmem:v53+s10+$0x0], $0xffff;
	[tilespmem:v54+s11+$0x0] =	vst.idx.msk $0xffff, v60;
	v43 =	vmul.f32 v31, v20  }
0x444: {  	v45 =	vor.u32 $0x31, v10;
	v44 =	vor.u32 $0x32, v11;
	v46 =	vld.idx.msk [tilespmem:v55+s10+$0x0], $0xffff;
	[tilespmem:v56+s11+$0x0] =	vst.idx.msk $0xffff, v62  }
0x445: {  	v48 =	vor.u32 $0x31, v17;
	v47 =	vor.u32 $0x32, v9;
	[tilespmem:v59+s11+$0x0] =	vst.idx.msk $0xffff, v43;
	v36 =	vld.idx.msk [tilespmem:v58+s10+$0x0], $0xffff  }
0x446: {  	v50 =	vor.u32 $0x32, v16;
	v51 =	vor.u32 $0x31, v18;
	v49 =	vmul.f32 v30, v8;
	v35 =	vld.idx.msk [tilespmem:v61+s10+$0x0], $0xffff  }
0x447: {  	v52 =	vor.u32 $0x32, v15;
	v25 =	vmul.f32 v25, v7;
	v53 =	vor.u32 $0x31, v26  }
0x448: {  	v55 =	vor.u32 $0x32, v24;
	[tilespmem:v63+s11+$0x0] =	vst.idx.msk $0xffff, v49;
	v54 =	vmul.f32 v32, v14;
	v56 =	vor.u32 $0x31, v19  }
0x449: {  	[tilespmem:v45+s11+$0x0] =	vst.idx.msk $0xffff, v25;
	v31 =	vld.idx.msk [tilespmem:v44+s10+$0x0], $0xffff;
	v57 =	vmul.f32 v46, v13;
	v58 =	vor.u32 $0x32, v22  }
0x44a: {  	v29 =	vld.idx.msk [tilespmem:v47+s10+$0x0], $0xffff;
	[tilespmem:v48+s11+$0x0] =	vst.idx.msk $0xffff, v54;
	v59 =	vmul.f32 v36, v21  }
0x44b: {  	v60 =	vor.u32 $0x32, v12;
	v30 =	vld.idx.msk [tilespmem:v50+s10+$0x0], $0xffff;
	[tilespmem:v51+s11+$0x0] =	vst.idx.msk $0xffff, v57;
	v61 =	vmul.f32 v35, v20  }
0x44c: {  	v63 =	vor.u32 $0x32, v10;
	v62 =	vor.u32 $0x33, v11;
	v44 =	vld.idx.msk [tilespmem:v52+s10+$0x0], $0xffff;
	[tilespmem:v53+s11+$0x0] =	vst.idx.msk $0xffff, v59  }
0x44d: {  	v45 =	vor.u32 $0x33, v9;
	v46 =	vor.u32 $0x32, v17;
	[tilespmem:v56+s11+$0x0] =	vst.idx.msk $0xffff, v61;
	v32 =	vld.idx.msk [tilespmem:v55+s10+$0x0], $0xffff  }
0x44e: {  	v49 =	vor.u32 $0x32, v18;
	v48 =	vor.u32 $0x33, v16;
	v47 =	vmul.f32 v31, v8;
	v33 =	vld.idx.msk [tilespmem:v58+s10+$0x0], $0xffff  }
0x44f: {  	v29 =	vmul.f32 v29, v7;
	v50 =	vor.u32 $0x33, v15;
	v51 =	vor.u32 $0x32, v26  }
0x450: {  	v54 =	vor.u32 $0x32, v19;
	[tilespmem:v60+s11+$0x0] =	vst.idx.msk $0xffff, v47;
	v52 =	vmul.f32 v30, v14;
	v53 =	vor.u32 $0x33, v24  }
0x451: {  	[tilespmem:v63+s11+$0x0] =	vst.idx.msk $0xffff, v29;
	v35 =	vld.idx.msk [tilespmem:v62+s10+$0x0], $0xffff;
	v56 =	vor.u32 $0x33, v22;
	v55 =	vmul.f32 v44, v13  }
0x452: {  	v23 =	vld.idx.msk [tilespmem:v45+s10+$0x0], $0xffff;
	[tilespmem:v46+s11+$0x0] =	vst.idx.msk $0xffff, v52;
	v57 =	vmul.f32 v32, v21  }
0x453: {  	v58 =	vor.u32 $0x33, v12;
	v31 =	vld.idx.msk [tilespmem:v48+s10+$0x0], $0xffff;
	[tilespmem:v49+s11+$0x0] =	vst.idx.msk $0xffff, v55;
	v59 =	vmul.f32 v33, v20  }
0x454: {  	v60 =	vor.u32 $0x34, v11;
	v61 =	vor.u32 $0x33, v10;
	v62 =	vld.idx.msk [tilespmem:v50+s10+$0x0], $0xffff;
	[tilespmem:v51+s11+$0x0] =	vst.idx.msk $0xffff, v57  }
0x455: {  	v63 =	vor.u32 $0x34, v9;
	v44 =	vor.u32 $0x33, v17;
	[tilespmem:v54+s11+$0x0] =	vst.idx.msk $0xffff, v59;
	v30 =	vld.idx.msk [tilespmem:v53+s10+$0x0], $0xffff  }
0x456: {  	v47 =	vor.u32 $0x33, v18;
	v46 =	vor.u32 $0x34, v16;
	v45 =	vmul.f32 v35, v8;
	v37 =	vld.idx.msk [tilespmem:v56+s10+$0x0], $0xffff  }
0x457: {  	v23 =	vmul.f32 v23, v7;
	v48 =	vor.u32 $0x34, v15;
	v49 =	vor.u32 $0x33, v26  }
0x458: {  	v52 =	vor.u32 $0x33, v19;
	[tilespmem:v58+s11+$0x0] =	vst.idx.msk $0xffff, v45;
	v50 =	vmul.f32 v31, v14;
	v51 =	vor.u32 $0x34, v24  }
0x459: {  	[tilespmem:v61+s11+$0x0] =	vst.idx.msk $0xffff, v23;
	v33 =	vld.idx.msk [tilespmem:v60+s10+$0x0], $0xffff;
	v54 =	vor.u32 $0x34, v22;
	v53 =	vmul.f32 v62, v13  }
0x45a: {  	v25 =	vld.idx.msk [tilespmem:v63+s10+$0x0], $0xffff;
	[tilespmem:v44+s11+$0x0] =	vst.idx.msk $0xffff, v50;
	v55 =	vmul.f32 v30, v21  }
0x45b: {  	v56 =	vor.u32 $0x34, v12;
	v35 =	vld.idx.msk [tilespmem:v46+s10+$0x0], $0xffff;
	[tilespmem:v47+s11+$0x0] =	vst.idx.msk $0xffff, v53;
	v57 =	vmul.f32 v37, v20  }
0x45c: {  	v58 =	vor.u32 $0x35, v11;
	v59 =	vor.u32 $0x34, v10;
	v60 =	vld.idx.msk [tilespmem:v48+s10+$0x0], $0xffff;
	[tilespmem:v49+s11+$0x0] =	vst.idx.msk $0xffff, v55  }
0x45d: {  	v61 =	vor.u32 $0x35, v9;
	v62 =	vor.u32 $0x34, v17;
	[tilespmem:v52+s11+$0x0] =	vst.idx.msk $0xffff, v57;
	v31 =	vld.idx.msk [tilespmem:v51+s10+$0x0], $0xffff  }
0x45e: {  	v45 =	vor.u32 $0x34, v18;
	v44 =	vor.u32 $0x35, v16;
	v63 =	vmul.f32 v33, v8;
	v34 =	vld.idx.msk [tilespmem:v54+s10+$0x0], $0xffff  }
0x45f: {  	v25 =	vmul.f32 v25, v7;
	v46 =	vor.u32 $0x35, v15;
	v47 =	vor.u32 $0x34, v26  }
0x460: {  	v50 =	vor.u32 $0x34, v19;
	[tilespmem:v56+s11+$0x0] =	vst.idx.msk $0xffff, v63;
	v48 =	vmul.f32 v35, v14;
	v49 =	vor.u32 $0x35, v24  }
0x461: {  	[tilespmem:v59+s11+$0x0] =	vst.idx.msk $0xffff, v25;
	v36 =	vld.idx.msk [tilespmem:v58+s10+$0x0], $0xffff;
	v52 =	vor.u32 $0x35, v22;
	v51 =	vmul.f32 v60, v13  }
0x462: {  	v29 =	vld.idx.msk [tilespmem:v61+s10+$0x0], $0xffff;
	[tilespmem:v62+s11+$0x0] =	vst.idx.msk $0xffff, v48;
	v53 =	vmul.f32 v31, v21  }
0x463: {  	v54 =	vor.u32 $0x35, v12;
	v32 =	vld.idx.msk [tilespmem:v44+s10+$0x0], $0xffff;
	[tilespmem:v45+s11+$0x0] =	vst.idx.msk $0xffff, v51;
	v55 =	vmul.f32 v34, v20  }
0x464: {  	v56 =	vor.u32 $0x36, v11;
	v57 =	vor.u32 $0x35, v10;
	v58 =	vld.idx.msk [tilespmem:v46+s10+$0x0], $0xffff;
	[tilespmem:v47+s11+$0x0] =	vst.idx.msk $0xffff, v53  }
0x465: {  	v59 =	vor.u32 $0x36, v9;
	v60 =	vor.u32 $0x35, v17;
	[tilespmem:v50+s11+$0x0] =	vst.idx.msk $0xffff, v55;
	v30 =	vld.idx.msk [tilespmem:v49+s10+$0x0], $0xffff  }
0x466: {  	v63 =	vor.u32 $0x35, v18;
	v62 =	vor.u32 $0x36, v16;
	v61 =	vmul.f32 v36, v8;
	v37 =	vld.idx.msk [tilespmem:v52+s10+$0x0], $0xffff  }
0x467: {  	v29 =	vmul.f32 v29, v7;
	v44 =	vor.u32 $0x36, v15;
	v45 =	vor.u32 $0x35, v26  }
0x468: {  	v48 =	vor.u32 $0x35, v19;
	[tilespmem:v54+s11+$0x0] =	vst.idx.msk $0xffff, v61;
	v46 =	vmul.f32 v32, v14;
	v47 =	vor.u32 $0x36, v24  }
0x469: {  	[tilespmem:v57+s11+$0x0] =	vst.idx.msk $0xffff, v29;
	v33 =	vld.idx.msk [tilespmem:v56+s10+$0x0], $0xffff;
	v50 =	vor.u32 $0x36, v22;
	v49 =	vmul.f32 v58, v13  }
0x46a: {  	v23 =	vld.idx.msk [tilespmem:v59+s10+$0x0], $0xffff;
	[tilespmem:v60+s11+$0x0] =	vst.idx.msk $0xffff, v46;
	v51 =	vmul.f32 v30, v21  }
0x46b: {  	v52 =	vor.u32 $0x36, v12;
	v35 =	vld.idx.msk [tilespmem:v62+s10+$0x0], $0xffff;
	[tilespmem:v63+s11+$0x0] =	vst.idx.msk $0xffff, v49;
	v53 =	vmul.f32 v37, v20  }
0x46c: {  	v54 =	vor.u32 $0x37, v11;
	v55 =	vor.u32 $0x36, v10;
	v56 =	vld.idx.msk [tilespmem:v44+s10+$0x0], $0xffff;
	[tilespmem:v45+s11+$0x0] =	vst.idx.msk $0xffff, v51  }
0x46d: {  	v57 =	vor.u32 $0x37, v9;
	v58 =	vor.u32 $0x36, v17;
	[tilespmem:v48+s11+$0x0] =	vst.idx.msk $0xffff, v53;
	v31 =	vld.idx.msk [tilespmem:v47+s10+$0x0], $0xffff  }
0x46e: {  	v61 =	vor.u32 $0x36, v18;
	v60 =	vor.u32 $0x37, v16;
	v59 =	vmul.f32 v33, v8;
	v34 =	vld.idx.msk [tilespmem:v50+s10+$0x0], $0xffff  }
0x46f: {  	v23 =	vmul.f32 v23, v7;
	v62 =	vor.u32 $0x37, v15;
	v63 =	vor.u32 $0x36, v26  }
0x470: {  	v46 =	vor.u32 $0x36, v19;
	[tilespmem:v52+s11+$0x0] =	vst.idx.msk $0xffff, v59;
	v44 =	vmul.f32 v35, v14;
	v45 =	vor.u32 $0x37, v24  }
0x471: {  	[tilespmem:v55+s11+$0x0] =	vst.idx.msk $0xffff, v23;
	v36 =	vld.idx.msk [tilespmem:v54+s10+$0x0], $0xffff;
	v48 =	vor.u32 $0x37, v22;
	v47 =	vmul.f32 v56, v13  }
0x472: {  	v25 =	vld.idx.msk [tilespmem:v57+s10+$0x0], $0xffff;
	[tilespmem:v58+s11+$0x0] =	vst.idx.msk $0xffff, v44;
	v49 =	vmul.f32 v31, v21  }
0x473: {  	v50 =	vor.u32 $0x37, v12;
	v32 =	vld.idx.msk [tilespmem:v60+s10+$0x0], $0xffff;
	[tilespmem:v61+s11+$0x0] =	vst.idx.msk $0xffff, v47;
	v51 =	vmul.f32 v34, v20  }
0x474: {  	v52 =	vor.u32 $0x38, v11;
	v53 =	vor.u32 $0x37, v10;
	v54 =	vld.idx.msk [tilespmem:v62+s10+$0x0], $0xffff;
	[tilespmem:v63+s11+$0x0] =	vst.idx.msk $0xffff, v49  }
0x475: {  	v55 =	vor.u32 $0x38, v9;
	v56 =	vor.u32 $0x37, v17;
	[tilespmem:v46+s11+$0x0] =	vst.idx.msk $0xffff, v51;
	v30 =	vld.idx.msk [tilespmem:v45+s10+$0x0], $0xffff  }
0x476: {  	v59 =	vor.u32 $0x37, v18;
	v58 =	vor.u32 $0x38, v16;
	v57 =	vmul.f32 v36, v8;
	v37 =	vld.idx.msk [tilespmem:v48+s10+$0x0], $0xffff  }
0x477: {  	v25 =	vmul.f32 v25, v7;
	v60 =	vor.u32 $0x38, v15;
	v61 =	vor.u32 $0x37, v26  }
0x478: {  	v44 =	vor.u32 $0x37, v19;
	[tilespmem:v50+s11+$0x0] =	vst.idx.msk $0xffff, v57;
	v62 =	vmul.f32 v32, v14;
	v63 =	vor.u32 $0x38, v24  }
0x479: {  	[tilespmem:v53+s11+$0x0] =	vst.idx.msk $0xffff, v25;
	v33 =	vld.idx.msk [tilespmem:v52+s10+$0x0], $0xffff;
	v46 =	vor.u32 $0x38, v22;
	v45 =	vmul.f32 v54, v13  }
0x47a: {  	v47 =	vor.u32 $0x38, v3;
	v29 =	vld.idx.msk [tilespmem:v55+s10+$0x0], $0xffff;
	[tilespmem:v56+s11+$0x0] =	vst.idx.msk $0xffff, v62;
	v48 =	vmul.f32 v30, v21  }
0x47b: {  	v50 =	vor.u32 $0x38, v12;
	v49 =	vor.u32 $0x39, v5;
	v35 =	vld.idx.msk [tilespmem:v58+s10+$0x0], $0xffff;
	[tilespmem:v59+s11+$0x0] =	vst.idx.msk $0xffff, v45;
	v51 =	vmul.f32 v37, v20  }
0x47c: {  	v53 =	vor.u32 $0x38, v10;
	v52 =	vor.u32 $0x39, v11;
	v40 =	vld.idx.msk [tilespmem:v60+s10+$0x0], $0xffff;
	[tilespmem:v61+s11+$0x0] =	vst.idx.msk $0xffff, v48  }
0x47d: {  	v55 =	vor.u32 $0x39, v9;
	v54 =	vmul.f32 v28, v1;
	v56 =	vor.u32 $0x38, v17;
	[tilespmem:v44+s11+$0x0] =	vst.idx.msk $0xffff, v51;
	v31 =	vld.idx.msk [tilespmem:v63+s10+$0x0], $0xffff  }
0x47e: {  	v58 =	vor.u32 $0x39, v16;
	v59 =	vor.u32 $0x38, v18;
	v57 =	vmul.f32 v33, v8;
	v34 =	vld.idx.msk [tilespmem:v46+s10+$0x0], $0xffff  }
0x47f: {  	v62 =	vor.u32 $0x38, v26;
	[tilespmem:v47+s11+$0x0] =	vst.idx.msk $0xffff, v54;
	v60 =	vmul.f32 v29, v7;
	v61 =	vor.u32 $0x39, v15  }
0x480: {  	v45 =	vor.u32 $0x39, v24;
	v30 =	vld.idx.msk [tilespmem:v49+s10+$0x0], $0xffff;
	[tilespmem:v50+s11+$0x0] =	vst.idx.msk $0xffff, v57;
	v63 =	vmul.f32 v35, v14;
	v46 =	vor.u32 $0x38, v19  }
0x481: {  	v47 =	vor.u32 $0x39, v6;
	[tilespmem:v53+s11+$0x0] =	vst.idx.msk $0xffff, v60;
	v49 =	vor.u32 $0x39, v22;
	v36 =	vld.idx.msk [tilespmem:v52+s10+$0x0], $0xffff;
	v48 =	vmul.f32 v40, v13  }
0x482: {  	v50 =	vor.u32 $0x3A, v4;
	v28 =	vld.idx.msk [tilespmem:v55+s10+$0x0], $0xffff;
	v51 =	vor.u32 $0x39, v3;
	[tilespmem:v56+s11+$0x0] =	vst.idx.msk $0xffff, v63;
	v52 =	vmul.f32 v31, v21  }
0x483: {  	v54 =	vor.u32 $0x39, v12;
	v53 =	vor.u32 $0x3A, v5;
	[tilespmem:v59+s11+$0x0] =	vst.idx.msk $0xffff, v48;
	v32 =	vld.idx.msk [tilespmem:v58+s10+$0x0], $0xffff;
	v55 =	vmul.f32 v34, v20  }
0x484: {  	v27 =	vmul.f32 v27, v2;
	v57 =	vor.u32 $0x39, v10;
	v56 =	vor.u32 $0x3A, v11;
	v29 =	vld.idx.msk [tilespmem:v61+s10+$0x0], $0xffff;
	[tilespmem:v62+s11+$0x0] =	vst.idx.msk $0xffff, v52  }
0x485: {  	v60 =	vor.u32 $0x39, v17;
	v59 =	vor.u32 $0x3A, v9;
	v58 =	vmul.f32 v30, v1;
	[tilespmem:v46+s11+$0x0] =	vst.idx.msk $0xffff, v55;
	v35 =	vld.idx.msk [tilespmem:v45+s10+$0x0], $0xffff  }
0x486: {  	[tilespmem:v47+s11+$0x0] =	vst.idx.msk $0xffff, v27;
	v63 =	vor.u32 $0x39, v18;
	v61 =	vmul.f32 v36, v8;
	v62 =	vor.u32 $0x3A, v16;
	v37 =	vld.idx.msk [tilespmem:v49+s10+$0x0], $0xffff  }
0x487: {  	v47 =	vor.u32 $0x3A, v15;
	v48 =	vor.u32 $0x39, v26;
	[tilespmem:v51+s11+$0x0] =	vst.idx.msk $0xffff, v58;
	v46 =	vmul.f32 v28, v7;
	v45 =	vld.idx.msk [tilespmem:v50+s10+$0x0], $0xffff  }
0x488: {  	v51 =	vor.u32 $0x39, v19;
	v31 =	vld.idx.msk [tilespmem:v53+s10+$0x0], $0xffff;
	[tilespmem:v54+s11+$0x0] =	vst.idx.msk $0xffff, v61;
	v49 =	vmul.f32 v32, v14;
	v50 =	vor.u32 $0x3A, v24  }
0x489: {  	v54 =	vor.u32 $0x3A, v22;
	v52 =	vor.u32 $0x3A, v6;
	v33 =	vld.idx.msk [tilespmem:v56+s10+$0x0], $0xffff;
	[tilespmem:v57+s11+$0x0] =	vst.idx.msk $0xffff, v46;
	v53 =	vmul.f32 v29, v13  }
0x48a: {  	v55 =	vor.u32 $0x3B, v4;
	v56 =	vor.u32 $0x3A, v3;
	v30 =	vld.idx.msk [tilespmem:v59+s10+$0x0], $0xffff;
	[tilespmem:v60+s11+$0x0] =	vst.idx.msk $0xffff, v49;
	v57 =	vmul.f32 v35, v21  }
0x48b: {  	v58 =	vor.u32 $0x3B, v5;
	v59 =	vor.u32 $0x3A, v12;
	[tilespmem:v63+s11+$0x0] =	vst.idx.msk $0xffff, v53;
	v27 =	vld.idx.msk [tilespmem:v62+s10+$0x0], $0xffff;
	v60 =	vmul.f32 v37, v20  }
0x48c: {  	v63 =	vor.u32 $0x3A, v10;
	v62 =	vor.u32 $0x3B, v11;
	v28 =	vld.idx.msk [tilespmem:v47+s10+$0x0], $0xffff;
	v61 =	vmul.f32 v45, v2;
	[tilespmem:v48+s11+$0x0] =	vst.idx.msk $0xffff, v57  }
0x48d: {  	v46 =	vor.u32 $0x3A, v17;
	v44 =	vmul.f32 v31, v1;
	v45 =	vor.u32 $0x3B, v9;
	[tilespmem:v51+s11+$0x0] =	vst.idx.msk $0xffff, v60;
	v32 =	vld.idx.msk [tilespmem:v50+s10+$0x0], $0xffff  }
0x48e: {  	v49 =	vor.u32 $0x3A, v18;
	v47 =	vmul.f32 v33, v8;
	[tilespmem:v52+s11+$0x0] =	vst.idx.msk $0xffff, v61;
	v48 =	vor.u32 $0x3B, v16;
	v29 =	vld.idx.msk [tilespmem:v54+s10+$0x0], $0xffff  }
0x48f: {  	[tilespmem:v56+s11+$0x0] =	vst.idx.msk $0xffff, v44;
	v51 =	vor.u32 $0x3B, v15;
	v52 =	vor.u32 $0x3A, v26;
	v34 =	vld.idx.msk [tilespmem:v55+s10+$0x0], $0xffff;
	v50 =	vmul.f32 v30, v7  }
0x490: {  	v35 =	vld.idx.msk [tilespmem:v58+s10+$0x0], $0xffff;
	[tilespmem:v59+s11+$0x0] =	vst.idx.msk $0xffff, v47;
	v54 =	vor.u32 $0x3B, v24;
	v55 =	vor.u32 $0x3A, v19;
	v53 =	vmul.f32 v27, v14  }
0x491: {  	v56 =	vor.u32 $0x3B, v6;
	v58 =	vor.u32 $0x3B, v22;
	v37 =	vld.idx.msk [tilespmem:v62+s10+$0x0], $0xffff;
	v57 =	vmul.f32 v28, v13;
	[tilespmem:v63+s11+$0x0] =	vst.idx.msk $0xffff, v50  }
0x492: {  	v59 =	vor.u32 $0x3C, v4;
	v60 =	vor.u32 $0x3B, v3;
	v31 =	vld.idx.msk [tilespmem:v45+s10+$0x0], $0xffff;
	[tilespmem:v46+s11+$0x0] =	vst.idx.msk $0xffff, v53;
	v61 =	vmul.f32 v32, v21  }
0x493: {  	v62 =	vor.u32 $0x3C, v5;
	v63 =	vor.u32 $0x3B, v12;
	[tilespmem:v49+s11+$0x0] =	vst.idx.msk $0xffff, v57;
	v33 =	vld.idx.msk [tilespmem:v48+s10+$0x0], $0xffff;
	v44 =	vmul.f32 v29, v20  }
0x494: {  	v47 =	vor.u32 $0x3B, v10;
	v46 =	vor.u32 $0x3C, v11;
	v30 =	vld.idx.msk [tilespmem:v51+s10+$0x0], $0xffff;
	v45 =	vmul.f32 v34, v2;
	[tilespmem:v52+s11+$0x0] =	vst.idx.msk $0xffff, v61  }
0x495: {  	v50 =	vor.u32 $0x3B, v17;
	v49 =	vor.u32 $0x3C, v9;
	v48 =	vmul.f32 v35, v1;
	[tilespmem:v55+s11+$0x0] =	vst.idx.msk $0xffff, v44;
	v27 =	vld.idx.msk [tilespmem:v54+s10+$0x0], $0xffff  }
0x496: {  	v53 =	vor.u32 $0x3B, v18;
	v51 =	vmul.f32 v37, v8;
	[tilespmem:v56+s11+$0x0] =	vst.idx.msk $0xffff, v45;
	v52 =	vor.u32 $0x3C, v16;
	v28 =	vld.idx.msk [tilespmem:v58+s10+$0x0], $0xffff  }
0x497: {  	v57 =	vor.u32 $0x3B, v26;
	[tilespmem:v60+s11+$0x0] =	vst.idx.msk $0xffff, v48;
	v56 =	vor.u32 $0x3C, v15;
	v54 =	vld.idx.msk [tilespmem:v59+s10+$0x0], $0xffff;
	v55 =	vmul.f32 v31, v7  }
0x498: {  	v60 =	vor.u32 $0x3B, v19;
	v32 =	vld.idx.msk [tilespmem:v62+s10+$0x0], $0xffff;
	[tilespmem:v63+s11+$0x0] =	vst.idx.msk $0xffff, v51;
	v59 =	vor.u32 $0x3C, v24;
	v58 =	vmul.f32 v33, v14  }
0x499: {  	v61 =	vor.u32 $0x3C, v6;
	v63 =	vor.u32 $0x3C, v22;
	v34 =	vld.idx.msk [tilespmem:v46+s10+$0x0], $0xffff;
	v62 =	vmul.f32 v30, v13;
	[tilespmem:v47+s11+$0x0] =	vst.idx.msk $0xffff, v55  }
0x49a: {  	v45 =	vor.u32 $0x3D, v4;
	v46 =	vor.u32 $0x3C, v3;
	v35 =	vld.idx.msk [tilespmem:v49+s10+$0x0], $0xffff;
	[tilespmem:v50+s11+$0x0] =	vst.idx.msk $0xffff, v58;
	v47 =	vmul.f32 v27, v21  }
0x49b: {  	v48 =	vor.u32 $0x3D, v5;
	v49 =	vor.u32 $0x3C, v12;
	[tilespmem:v53+s11+$0x0] =	vst.idx.msk $0xffff, v62;
	v29 =	vld.idx.msk [tilespmem:v52+s10+$0x0], $0xffff;
	v50 =	vmul.f32 v28, v20  }
0x49c: {  	v53 =	vor.u32 $0x3C, v10;
	v52 =	vor.u32 $0x3D, v11;
	v31 =	vld.idx.msk [tilespmem:v56+s10+$0x0], $0xffff;
	v51 =	vmul.f32 v54, v2;
	[tilespmem:v57+s11+$0x0] =	vst.idx.msk $0xffff, v47  }
0x49d: {  	v55 =	vor.u32 $0x3D, v9;
	v56 =	vor.u32 $0x3C, v17;
	v54 =	vmul.f32 v32, v1;
	[tilespmem:v60+s11+$0x0] =	vst.idx.msk $0xffff, v50;
	v33 =	vld.idx.msk [tilespmem:v59+s10+$0x0], $0xffff  }
0x49e: {  	v58 =	vor.u32 $0x3D, v16;
	[tilespmem:v61+s11+$0x0] =	vst.idx.msk $0xffff, v51;
	v57 =	vmul.f32 v34, v8;
	v59 =	vor.u32 $0x3C, v18;
	v30 =	vld.idx.msk [tilespmem:v63+s10+$0x0], $0xffff  }
0x49f: {  	v62 =	vor.u32 $0x3C, v26;
	[tilespmem:v46+s11+$0x0] =	vst.idx.msk $0xffff, v54;
	v61 =	vor.u32 $0x3D, v15;
	v36 =	vld.idx.msk [tilespmem:v45+s10+$0x0], $0xffff;
	v60 =	vmul.f32 v35, v7  }
0x4a0: {  	v46 =	vor.u32 $0x3C, v19;
	v27 =	vld.idx.msk [tilespmem:v48+s10+$0x0], $0xffff;
	v45 =	vor.u32 $0x3D, v24;
	[tilespmem:v49+s11+$0x0] =	vst.idx.msk $0xffff, v57;
	v63 =	vmul.f32 v29, v14  }
0x4a1: {  	v47 =	vor.u32 $0x3D, v6;
	v48 =	vmul.f32 v31, v13;
	v49 =	vor.u32 $0x3D, v22;
	v37 =	vld.idx.msk [tilespmem:v52+s10+$0x0], $0xffff;
	[tilespmem:v53+s11+$0x0] =	vst.idx.msk $0xffff, v60  }
0x4a2: {  	v50 =	vor.u32 $0x3E, v4;
	v51 =	vor.u32 $0x3D, v3;
	v32 =	vld.idx.msk [tilespmem:v55+s10+$0x0], $0xffff;
	[tilespmem:v56+s11+$0x0] =	vst.idx.msk $0xffff, v63;
	v52 =	vmul.f32 v33, v21  }
0x4a3: {  	v54 =	vor.u32 $0x3D, v12;
	v53 =	vor.u32 $0x3E, v5;
	v28 =	vld.idx.msk [tilespmem:v58+s10+$0x0], $0xffff;
	[tilespmem:v59+s11+$0x0] =	vst.idx.msk $0xffff, v48;
	v55 =	vmul.f32 v30, v20  }
0x4a4: {  	v57 =	vor.u32 $0x3E, v11;
	v58 =	vor.u32 $0x3D, v10;
	v56 =	vmul.f32 v36, v2;
	v35 =	vld.idx.msk [tilespmem:v61+s10+$0x0], $0xffff;
	[tilespmem:v62+s11+$0x0] =	vst.idx.msk $0xffff, v52  }
0x4a5: {  	v60 =	vor.u32 $0x3E, v9;
	v59 =	vmul.f32 v27, v1;
	v61 =	vor.u32 $0x3D, v17;
	[tilespmem:v46+s11+$0x0] =	vst.idx.msk $0xffff, v55;
	v29 =	vld.idx.msk [tilespmem:v45+s10+$0x0], $0xffff  }
0x4a6: {  	v63 =	vor.u32 $0x3E, v16;
	[tilespmem:v47+s11+$0x0] =	vst.idx.msk $0xffff, v56;
	v62 =	vmul.f32 v37, v8;
	v45 =	vor.u32 $0x3D, v18;
	v31 =	vld.idx.msk [tilespmem:v49+s10+$0x0], $0xffff  }
0x4a7: {  	v48 =	vor.u32 $0x3D, v26;
	[tilespmem:v51+s11+$0x0] =	vst.idx.msk $0xffff, v59;
	v47 =	vor.u32 $0x3E, v15;
	v38 =	vld.idx.msk [tilespmem:v50+s10+$0x0], $0xffff;
	v46 =	vmul.f32 v32, v7  }
0x4a8: {  	v51 =	vor.u32 $0x3D, v19;
	v33 =	vld.idx.msk [tilespmem:v53+s10+$0x0], $0xffff;
	v50 =	vor.u32 $0x3E, v24;
	[tilespmem:v54+s11+$0x0] =	vst.idx.msk $0xffff, v62;
	v49 =	vmul.f32 v28, v14  }
0x4a9: {  	v52 =	vor.u32 $0x3E, v6;
	v54 =	vor.u32 $0x3E, v22;
	v34 =	vld.idx.msk [tilespmem:v57+s10+$0x0], $0xffff;
	[tilespmem:v58+s11+$0x0] =	vst.idx.msk $0xffff, v46;
	v53 =	vmul.f32 v35, v13  }
0x4aa: {  	v55 =	vor.u32 $0x3F, v4;
	v56 =	vor.u32 $0x3E, v3;
	v27 =	vld.idx.msk [tilespmem:v60+s10+$0x0], $0xffff;
	[tilespmem:v61+s11+$0x0] =	vst.idx.msk $0xffff, v49;
	v57 =	vmul.f32 v29, v21  }
0x4ab: {  	v59 =	vor.u32 $0x3E, v12;
	v58 =	vor.u32 $0x3F, v5;
	v30 =	vld.idx.msk [tilespmem:v63+s10+$0x0], $0xffff;
	[tilespmem:v45+s11+$0x0] =	vst.idx.msk $0xffff, v53;
	v60 =	vmul.f32 v31, v20  }
0x4ac: {  	v62 =	vor.u32 $0x3F, v11;
	v63 =	vor.u32 $0x3E, v10;
	v61 =	vmul.f32 v38, v2;
	v32 =	vld.idx.msk [tilespmem:v47+s10+$0x0], $0xffff;
	[tilespmem:v48+s11+$0x0] =	vst.idx.msk $0xffff, v57  }
0x4ad: {  	v41 =	vor.u32 $0x3E, v17;
	v40 =	vor.u32 $0x3F, v9;
	v38 =	vmul.f32 v33, v1;
	[tilespmem:v51+s11+$0x0] =	vst.idx.msk $0xffff, v60;
	v28 =	vld.idx.msk [tilespmem:v50+s10+$0x0], $0xffff  }
0x4ae: {  	v44 =	vor.u32 $0x3F, v16;
	v45 =	vor.u32 $0x3E, v18;
	[tilespmem:v52+s11+$0x0] =	vst.idx.msk $0xffff, v61;
	v43 =	vmul.f32 v34, v8;
	v46 =	vld.idx.msk [tilespmem:v54+s10+$0x0], $0xffff  }
0x4af: {  	v49 =	vor.u32 $0x3E, v26;
	[tilespmem:v56+s11+$0x0] =	vst.idx.msk $0xffff, v38;
	v48 =	vor.u32 $0x3F, v15;
	v4 =	vld.idx.msk [tilespmem:v55+s10+$0x0], $0xffff;
	v47 =	vmul.f32 v27, v7  }
0x4b0: {  	v24 =	vor.u32 $0x3F, v24;
	v51 =	vor.u32 $0x3E, v19;
	v5 =	vld.idx.msk [tilespmem:v58+s10+$0x0], $0xffff;
	[tilespmem:v59+s11+$0x0] =	vst.idx.msk $0xffff, v43;
	v50 =	vmul.f32 v30, v14  }
0x4b1: {  	v22 =	vor.u32 $0x3F, v22;
	v52 =	vor.u32 $0x3F, v6;
	v11 =	vld.idx.msk [tilespmem:v62+s10+$0x0], $0xffff;
	[tilespmem:v63+s11+$0x0] =	vst.idx.msk $0xffff, v47;
	v53 =	vmul.f32 v32, v13  }
0x4b2: {  	v3 =	vor.u32 $0x3F, v3;
	v9 =	vld.idx.msk [tilespmem:v40+s10+$0x0], $0xffff;
	[tilespmem:v41+s11+$0x0] =	vst.idx.msk $0xffff, v50;
	v54 =	vmul.f32 v28, v21  }
0x4b3: {  	v55 =	vor.u32 $0x3F, v12;
	v16 =	vld.idx.msk [tilespmem:v44+s10+$0x0], $0xffff;
	[tilespmem:v45+s11+$0x0] =	vst.idx.msk $0xffff, v53;
	v56 =	vmul.f32 v46, v20  }
0x4b4: {  	v57 =	vor.u32 $0x3F, v10;
	v2 =	vmul.f32 v4, v2;
	v58 =	vld.idx.msk [tilespmem:v48+s10+$0x0], $0xffff;
	[tilespmem:v49+s11+$0x0] =	vst.idx.msk $0xffff, v54  }
0x4b5: {  	v59 =	vor.u32 $0x3F, v17;
	v1 =	vmul.f32 v5, v1;
	[tilespmem:v51+s11+$0x0] =	vst.idx.msk $0xffff, v56;
	v60 =	vld.idx.msk [tilespmem:v24+s10+$0x0], $0xffff  }
0x4b6: {  	v61 =	vor.u32 $0x3F, v18;
	[tilespmem:v52+s11+$0x0] =	vst.idx.msk $0xffff, v2;
	v2 =	vmul.f32 v11, v8;
	v62 =	vld.idx.msk [tilespmem:v22+s10+$0x0], $0xffff  }
0x4b7: {  	[tilespmem:v3+s11+$0x0] =	vst.idx.msk $0xffff, v1;
	v3 =	vor.u32 $0x3F, v26;
	v1 =	vmul.f32 v9, v7  }
0x4b8: {  	v63 =	vor.u32 $0x3F, v19;
	[tilespmem:v55+s11+$0x0] =	vst.idx.msk $0xffff, v2;
	v2 =	vmul.f32 v16, v14  }
0x4b9: {  	[tilespmem:v57+s11+$0x0] =	vst.idx.msk $0xffff, v1;
	v1 =	vmul.f32 v58, v13  }
0x4ba: {  	[tilespmem:v59+s11+$0x0] =	vst.idx.msk $0xffff, v2;
	v2 =	vmul.f32 v60, v21  }
0x4bb: {  	s12 =	sadd.s32 $0x1, s12;
	[tilespmem:v61+s11+$0x0] =	vst.idx.msk $0xffff, v1;
	v1 =	vmul.f32 v62, v20  }
0x4bc: {  	p0 =	sne.s32 s12, s7;
	[tilespmem:v3+s11+$0x0] =	vst.idx.msk $0xffff, v2  }
.Ltmp1:
0x4bd: {  	[tilespmem:v63+s11+$0x0] =	vst.idx.msk $0xffff, v1;
	(pc) =	sbr.rel @p0 .LBB2_1-.Ltmp1, $4  }
0x4be: {  	[hbm4b:s6+s3] =	stream.linear.scatter [tilespmem:s11], [sflag:$0x1], $0x18800, $0x38;
	[tilespmem:$0x19900] =	vst v63  }
0x4bf: {  	_ =	swait.ge [sflag:s8], $0x18800  }
0x4c0: {  	[sflag:s8] =	ssyncset.done $0x0  }
0x4c1: {  	[sflag:s8] =	ssyncadd.s32 $0xFFFE7800  }
0x4c2: {  	_ =	sfence.sel $0x180000  }
0x4c3: {  	[bflag:$0x0] =	sbarrier.arrive $0xFFFF  }
0x4c4: {  	p0 =	sne.s32 s0, $0x0;
	_ =	strace $0x90000047  }
0x4c5: {  	s0 =	sadd.s32 @!p0 $0x100000, s1;
	[bflag:$0x2] =	sbarrier.arrive $0xFFFF  }
0x4c6: {  	[sflag:s0] =	ssyncadd.tile.s32 @!p0 $0x1;
	_ =	shalt  }
.Lfunc_end2:
_tile_overlayer_lowered:
.L_overlay_start_2:
0x4c7: {  	(tag) =	ssettag $0x2  }
0x4c8: {  	s0 =	rddreg [dreg:$0x0];
	s2 =	stileid.u32  }
0x4c9: {  	s1 =	rddreg [dreg:$0x1];
	p0 =	sne.s32 s2, $0x0  }
0x4ca: {  	s3 =	rddreg [dreg:$0x2];
	[bflag:$0x3] =	sbarrier.arrive $0xFFFF;
	s2 =	simm.s32 @!p0 $0x1C01  }
0x4cb: {  	[timem:s3], [sflag:s2] =	dma.local @!p0 [hbm:s0], s1  }
0x4cc: {  	s0 =	simm.s32 @!p0 $0x1  }
0x4cd: {  	_ =	swait.ge @!p0 [sflag:s0], s1  }
0x4ce: {  	s1 =	ssub.s32 @!p0 $0x0, s1;
	[sflag:s0] =	ssyncset.done @!p0 $0x0  }
0x4cf: {  	[sflag:s0] =	ssyncadd.s32 @!p0 s1  }
0x4d0: {  	[bflag:$0x3] =	sbarrier.arrive $0xFFFF  }
0x4d1: {  	_ =	shalt  }

</sc_bundles>
